<compile_context>
chip_gen: v7x
topology: tpu7x:2x2x1
jax: 0.10.2.dev20260603
libtpu: 0.0.44.dev20260713+nightly
codegen_flags: <defaults>
</compile_context>

<pallas_src>
import functools

import jax
import jax.numpy as jnp
import numpy as np
from jax import lax
from jax.experimental import pallas as pl
from jax.experimental.pallas import tpu as pltpu
from jax.experimental.pallas import tpu_sc as plsc

N = 10000
E = 320000
D = 128
G = 64
C = 16

NC = 2
NS = 16
NW = NC * NS
CHUNK = 128
NCHUNKS = E // CHUNK
NCHT = 78
NB = 3
STRIPE = 624
TAIL = N - NS * STRIPE

_BN_SCALE = float(1.0 / np.sqrt(1.0 + 1e-5))


def _sc_segsum_body(h_hbm, src_hbm, dst_hbm, zeros_hbm, out_hbm,
                    si0, si1, si2, di0, di1, di2, rows0, rows1, rows2,
                    acc_sh, isem0, isem1, isem2, gsem, ssem):
    c = lax.axis_index("c")
    s = lax.axis_index("s")
    wid = s * NC + c
    si = (si0, si1, si2)
    di = (di0, di1, di2)
    rows = (rows0, rows1, rows2)

    sbase = pl.multiple_of(s * STRIPE, 8)
    pltpu.sync_copy(zeros_hbm.at[pl.ds(sbase, STRIPE)],
                    acc_sh.at[pl.ds(sbase, STRIPE)])

    @pl.when(s == 0)
    def _():
        pltpu.sync_copy(zeros_hbm.at[pl.ds(NS * STRIPE, TAIL)],
                        acc_sh.at[pl.ds(NS * STRIPE, TAIL)])

    plsc.subcore_barrier()

    isem = (isem0, isem1, isem2)

    def idx_base(j):
        return pl.multiple_of((wid + j * NW) * CHUNK, 8)

    def fire_idx(j, b):
        pltpu.async_copy(src_hbm.at[pl.ds(idx_base(j), CHUNK)], si[b],
                         isem[b])
        pltpu.async_copy(dst_hbm.at[pl.ds(idx_base(j), CHUNK)], di[b],
                         isem[b])

    def wait_idx(j, b):
        pltpu.make_async_copy(src_hbm.at[pl.ds(idx_base(j), CHUNK)], si[b],
                              isem[b]).wait()
        pltpu.make_async_copy(dst_hbm.at[pl.ds(idx_base(j), CHUNK)], di[b],
                              isem[b]).wait()

    def wait_scatter(b):
        pltpu.make_async_copy(rows[b], acc_sh.at[di[b]], ssem).wait()

    def group_work(j0):
        g = []
        for b in range(NB):
            wait_idx(j0 + b, b)
            g.append(pltpu.async_copy(h_hbm.at[si[b]], rows[b], gsem))
        for b in range(NB):
            g[b].wait()
            pltpu.async_copy(rows[b], acc_sh.at[di[b]], ssem, add=True)

    for b in range(NB):
        fire_idx(b, b)
    group_work(0)

    def group(i, carry):
        j0 = i * NB
        for b in range(NB):
            wait_scatter(b)
            fire_idx(j0 + b, b)
        group_work(j0)
        return carry

    lax.fori_loop(1, NCHT // NB, group, 0)
    for b in range(NB):
        wait_scatter(b)

    @pl.when(wid < 4)
    def _():
        base = pl.multiple_of((2496 + wid) * CHUNK, 8)
        pltpu.sync_copy(src_hbm.at[pl.ds(base, CHUNK)], si0)
        pltpu.sync_copy(dst_hbm.at[pl.ds(base, CHUNK)], di0)
        pltpu.async_copy(h_hbm.at[si0], rows0, gsem).wait()
        pltpu.sync_copy(rows0, acc_sh.at[di0], add=True)

    plsc.subcore_barrier()

    pltpu.sync_copy(acc_sh.at[pl.ds(sbase, STRIPE)],
                    out_hbm.at[c, pl.ds(sbase, STRIPE)])

    @pl.when(s == 0)
    def _():
        pltpu.sync_copy(acc_sh.at[pl.ds(NS * STRIPE, TAIL)],
                        out_hbm.at[c, pl.ds(NS * STRIPE, TAIL)])


@functools.cache
def _sc_segsum_kernel():
    return pl.kernel(
        _sc_segsum_body,
        out_type=jax.ShapeDtypeStruct((NC, N, D), jnp.float32),
        mesh=plsc.VectorSubcoreMesh(core_axis_name="c", subcore_axis_name="s",
                                    num_cores=NC, num_subcores=NS),
        scratch_types=(
            [pltpu.VMEM((CHUNK,), jnp.int32)] * 6
            + [pltpu.VMEM((CHUNK, D), jnp.float32)] * 3
            + [
                pltpu.VMEM_SHARED((N, D), jnp.float32),
                pltpu.SemaphoreType.DMA,
                pltpu.SemaphoreType.DMA,
                pltpu.SemaphoreType.DMA,
                pltpu.SemaphoreType.DMA,
                pltpu.SemaphoreType.DMA,
            ]
        ),
    )


def _sc_segsum(h, src, dst, zeros):
    return _sc_segsum_kernel()(h, src, dst, zeros)


def _tc_mlp_body(h_ref, p_ref, eps_ref, w1_ref, b1_ref, w2_ref, b2_ref,
                 g_ref, be_ref, out_ref):
    z = (1.0 + eps_ref[0, 0]) * h_ref[...] + p_ref[0] + p_ref[1]
    a = jnp.maximum(jnp.dot(z, w1_ref[...],
                            preferred_element_type=jnp.float32) + b1_ref[...], 0.0)
    a = jnp.maximum(jnp.dot(a, w2_ref[...],
                            preferred_element_type=jnp.float32) + b2_ref[...], 0.0)
    out_ref[...] = a * (_BN_SCALE * g_ref[...]) + be_ref[...]


_MLP_BLK = 2000


def _tc_mlp(h, parts, eps, w1, b1, w2, b2, g, be):
    grid = (N // _MLP_BLK,)
    full = lambda shape: pl.BlockSpec(shape, lambda i: (0,) * len(shape))
    return pl.pallas_call(
        _tc_mlp_body,
        grid=grid,
        in_specs=[
            pl.BlockSpec((_MLP_BLK, D), lambda i: (i, 0)),
            pl.BlockSpec((NC, _MLP_BLK, D), lambda i: (0, i, 0)),
            full((1, 1)), full((D, D)), full((1, D)), full((D, D)),
            full((1, D)), full((1, D)), full((1, D)),
        ],
        out_specs=pl.BlockSpec((_MLP_BLK, D), lambda i: (i, 0)),
        out_shape=jax.ShapeDtypeStruct((N, D), jnp.float32),
    )(h, parts, eps, w1, b1, w2, b2, g, be)


def _tc_mlp_pool_fc_body(h_ref, p_ref, eps_ref, w1_ref, b1_ref, w2_ref,
                         b2_ref, g_ref, be_ref, batch_ref, fw1_ref, fb1_ref,
                         fw2_ref, fb2_ref, out_ref):
    z = (1.0 + eps_ref[0, 0]) * h_ref[...] + p_ref[0] + p_ref[1]
    a = jnp.maximum(jnp.dot(z, w1_ref[...],
                            preferred_element_type=jnp.float32) + b1_ref[...], 0.0)
    a = jnp.maximum(jnp.dot(a, w2_ref[...],
                            preferred_element_type=jnp.float32) + b2_ref[...], 0.0)
    h = a * (_BN_SCALE * g_ref[...]) + be_ref[...]
    seg = lax.broadcasted_iota(jnp.int32, (G, N), 0)
    onehot_t = (seg == batch_ref[...]).astype(jnp.float32)
    sums = jnp.dot(onehot_t, h, preferred_element_type=jnp.float32)
    cnt = jnp.sum(onehot_t, axis=1, keepdims=True)
    pooled = sums / jnp.maximum(cnt, 1.0)
    a = jnp.maximum(jnp.dot(pooled, fw1_ref[...],
                            preferred_element_type=jnp.float32) + fb1_ref[...],
                    0.0)
    o = jnp.dot(a, fw2_ref[...],
                preferred_element_type=jnp.float32) + fb2_ref[...]
    m = jnp.max(o, axis=-1, keepdims=True)
    lse = jnp.log(jnp.sum(jnp.exp(o - m), axis=-1, keepdims=True)) + m
    out_ref[...] = o - lse


def _tc_mlp_pool_fc(h, parts, eps, w1, b1, w2, b2, g, be, batch2d,
                    fw1, fb1, fw2, fb2):
    return pl.pallas_call(
        _tc_mlp_pool_fc_body,
        out_shape=jax.ShapeDtypeStruct((G, C), jnp.float32),
    )(h, parts, eps, w1, b1, w2, b2, g, be, batch2d, fw1, fb1, fw2, fb2)


def kernel(x, edge_index, batch, eps0, W1_0, b1_0, W2_0, b2_0, g0, be0,
           eps1, W1_1, b1_1, W2_1, b2_1, g1, be1,
           eps2, W1_2, b1_2, W2_2, b2_2, g2, be2,
           fcW1, fcb1, fcW2, fcb2):
    src = edge_index[0]
    dst = edge_index[1]
    zeros = jnp.zeros((N, D), jnp.float32)
    row = lambda v: v.reshape(1, D)

    h = x
    for eps, W1, b1, W2, b2, g, be in (
            (eps0, W1_0, b1_0, W2_0, b2_0, g0, be0),
            (eps1, W1_1, b1_1, W2_1, b2_1, g1, be1)):
        parts = _sc_segsum(h, src, dst, zeros)
        h = _tc_mlp(h, parts, eps.reshape(1, 1), W1, row(b1), W2, row(b2),
                    row(g), row(be))

    parts = _sc_segsum(h, src, dst, zeros)
    return _tc_mlp_pool_fc(h, parts, eps2.reshape(1, 1), W1_2, row(b1_2),
                           W2_2, row(b2_2), row(g2), row(be2),
                           batch.reshape(1, N), fcW1, fcb1.reshape(1, D),
                           fcW2, fcb2.reshape(1, C))

# --- scband reference (transcript-rebuilt; emitter-appended) ---
"""Pipeline reference for scband-gin-60155311948561 (READ-ONLY COPY).

The authoritative reference and input builder live on the scoring server;
editing this copy changes nothing except your own understanding.
"""

import jax, jax.numpy as jnp
import numpy as np

N = 10000
E = 320000
D = 128
H = 128
C = 16
G = 64

def _mlp(h, W1, b1, W2, b2, g, b):
    h = jax.nn.relu(h @ W1 + b1)
    h = jax.nn.relu(h @ W2 + b2)
    # BatchNorm1d in eval mode: running_mean=0, running_var=1
    return (h - 0.0) / jnp.sqrt(1.0 + 1e-5) * g + b

def _gin_conv(x, src, dst, eps, W1, b1, W2, b2, g, b):
    agg = jax.ops.segment_sum(x[src], dst, num_segments=N)
    return _mlp((1.0 + eps) * x + agg, W1, b1, W2, b2, g, b)

def setup_inputs(seed: int = 0):
    key = jax.random.key(seed)
    ks = jax.random.split(key, 16)
    inp = {}
    inp['x'] = jax.random.normal(ks[0], (N, D), jnp.float32)
    inp['edge_index'] = jax.random.randint(ks[1], (2, E), 0, N, jnp.int32)
    inp['batch'] = jnp.sort(jax.random.randint(ks[2], (N,), 0, G, jnp.int32))
    dims = [(D, H), (H, H), (H, H)]
    i = 3
    for l, (din, dh) in enumerate(dims):
        inp['eps%d' % l] = jnp.zeros((), jnp.float32)
        inp['W1_%d' % l] = jax.random.normal(ks[i], (din, dh), jnp.float32) / np.sqrt(din); i += 1
        inp['b1_%d' % l] = jnp.zeros((dh,), jnp.float32)
        inp['W2_%d' % l] = jax.random.normal(ks[i], (dh, dh), jnp.float32) / np.sqrt(dh); i += 1
        inp['b2_%d' % l] = jnp.zeros((dh,), jnp.float32)
        inp['g%d' % l] = jnp.ones((dh,), jnp.float32)
        inp['be%d' % l] = jnp.zeros((dh,), jnp.float32)
    inp['fcW1'] = jax.random.normal(ks[9], (H, H), jnp.float32) / np.sqrt(H)
    inp['fcb1'] = jnp.zeros((H,), jnp.float32)
    inp['fcW2'] = jax.random.normal(ks[10], (H, C), jnp.float32) / np.sqrt(H)
    inp['fcb2'] = jnp.zeros((C,), jnp.float32)
    return inp

def reference(x, edge_index, batch, eps0, W1_0, b1_0, W2_0, b2_0, g0, be0, eps1, W1_1, b1_1, W2_1, b2_1, g1, be1, eps2, W1_2, b1_2, W2_2, b2_2, g2, be2, fcW1, fcb1, fcW2, fcb2):
    src = edge_index[0]
    dst = edge_index[1]
    h = _gin_conv(x, src, dst, eps0, W1_0, b1_0, W2_0, b2_0, g0, be0)
    h = _gin_conv(h, src, dst, eps1, W1_1, b1_1, W2_1, b2_1, g1, be1)
    h = _gin_conv(h, src, dst, eps2, W1_2, b1_2, W2_2, b2_2, g2, be2)
    sums = jax.ops.segment_sum(h, batch, num_segments=G)
    cnt = jax.ops.segment_sum(jnp.ones((N, 1), jnp.float32), batch, num_segments=G)
    pooled = sums / jnp.maximum(cnt, 1.0)
    h = jax.nn.relu(pooled @ fcW1 + fcb1)
    # dropout p=0.5 in eval mode: identity
    out = h @ fcW2 + fcb2
    return jax.nn.log_softmax(out, axis=-1)

if __name__ == "__main__":
    import jax
    _d = setup_inputs()
    print(jax.jit(kernel)(*tuple(_d.values())))

</pallas_src>

<mosaic_0001>
#map = affine_map<(d0, d1) -> (0, 0)>
#map1 = affine_map<(d0, d1) -> (0)>
#map2 = affine_map<(d0, d1) -> (0, 0, 0)>
module attributes {stable_mosaic.version = 14 : i64} {
  func.func @_sc_segsum_body(%arg0: i32, %arg1: i32, %arg2: memref<10000x128xf32, #tpu.memory_space<hbm>>, %arg3: memref<320000xi32, #tpu.memory_space<hbm>>, %arg4: memref<320000xi32, #tpu.memory_space<hbm>>, %arg5: memref<10000x128xf32, #tpu.memory_space<hbm>>, %arg6: memref<2x10000x128xf32, #tpu.memory_space<hbm>>, %arg7: memref<128xi32, #tpu.memory_space<vmem>>, %arg8: memref<128xi32, #tpu.memory_space<vmem>>, %arg9: memref<128xi32, #tpu.memory_space<vmem>>, %arg10: memref<128xi32, #tpu.memory_space<vmem>>, %arg11: memref<128xi32, #tpu.memory_space<vmem>>, %arg12: memref<128xi32, #tpu.memory_space<vmem>>, %arg13: memref<128x128xf32, #tpu.memory_space<vmem>>, %arg14: memref<128x128xf32, #tpu.memory_space<vmem>>, %arg15: memref<128x128xf32, #tpu.memory_space<vmem>>, %arg16: memref<10000x128xf32, #tpu.memory_space<vmem_shared>>, %arg17: memref<!tpu.dma_semaphore, #tpu.memory_space<semaphore_mem>>, %arg18: memref<!tpu.dma_semaphore, #tpu.memory_space<semaphore_mem>>, %arg19: memref<!tpu.dma_semaphore, #tpu.memory_space<semaphore_mem>>, %arg20: memref<!tpu.dma_semaphore, #tpu.memory_space<semaphore_mem>>, %arg21: memref<!tpu.dma_semaphore, #tpu.memory_space<semaphore_mem>>) attributes {dimension_semantics = [#tpu.dimension_semantics<core_parallel>, #tpu.dimension_semantics<subcore_parallel>], iteration_bounds = array<i64: 2, 16>, scalar_prefetch = 0 : i64, scratch_operands = 15 : i64, tpu.core_type = #tpu.core_type<sc_vector_subcore>, window_params = [{transform_indices = #map}, {transform_indices = #map1}, {transform_indices = #map1}, {transform_indices = #map}, {transform_indices = #map2}]} {
    %mul3A = arith.constant 2 : i32
    %mul3A_0 = arith.muli %arg1, %mul3A : i32
    %add3A = arith.addi %mul3A_0, %arg0 : i32
    %mul3A_1 = arith.constant 624 : i32
    %mul3A_2 = arith.muli %arg1, %mul3A_1 : i32
    %multiple_of3A = tpu.assume_multiple %mul3A_2, 8 : i32
    "tpu.region"() ({
      %run_scoped3A = tpu.sem_alloc : memref<!tpu.dma_semaphore, #tpu.memory_space<semaphore_mem>>
      %dma_start3A_138 = arith.constant 0 : i32
      %dma_start3A_139 = tpu.memref_slice %arg16[%multiple_of3A, %dma_start3A_138] : memref<10000x128xf32, #tpu.memory_space<vmem_shared>> -> memref<624x128xf32, #tpu.memory_space<vmem_shared>>
      %dma_start3A_140 = arith.constant 0 : i32
      %dma_start3A_141 = tpu.memref_slice %arg5[%multiple_of3A, %dma_start3A_140] : memref<10000x128xf32, #tpu.memory_space<hbm>> -> memref<624x128xf32, #tpu.memory_space<hbm>>
      tpu.enqueue_dma source(%dma_start3A_141 : memref<624x128xf32, #tpu.memory_space<hbm>>) target(%dma_start3A_139 : memref<624x128xf32, #tpu.memory_space<vmem_shared>>) target_semaphore(%run_scoped3A : memref<!tpu.dma_semaphore, #tpu.memory_space<semaphore_mem>>)
      %dma_wait3A_142 = arith.constant 0 : i32
      %dma_wait3A_143 = tpu.memref_slice %arg16[%multiple_of3A, %dma_wait3A_142] : memref<10000x128xf32, #tpu.memory_space<vmem_shared>> -> memref<624x128xf32, #tpu.memory_space<vmem_shared>>
      %dma_wait3A_144 = arith.constant 0 : i32
      %dma_wait3A_145 = tpu.memref_slice %arg5[%multiple_of3A, %dma_wait3A_144] : memref<10000x128xf32, #tpu.memory_space<hbm>> -> memref<624x128xf32, #tpu.memory_space<hbm>>
      tpu.wait_dma2 semaphore(%run_scoped3A : memref<!tpu.dma_semaphore, #tpu.memory_space<semaphore_mem>>) src(%dma_wait3A_145 : memref<624x128xf32, #tpu.memory_space<hbm>>) dst(%dma_wait3A_143 : memref<624x128xf32, #tpu.memory_space<vmem_shared>>)
      tpu.yield
    }) : () -> ()
    %eq3A = arith.constant 0 : i32
    %eq3A_3 = arith.cmpi eq, %arg1, %eq3A : i32
    %convert_element_type3A = arith.extui %eq3A_3 : i1 to i32
    %cond3A = arith.constant 0 : i32
    %cond3A_4 = arith.cmpi ne, %convert_element_type3A, %cond3A : i32
    scf.if %cond3A_4 {
      "tpu.region"() ({
        %run_scoped3A = tpu.sem_alloc : memref<!tpu.dma_semaphore, #tpu.memory_space<semaphore_mem>>
        %dma_start3A_138 = arith.constant 9984 : i32
        %dma_start3A_139 = arith.constant 0 : i32
        %dma_start3A_140 = tpu.memref_slice %arg16[%dma_start3A_138, %dma_start3A_139] : memref<10000x128xf32, #tpu.memory_space<vmem_shared>> -> memref<16x128xf32, #tpu.memory_space<vmem_shared>>
        %dma_start3A_141 = arith.constant 9984 : i32
        %dma_start3A_142 = arith.constant 0 : i32
        %dma_start3A_143 = tpu.memref_slice %arg5[%dma_start3A_141, %dma_start3A_142] : memref<10000x128xf32, #tpu.memory_space<hbm>> -> memref<16x128xf32, #tpu.memory_space<hbm>>
        tpu.enqueue_dma source(%dma_start3A_143 : memref<16x128xf32, #tpu.memory_space<hbm>>) target(%dma_start3A_140 : memref<16x128xf32, #tpu.memory_space<vmem_shared>>) target_semaphore(%run_scoped3A : memref<!tpu.dma_semaphore, #tpu.memory_space<semaphore_mem>>)
        %dma_wait3A_144 = arith.constant 9984 : i32
        %dma_wait3A_145 = arith.constant 0 : i32
        %dma_wait3A_146 = tpu.memref_slice %arg16[%dma_wait3A_144, %dma_wait3A_145] : memref<10000x128xf32, #tpu.memory_space<vmem_shared>> -> memref<16x128xf32, #tpu.memory_space<vmem_shared>>
        %dma_wait3A_147 = arith.constant 9984 : i32
        %dma_wait3A_148 = arith.constant 0 : i32
        %dma_wait3A_149 = tpu.memref_slice %arg5[%dma_wait3A_147, %dma_wait3A_148] : memref<10000x128xf32, #tpu.memory_space<hbm>> -> memref<16x128xf32, #tpu.memory_space<hbm>>
        tpu.wait_dma2 semaphore(%run_scoped3A : memref<!tpu.dma_semaphore, #tpu.memory_space<semaphore_mem>>) src(%dma_wait3A_149 : memref<16x128xf32, #tpu.memory_space<hbm>>) dst(%dma_wait3A_146 : memref<16x128xf32, #tpu.memory_space<vmem_shared>>)
        tpu.yield
      }) : () -> ()
    } else {
    }
    %barrier3A = arith.constant 0 : index
    tpu.barrier barrier_id(%barrier3A)
    %add3A_5 = arith.constant 0 : i32
    %add3A_6 = arith.addi %add3A, %add3A_5 : i32
    %mul3A_7 = arith.constant 128 : i32
    %mul3A_8 = arith.muli %add3A_6, %mul3A_7 : i32
    %multiple_of3A_9 = tpu.assume_multiple %mul3A_8, 8 : i32
    %dma_start3A = tpu.memref_slice %arg3[%multiple_of3A_9] : memref<320000xi32, #tpu.memory_space<hbm>> -> memref<128xi32, #tpu.memory_space<hbm>>
    %dma_start3A_10 = tpu.memref_slice %arg3[%multiple_of3A_9] : memref<320000xi32, #tpu.memory_space<hbm>> -> memref<128xi32, #tpu.memory_space<hbm>>
    tpu.enqueue_dma source(%dma_start3A_10 : memref<128xi32, #tpu.memory_space<hbm>>) target(%arg7 : memref<128xi32, #tpu.memory_space<vmem>>) target_semaphore(%arg17 : memref<!tpu.dma_semaphore, #tpu.memory_space<semaphore_mem>>)
    %add3A_11 = arith.constant 0 : i32
    %add3A_12 = arith.addi %add3A, %add3A_11 : i32
    %mul3A_13 = arith.constant 128 : i32
    %mul3A_14 = arith.muli %add3A_12, %mul3A_13 : i32
    %multiple_of3A_15 = tpu.assume_multiple %mul3A_14, 8 : i32
    %dma_start3A_16 = tpu.memref_slice %arg4[%multiple_of3A_15] : memref<320000xi32, #tpu.memory_space<hbm>> -> memref<128xi32, #tpu.memory_space<hbm>>
    %dma_start3A_17 = tpu.memref_slice %arg4[%multiple_of3A_15] : memref<320000xi32, #tpu.memory_space<hbm>> -> memref<128xi32, #tpu.memory_space<hbm>>
    tpu.enqueue_dma source(%dma_start3A_17 : memref<128xi32, #tpu.memory_space<hbm>>) target(%arg10 : memref<128xi32, #tpu.memory_space<vmem>>) target_semaphore(%arg17 : memref<!tpu.dma_semaphore, #tpu.memory_space<semaphore_mem>>)
    %add3A_18 = arith.constant 32 : i32
    %add3A_19 = arith.addi %add3A, %add3A_18 : i32
    %mul3A_20 = arith.constant 128 : i32
    %mul3A_21 = arith.muli %add3A_19, %mul3A_20 : i32
    %multiple_of3A_22 = tpu.assume_multiple %mul3A_21, 8 : i32
    %dma_start3A_23 = tpu.memref_slice %arg3[%multiple_of3A_22] : memref<320000xi32, #tpu.memory_space<hbm>> -> memref<128xi32, #tpu.memory_space<hbm>>
    %dma_start3A_24 = tpu.memref_slice %arg3[%multiple_of3A_22] : memref<320000xi32, #tpu.memory_space<hbm>> -> memref<128xi32, #tpu.memory_space<hbm>>
    tpu.enqueue_dma source(%dma_start3A_24 : memref<128xi32, #tpu.memory_space<hbm>>) target(%arg8 : memref<128xi32, #tpu.memory_space<vmem>>) target_semaphore(%arg18 : memref<!tpu.dma_semaphore, #tpu.memory_space<semaphore_mem>>)
    %add3A_25 = arith.constant 32 : i32
    %add3A_26 = arith.addi %add3A, %add3A_25 : i32
    %mul3A_27 = arith.constant 128 : i32
    %mul3A_28 = arith.muli %add3A_26, %mul3A_27 : i32
    %multiple_of3A_29 = tpu.assume_multiple %mul3A_28, 8 : i32
    %dma_start3A_30 = tpu.memref_slice %arg4[%multiple_of3A_29] : memref<320000xi32, #tpu.memory_space<hbm>> -> memref<128xi32, #tpu.memory_space<hbm>>
    %dma_start3A_31 = tpu.memref_slice %arg4[%multiple_of3A_29] : memref<320000xi32, #tpu.memory_space<hbm>> -> memref<128xi32, #tpu.memory_space<hbm>>
    tpu.enqueue_dma source(%dma_start3A_31 : memref<128xi32, #tpu.memory_space<hbm>>) target(%arg11 : memref<128xi32, #tpu.memory_space<vmem>>) target_semaphore(%arg18 : memref<!tpu.dma_semaphore, #tpu.memory_space<semaphore_mem>>)
    %add3A_32 = arith.constant 64 : i32
    %add3A_33 = arith.addi %add3A, %add3A_32 : i32
    %mul3A_34 = arith.constant 128 : i32
    %mul3A_35 = arith.muli %add3A_33, %mul3A_34 : i32
    %multiple_of3A_36 = tpu.assume_multiple %mul3A_35, 8 : i32
    %dma_start3A_37 = tpu.memref_slice %arg3[%multiple_of3A_36] : memref<320000xi32, #tpu.memory_space<hbm>> -> memref<128xi32, #tpu.memory_space<hbm>>
    %dma_start3A_38 = tpu.memref_slice %arg3[%multiple_of3A_36] : memref<320000xi32, #tpu.memory_space<hbm>> -> memref<128xi32, #tpu.memory_space<hbm>>
    tpu.enqueue_dma source(%dma_start3A_38 : memref<128xi32, #tpu.memory_space<hbm>>) target(%arg9 : memref<128xi32, #tpu.memory_space<vmem>>) target_semaphore(%arg19 : memref<!tpu.dma_semaphore, #tpu.memory_space<semaphore_mem>>)
    %add3A_39 = arith.constant 64 : i32
    %add3A_40 = arith.addi %add3A, %add3A_39 : i32
    %mul3A_41 = arith.constant 128 : i32
    %mul3A_42 = arith.muli %add3A_40, %mul3A_41 : i32
    %multiple_of3A_43 = tpu.assume_multiple %mul3A_42, 8 : i32
    %dma_start3A_44 = tpu.memref_slice %arg4[%multiple_of3A_43] : memref<320000xi32, #tpu.memory_space<hbm>> -> memref<128xi32, #tpu.memory_space<hbm>>
    %dma_start3A_45 = tpu.memref_slice %arg4[%multiple_of3A_43] : memref<320000xi32, #tpu.memory_space<hbm>> -> memref<128xi32, #tpu.memory_space<hbm>>
    tpu.enqueue_dma source(%dma_start3A_45 : memref<128xi32, #tpu.memory_space<hbm>>) target(%arg12 : memref<128xi32, #tpu.memory_space<vmem>>) target_semaphore(%arg19 : memref<!tpu.dma_semaphore, #tpu.memory_space<semaphore_mem>>)
    %add3A_46 = arith.constant 0 : i32
    %add3A_47 = arith.addi %add3A, %add3A_46 : i32
    %mul3A_48 = arith.constant 128 : i32
    %mul3A_49 = arith.muli %add3A_47, %mul3A_48 : i32
    %multiple_of3A_50 = tpu.assume_multiple %mul3A_49, 8 : i32
    %dma_wait3A = tpu.memref_slice %arg3[%multiple_of3A_50] : memref<320000xi32, #tpu.memory_space<hbm>> -> memref<128xi32, #tpu.memory_space<hbm>>
    %dma_wait3A_51 = tpu.memref_slice %arg3[%multiple_of3A_50] : memref<320000xi32, #tpu.memory_space<hbm>> -> memref<128xi32, #tpu.memory_space<hbm>>
    tpu.wait_dma2 semaphore(%arg17 : memref<!tpu.dma_semaphore, #tpu.memory_space<semaphore_mem>>) src(%dma_wait3A_51 : memref<128xi32, #tpu.memory_space<hbm>>) dst(%arg7 : memref<128xi32, #tpu.memory_space<vmem>>)
    %add3A_52 = arith.constant 0 : i32
    %add3A_53 = arith.addi %add3A, %add3A_52 : i32
    %mul3A_54 = arith.constant 128 : i32
    %mul3A_55 = arith.muli %add3A_53, %mul3A_54 : i32
    %multiple_of3A_56 = tpu.assume_multiple %mul3A_55, 8 : i32
    %dma_wait3A_57 = tpu.memref_slice %arg4[%multiple_of3A_56] : memref<320000xi32, #tpu.memory_space<hbm>> -> memref<128xi32, #tpu.memory_space<hbm>>
    %dma_wait3A_58 = tpu.memref_slice %arg4[%multiple_of3A_56] : memref<320000xi32, #tpu.memory_space<hbm>> -> memref<128xi32, #tpu.memory_space<hbm>>
    tpu.wait_dma2 semaphore(%arg17 : memref<!tpu.dma_semaphore, #tpu.memory_space<semaphore_mem>>) src(%dma_wait3A_58 : memref<128xi32, #tpu.memory_space<hbm>>) dst(%arg10 : memref<128xi32, #tpu.memory_space<vmem>>)
    %dma_start3A_59 = arith.constant 0 : i32
    %dma_start3A_60 = arith.constant 0 : i32
    %dma_start3A_61 = tpu.memref_slice %arg2[%dma_start3A_59, %dma_start3A_60] : memref<10000x128xf32, #tpu.memory_space<hbm>> -> memref<10000x128xf32, #tpu.memory_space<hbm>>
    tpu.enqueue_indirect_dma source(%dma_start3A_61 : memref<10000x128xf32, #tpu.memory_space<hbm>>) target(%arg13 : memref<128x128xf32, #tpu.memory_space<vmem>>) offsets(%arg7 : memref<128xi32, #tpu.memory_space<vmem>>) semaphore(%arg20 : memref<!tpu.dma_semaphore, #tpu.memory_space<semaphore_mem>>)
    %add3A_62 = arith.constant 32 : i32
    %add3A_63 = arith.addi %add3A, %add3A_62 : i32
    %mul3A_64 = arith.constant 128 : i32
    %mul3A_65 = arith.muli %add3A_63, %mul3A_64 : i32
    %multiple_of3A_66 = tpu.assume_multiple %mul3A_65, 8 : i32
    %dma_wait3A_67 = tpu.memref_slice %arg3[%multiple_of3A_66] : memref<320000xi32, #tpu.memory_space<hbm>> -> memref<128xi32, #tpu.memory_space<hbm>>
    %dma_wait3A_68 = tpu.memref_slice %arg3[%multiple_of3A_66] : memref<320000xi32, #tpu.memory_space<hbm>> -> memref<128xi32, #tpu.memory_space<hbm>>
    tpu.wait_dma2 semaphore(%arg18 : memref<!tpu.dma_semaphore, #tpu.memory_space<semaphore_mem>>) src(%dma_wait3A_68 : memref<128xi32, #tpu.memory_space<hbm>>) dst(%arg8 : memref<128xi32, #tpu.memory_space<vmem>>)
    %add3A_69 = arith.constant 32 : i32
    %add3A_70 = arith.addi %add3A, %add3A_69 : i32
    %mul3A_71 = arith.constant 128 : i32
    %mul3A_72 = arith.muli %add3A_70, %mul3A_71 : i32
    %multiple_of3A_73 = tpu.assume_multiple %mul3A_72, 8 : i32
    %dma_wait3A_74 = tpu.memref_slice %arg4[%multiple_of3A_73] : memref<320000xi32, #tpu.memory_space<hbm>> -> memref<128xi32, #tpu.memory_space<hbm>>
    %dma_wait3A_75 = tpu.memref_slice %arg4[%multiple_of3A_73] : memref<320000xi32, #tpu.memory_space<hbm>> -> memref<128xi32, #tpu.memory_space<hbm>>
    tpu.wait_dma2 semaphore(%arg18 : memref<!tpu.dma_semaphore, #tpu.memory_space<semaphore_mem>>) src(%dma_wait3A_75 : memref<128xi32, #tpu.memory_space<hbm>>) dst(%arg11 : memref<128xi32, #tpu.memory_space<vmem>>)
    %dma_start3A_76 = arith.constant 0 : i32
    %dma_start3A_77 = arith.constant 0 : i32
    %dma_start3A_78 = tpu.memref_slice %arg2[%dma_start3A_76, %dma_start3A_77] : memref<10000x128xf32, #tpu.memory_space<hbm>> -> memref<10000x128xf32, #tpu.memory_space<hbm>>
    tpu.enqueue_indirect_dma source(%dma_start3A_78 : memref<10000x128xf32, #tpu.memory_space<hbm>>) target(%arg14 : memref<128x128xf32, #tpu.memory_space<vmem>>) offsets(%arg8 : memref<128xi32, #tpu.memory_space<vmem>>) semaphore(%arg20 : memref<!tpu.dma_semaphore, #tpu.memory_space<semaphore_mem>>)
    %add3A_79 = arith.constant 64 : i32
    %add3A_80 = arith.addi %add3A, %add3A_79 : i32
    %mul3A_81 = arith.constant 128 : i32
    %mul3A_82 = arith.muli %add3A_80, %mul3A_81 : i32
    %multiple_of3A_83 = tpu.assume_multiple %mul3A_82, 8 : i32
    %dma_wait3A_84 = tpu.memref_slice %arg3[%multiple_of3A_83] : memref<320000xi32, #tpu.memory_space<hbm>> -> memref<128xi32, #tpu.memory_space<hbm>>
    %dma_wait3A_85 = tpu.memref_slice %arg3[%multiple_of3A_83] : memref<320000xi32, #tpu.memory_space<hbm>> -> memref<128xi32, #tpu.memory_space<hbm>>
    tpu.wait_dma2 semaphore(%arg19 : memref<!tpu.dma_semaphore, #tpu.memory_space<semaphore_mem>>) src(%dma_wait3A_85 : memref<128xi32, #tpu.memory_space<hbm>>) dst(%arg9 : memref<128xi32, #tpu.memory_space<vmem>>)
    %add3A_86 = arith.constant 64 : i32
    %add3A_87 = arith.addi %add3A, %add3A_86 : i32
    %mul3A_88 = arith.constant 128 : i32
    %mul3A_89 = arith.muli %add3A_87, %mul3A_88 : i32
    %multiple_of3A_90 = tpu.assume_multiple %mul3A_89, 8 : i32
    %dma_wait3A_91 = tpu.memref_slice %arg4[%multiple_of3A_90] : memref<320000xi32, #tpu.memory_space<hbm>> -> memref<128xi32, #tpu.memory_space<hbm>>
    %dma_wait3A_92 = tpu.memref_slice %arg4[%multiple_of3A_90] : memref<320000xi32, #tpu.memory_space<hbm>> -> memref<128xi32, #tpu.memory_space<hbm>>
    tpu.wait_dma2 semaphore(%arg19 : memref<!tpu.dma_semaphore, #tpu.memory_space<semaphore_mem>>) src(%dma_wait3A_92 : memref<128xi32, #tpu.memory_space<hbm>>) dst(%arg12 : memref<128xi32, #tpu.memory_space<vmem>>)
    %dma_start3A_93 = arith.constant 0 : i32
    %dma_start3A_94 = arith.constant 0 : i32
    %dma_start3A_95 = tpu.memref_slice %arg2[%dma_start3A_93, %dma_start3A_94] : memref<10000x128xf32, #tpu.memory_space<hbm>> -> memref<10000x128xf32, #tpu.memory_space<hbm>>
    tpu.enqueue_indirect_dma source(%dma_start3A_95 : memref<10000x128xf32, #tpu.memory_space<hbm>>) target(%arg15 : memref<128x128xf32, #tpu.memory_space<vmem>>) offsets(%arg9 : memref<128xi32, #tpu.memory_space<vmem>>) semaphore(%arg20 : memref<!tpu.dma_semaphore, #tpu.memory_space<semaphore_mem>>)
    %dma_wait3A_96 = arith.constant 0 : i32
    %dma_wait3A_97 = arith.constant 0 : i32
    %dma_wait3A_98 = tpu.memref_slice %arg2[%dma_wait3A_96, %dma_wait3A_97] : memref<10000x128xf32, #tpu.memory_space<hbm>> -> memref<10000x128xf32, #tpu.memory_space<hbm>>
    tpu.wait_indirect_dma semaphore(%arg20 : memref<!tpu.dma_semaphore, #tpu.memory_space<semaphore_mem>>) src(%dma_wait3A_98 : memref<10000x128xf32, #tpu.memory_space<hbm>>) dst(%arg13 : memref<128x128xf32, #tpu.memory_space<vmem>>)
    %dma_start3A_99 = arith.constant 0 : i32
    %dma_start3A_100 = arith.constant 0 : i32
    %dma_start3A_101 = tpu.memref_slice %arg16[%dma_start3A_99, %dma_start3A_100] : memref<10000x128xf32, #tpu.memory_space<vmem_shared>> -> memref<10000x128xf32, #tpu.memory_space<vmem_shared>>
    tpu.enqueue_indirect_dma source(%arg13 : memref<128x128xf32, #tpu.memory_space<vmem>>) target(%dma_start3A_101 : memref<10000x128xf32, #tpu.memory_space<vmem_shared>>) offsets(%arg10 : memref<128xi32, #tpu.memory_space<vmem>>) semaphore(%arg21 : memref<!tpu.dma_semaphore, #tpu.memory_space<semaphore_mem>>) {add = true}
    %dma_wait3A_102 = arith.constant 0 : i32
    %dma_wait3A_103 = arith.constant 0 : i32
    %dma_wait3A_104 = tpu.memref_slice %arg2[%dma_wait3A_102, %dma_wait3A_103] : memref<10000x128xf32, #tpu.memory_space<hbm>> -> memref<10000x128xf32, #tpu.memory_space<hbm>>
    tpu.wait_indirect_dma semaphore(%arg20 : memref<!tpu.dma_semaphore, #tpu.memory_space<semaphore_mem>>) src(%dma_wait3A_104 : memref<10000x128xf32, #tpu.memory_space<hbm>>) dst(%arg14 : memref<128x128xf32, #tpu.memory_space<vmem>>)
    %dma_start3A_105 = arith.constant 0 : i32
    %dma_start3A_106 = arith.constant 0 : i32
    %dma_start3A_107 = tpu.memref_slice %arg16[%dma_start3A_105, %dma_start3A_106] : memref<10000x128xf32, #tpu.memory_space<vmem_shared>> -> memref<10000x128xf32, #tpu.memory_space<vmem_shared>>
    tpu.enqueue_indirect_dma source(%arg14 : memref<128x128xf32, #tpu.memory_space<vmem>>) target(%dma_start3A_107 : memref<10000x128xf32, #tpu.memory_space<vmem_shared>>) offsets(%arg11 : memref<128xi32, #tpu.memory_space<vmem>>) semaphore(%arg21 : memref<!tpu.dma_semaphore, #tpu.memory_space<semaphore_mem>>) {add = true}
    %dma_wait3A_108 = arith.constant 0 : i32
    %dma_wait3A_109 = arith.constant 0 : i32
    %dma_wait3A_110 = tpu.memref_slice %arg2[%dma_wait3A_108, %dma_wait3A_109] : memref<10000x128xf32, #tpu.memory_space<hbm>> -> memref<10000x128xf32, #tpu.memory_space<hbm>>
    tpu.wait_indirect_dma semaphore(%arg20 : memref<!tpu.dma_semaphore, #tpu.memory_space<semaphore_mem>>) src(%dma_wait3A_110 : memref<10000x128xf32, #tpu.memory_space<hbm>>) dst(%arg15 : memref<128x128xf32, #tpu.memory_space<vmem>>)
    %dma_start3A_111 = arith.constant 0 : i32
    %dma_start3A_112 = arith.constant 0 : i32
    %dma_start3A_113 = tpu.memref_slice %arg16[%dma_start3A_111, %dma_start3A_112] : memref<10000x128xf32, #tpu.memory_space<vmem_shared>> -> memref<10000x128xf32, #tpu.memory_space<vmem_shared>>
    tpu.enqueue_indirect_dma source(%arg15 : memref<128x128xf32, #tpu.memory_space<vmem>>) target(%dma_start3A_113 : memref<10000x128xf32, #tpu.memory_space<vmem_shared>>) offsets(%arg12 : memref<128xi32, #tpu.memory_space<vmem>>) semaphore(%arg21 : memref<!tpu.dma_semaphore, #tpu.memory_space<semaphore_mem>>) {add = true}
    %scan3A = arith.constant 0 : i32
    %scan3A_114 = arith.constant 1 : i32
    %scan3A_115 = arith.constant 25 : i32
    %scan3A_116 = arith.addi %scan3A_114, %scan3A_115 : i32
    %scan3A_117 = arith.constant 1 : i32
    scf.for %scan3A_138 = %scan3A_114 to %scan3A_116 step %scan3A_117  : i32 {
      %mul3A_139 = arith.constant 3 : i32
      %mul3A_140 = arith.muli %scan3A_138, %mul3A_139 : i32
      %dma_wait3A_141 = arith.constant 0 : i32
      %dma_wait3A_142 = arith.constant 0 : i32
      %dma_wait3A_143 = tpu.memref_slice %arg16[%dma_wait3A_141, %dma_wait3A_142] : memref<10000x128xf32, #tpu.memory_space<vmem_shared>> -> memref<10000x128xf32, #tpu.memory_space<vmem_shared>>
      tpu.wait_indirect_dma semaphore(%arg21 : memref<!tpu.dma_semaphore, #tpu.memory_space<semaphore_mem>>) src(%arg13 : memref<128x128xf32, #tpu.memory_space<vmem>>) dst(%dma_wait3A_143 : memref<10000x128xf32, #tpu.memory_space<vmem_shared>>)
      %add3A_144 = arith.constant 0 : i32
      %add3A_145 = arith.addi %mul3A_140, %add3A_144 : i32
      %mul3A_146 = arith.constant 32 : i32
      %mul3A_147 = arith.muli %add3A_145, %mul3A_146 : i32
      %add3A_148 = arith.addi %add3A, %mul3A_147 : i32
      %mul3A_149 = arith.constant 128 : i32
      %mul3A_150 = arith.muli %add3A_148, %mul3A_149 : i32
      %multiple_of3A_151 = tpu.assume_multiple %mul3A_150, 8 : i32
      %dma_start3A_152 = tpu.memref_slice %arg3[%multiple_of3A_151] : memref<320000xi32, #tpu.memory_space<hbm>> -> memref<128xi32, #tpu.memory_space<hbm>>
      %dma_start3A_153 = tpu.memref_slice %arg3[%multiple_of3A_151] : memref<320000xi32, #tpu.memory_space<hbm>> -> memref<128xi32, #tpu.memory_space<hbm>>
      tpu.enqueue_dma source(%dma_start3A_153 : memref<128xi32, #tpu.memory_space<hbm>>) target(%arg7 : memref<128xi32, #tpu.memory_space<vmem>>) target_semaphore(%arg17 : memref<!tpu.dma_semaphore, #tpu.memory_space<semaphore_mem>>)
      %mul3A_154 = arith.constant 32 : i32
      %mul3A_155 = arith.muli %add3A_145, %mul3A_154 : i32
      %add3A_156 = arith.addi %add3A, %mul3A_155 : i32
      %mul3A_157 = arith.constant 128 : i32
      %mul3A_158 = arith.muli %add3A_156, %mul3A_157 : i32
      %multiple_of3A_159 = tpu.assume_multiple %mul3A_158, 8 : i32
      %dma_start3A_160 = tpu.memref_slice %arg4[%multiple_of3A_159] : memref<320000xi32, #tpu.memory_space<hbm>> -> memref<128xi32, #tpu.memory_space<hbm>>
      %dma_start3A_161 = tpu.memref_slice %arg4[%multiple_of3A_159] : memref<320000xi32, #tpu.memory_space<hbm>> -> memref<128xi32, #tpu.memory_space<hbm>>
      tpu.enqueue_dma source(%dma_start3A_161 : memref<128xi32, #tpu.memory_space<hbm>>) target(%arg10 : memref<128xi32, #tpu.memory_space<vmem>>) target_semaphore(%arg17 : memref<!tpu.dma_semaphore, #tpu.memory_space<semaphore_mem>>)
      %dma_wait3A_162 = arith.constant 0 : i32
      %dma_wait3A_163 = arith.constant 0 : i32
      %dma_wait3A_164 = tpu.memref_slice %arg16[%dma_wait3A_162, %dma_wait3A_163] : memref<10000x128xf32, #tpu.memory_space<vmem_shared>> -> memref<10000x128xf32, #tpu.memory_space<vmem_shared>>
      tpu.wait_indirect_dma semaphore(%arg21 : memref<!tpu.dma_semaphore, #tpu.memory_space<semaphore_mem>>) src(%arg14 : memref<128x128xf32, #tpu.memory_space<vmem>>) dst(%dma_wait3A_164 : memref<10000x128xf32, #tpu.memory_space<vmem_shared>>)
      %add3A_165 = arith.constant 1 : i32
      %add3A_166 = arith.addi %mul3A_140, %add3A_165 : i32
      %mul3A_167 = arith.constant 32 : i32
      %mul3A_168 = arith.muli %add3A_166, %mul3A_167 : i32
      %add3A_169 = arith.addi %add3A, %mul3A_168 : i32
      %mul3A_170 = arith.constant 128 : i32
      %mul3A_171 = arith.muli %add3A_169, %mul3A_170 : i32
      %multiple_of3A_172 = tpu.assume_multiple %mul3A_171, 8 : i32
      %dma_start3A_173 = tpu.memref_slice %arg3[%multiple_of3A_172] : memref<320000xi32, #tpu.memory_space<hbm>> -> memref<128xi32, #tpu.memory_space<hbm>>
      %dma_start3A_174 = tpu.memref_slice %arg3[%multiple_of3A_172] : memref<320000xi32, #tpu.memory_space<hbm>> -> memref<128xi32, #tpu.memory_space<hbm>>
      tpu.enqueue_dma source(%dma_start3A_174 : memref<128xi32, #tpu.memory_space<hbm>>) target(%arg8 : memref<128xi32, #tpu.memory_space<vmem>>) target_semaphore(%arg18 : memref<!tpu.dma_semaphore, #tpu.memory_space<semaphore_mem>>)
      %mul3A_175 = arith.constant 32 : i32
      %mul3A_176 = arith.muli %add3A_166, %mul3A_175 : i32
      %add3A_177 = arith.addi %add3A, %mul3A_176 : i32
      %mul3A_178 = arith.constant 128 : i32
      %mul3A_179 = arith.muli %add3A_177, %mul3A_178 : i32
      %multiple_of3A_180 = tpu.assume_multiple %mul3A_179, 8 : i32
      %dma_start3A_181 = tpu.memref_slice %arg4[%multiple_of3A_180] : memref<320000xi32, #tpu.memory_space<hbm>> -> memref<128xi32, #tpu.memory_space<hbm>>
      %dma_start3A_182 = tpu.memref_slice %arg4[%multiple_of3A_180] : memref<320000xi32, #tpu.memory_space<hbm>> -> memref<128xi32, #tpu.memory_space<hbm>>
      tpu.enqueue_dma source(%dma_start3A_182 : memref<128xi32, #tpu.memory_space<hbm>>) target(%arg11 : memref<128xi32, #tpu.memory_space<vmem>>) target_semaphore(%arg18 : memref<!tpu.dma_semaphore, #tpu.memory_space<semaphore_mem>>)
      %dma_wait3A_183 = arith.constant 0 : i32
      %dma_wait3A_184 = arith.constant 0 : i32
      %dma_wait3A_185 = tpu.memref_slice %arg16[%dma_wait3A_183, %dma_wait3A_184] : memref<10000x128xf32, #tpu.memory_space<vmem_shared>> -> memref<10000x128xf32, #tpu.memory_space<vmem_shared>>
      tpu.wait_indirect_dma semaphore(%arg21 : memref<!tpu.dma_semaphore, #tpu.memory_space<semaphore_mem>>) src(%arg15 : memref<128x128xf32, #tpu.memory_space<vmem>>) dst(%dma_wait3A_185 : memref<10000x128xf32, #tpu.memory_space<vmem_shared>>)
      %add3A_186 = arith.constant 2 : i32
      %add3A_187 = arith.addi %mul3A_140, %add3A_186 : i32
      %mul3A_188 = arith.constant 32 : i32
      %mul3A_189 = arith.muli %add3A_187, %mul3A_188 : i32
      %add3A_190 = arith.addi %add3A, %mul3A_189 : i32
      %mul3A_191 = arith.constant 128 : i32
      %mul3A_192 = arith.muli %add3A_190, %mul3A_191 : i32
      %multiple_of3A_193 = tpu.assume_multiple %mul3A_192, 8 : i32
      %dma_start3A_194 = tpu.memref_slice %arg3[%multiple_of3A_193] : memref<320000xi32, #tpu.memory_space<hbm>> -> memref<128xi32, #tpu.memory_space<hbm>>
      %dma_start3A_195 = tpu.memref_slice %arg3[%multiple_of3A_193] : memref<320000xi32, #tpu.memory_space<hbm>> -> memref<128xi32, #tpu.memory_space<hbm>>
      tpu.enqueue_dma source(%dma_start3A_195 : memref<128xi32, #tpu.memory_space<hbm>>) target(%arg9 : memref<128xi32, #tpu.memory_space<vmem>>) target_semaphore(%arg19 : memref<!tpu.dma_semaphore, #tpu.memory_space<semaphore_mem>>)
      %mul3A_196 = arith.constant 32 : i32
      %mul3A_197 = arith.muli %add3A_187, %mul3A_196 : i32
      %add3A_198 = arith.addi %add3A, %mul3A_197 : i32
      %mul3A_199 = arith.constant 128 : i32
      %mul3A_200 = arith.muli %add3A_198, %mul3A_199 : i32
      %multiple_of3A_201 = tpu.assume_multiple %mul3A_200, 8 : i32
      %dma_start3A_202 = tpu.memref_slice %arg4[%multiple_of3A_201] : memref<320000xi32, #tpu.memory_space<hbm>> -> memref<128xi32, #tpu.memory_space<hbm>>
      %dma_start3A_203 = tpu.memref_slice %arg4[%multiple_of3A_201] : memref<320000xi32, #tpu.memory_space<hbm>> -> memref<128xi32, #tpu.memory_space<hbm>>
      tpu.enqueue_dma source(%dma_start3A_203 : memref<128xi32, #tpu.memory_space<hbm>>) target(%arg12 : memref<128xi32, #tpu.memory_space<vmem>>) target_semaphore(%arg19 : memref<!tpu.dma_semaphore, #tpu.memory_space<semaphore_mem>>)
      %add3A_204 = arith.constant 0 : i32
      %add3A_205 = arith.addi %mul3A_140, %add3A_204 : i32
      %mul3A_206 = arith.constant 32 : i32
      %mul3A_207 = arith.muli %add3A_205, %mul3A_206 : i32
      %add3A_208 = arith.addi %add3A, %mul3A_207 : i32
      %mul3A_209 = arith.constant 128 : i32
      %mul3A_210 = arith.muli %add3A_208, %mul3A_209 : i32
      %multiple_of3A_211 = tpu.assume_multiple %mul3A_210, 8 : i32
      %dma_wait3A_212 = tpu.memref_slice %arg3[%multiple_of3A_211] : memref<320000xi32, #tpu.memory_space<hbm>> -> memref<128xi32, #tpu.memory_space<hbm>>
      %dma_wait3A_213 = tpu.memref_slice %arg3[%multiple_of3A_211] : memref<320000xi32, #tpu.memory_space<hbm>> -> memref<128xi32, #tpu.memory_space<hbm>>
      tpu.wait_dma2 semaphore(%arg17 : memref<!tpu.dma_semaphore, #tpu.memory_space<semaphore_mem>>) src(%dma_wait3A_213 : memref<128xi32, #tpu.memory_space<hbm>>) dst(%arg7 : memref<128xi32, #tpu.memory_space<vmem>>)
      %mul3A_214 = arith.constant 32 : i32
      %mul3A_215 = arith.muli %add3A_205, %mul3A_214 : i32
      %add3A_216 = arith.addi %add3A, %mul3A_215 : i32
      %mul3A_217 = arith.constant 128 : i32
      %mul3A_218 = arith.muli %add3A_216, %mul3A_217 : i32
      %multiple_of3A_219 = tpu.assume_multiple %mul3A_218, 8 : i32
      %dma_wait3A_220 = tpu.memref_slice %arg4[%multiple_of3A_219] : memref<320000xi32, #tpu.memory_space<hbm>> -> memref<128xi32, #tpu.memory_space<hbm>>
      %dma_wait3A_221 = tpu.memref_slice %arg4[%multiple_of3A_219] : memref<320000xi32, #tpu.memory_space<hbm>> -> memref<128xi32, #tpu.memory_space<hbm>>
      tpu.wait_dma2 semaphore(%arg17 : memref<!tpu.dma_semaphore, #tpu.memory_space<semaphore_mem>>) src(%dma_wait3A_221 : memref<128xi32, #tpu.memory_space<hbm>>) dst(%arg10 : memref<128xi32, #tpu.memory_space<vmem>>)
      %dma_start3A_222 = arith.constant 0 : i32
      %dma_start3A_223 = arith.constant 0 : i32
      %dma_start3A_224 = tpu.memref_slice %arg2[%dma_start3A_222, %dma_start3A_223] : memref<10000x128xf32, #tpu.memory_space<hbm>> -> memref<10000x128xf32, #tpu.memory_space<hbm>>
      tpu.enqueue_indirect_dma source(%dma_start3A_224 : memref<10000x128xf32, #tpu.memory_space<hbm>>) target(%arg13 : memref<128x128xf32, #tpu.memory_space<vmem>>) offsets(%arg7 : memref<128xi32, #tpu.memory_space<vmem>>) semaphore(%arg20 : memref<!tpu.dma_semaphore, #tpu.memory_space<semaphore_mem>>)
      %add3A_225 = arith.constant 1 : i32
      %add3A_226 = arith.addi %mul3A_140, %add3A_225 : i32
      %mul3A_227 = arith.constant 32 : i32
      %mul3A_228 = arith.muli %add3A_226, %mul3A_227 : i32
      %add3A_229 = arith.addi %add3A, %mul3A_228 : i32
      %mul3A_230 = arith.constant 128 : i32
      %mul3A_231 = arith.muli %add3A_229, %mul3A_230 : i32
      %multiple_of3A_232 = tpu.assume_multiple %mul3A_231, 8 : i32
      %dma_wait3A_233 = tpu.memref_slice %arg3[%multiple_of3A_232] : memref<320000xi32, #tpu.memory_space<hbm>> -> memref<128xi32, #tpu.memory_space<hbm>>
      %dma_wait3A_234 = tpu.memref_slice %arg3[%multiple_of3A_232] : memref<320000xi32, #tpu.memory_space<hbm>> -> memref<128xi32, #tpu.memory_space<hbm>>
      tpu.wait_dma2 semaphore(%arg18 : memref<!tpu.dma_semaphore, #tpu.memory_space<semaphore_mem>>) src(%dma_wait3A_234 : memref<128xi32, #tpu.memory_space<hbm>>) dst(%arg8 : memref<128xi32, #tpu.memory_space<vmem>>)
      %mul3A_235 = arith.constant 32 : i32
      %mul3A_236 = arith.muli %add3A_226, %mul3A_235 : i32
      %add3A_237 = arith.addi %add3A, %mul3A_236 : i32
      %mul3A_238 = arith.constant 128 : i32
      %mul3A_239 = arith.muli %add3A_237, %mul3A_238 : i32
      %multiple_of3A_240 = tpu.assume_multiple %mul3A_239, 8 : i32
      %dma_wait3A_241 = tpu.memref_slice %arg4[%multiple_of3A_240] : memref<320000xi32, #tpu.memory_space<hbm>> -> memref<128xi32, #tpu.memory_space<hbm>>
      %dma_wait3A_242 = tpu.memref_slice %arg4[%multiple_of3A_240] : memref<320000xi32, #tpu.memory_space<hbm>> -> memref<128xi32, #tpu.memory_space<hbm>>
      tpu.wait_dma2 semaphore(%arg18 : memref<!tpu.dma_semaphore, #tpu.memory_space<semaphore_mem>>) src(%dma_wait3A_242 : memref<128xi32, #tpu.memory_space<hbm>>) dst(%arg11 : memref<128xi32, #tpu.memory_space<vmem>>)
      %dma_start3A_243 = arith.constant 0 : i32
      %dma_start3A_244 = arith.constant 0 : i32
      %dma_start3A_245 = tpu.memref_slice %arg2[%dma_start3A_243, %dma_start3A_244] : memref<10000x128xf32, #tpu.memory_space<hbm>> -> memref<10000x128xf32, #tpu.memory_space<hbm>>
      tpu.enqueue_indirect_dma source(%dma_start3A_245 : memref<10000x128xf32, #tpu.memory_space<hbm>>) target(%arg14 : memref<128x128xf32, #tpu.memory_space<vmem>>) offsets(%arg8 : memref<128xi32, #tpu.memory_space<vmem>>) semaphore(%arg20 : memref<!tpu.dma_semaphore, #tpu.memory_space<semaphore_mem>>)
      %add3A_246 = arith.constant 2 : i32
      %add3A_247 = arith.addi %mul3A_140, %add3A_246 : i32
      %mul3A_248 = arith.constant 32 : i32
      %mul3A_249 = arith.muli %add3A_247, %mul3A_248 : i32
      %add3A_250 = arith.addi %add3A, %mul3A_249 : i32
      %mul3A_251 = arith.constant 128 : i32
      %mul3A_252 = arith.muli %add3A_250, %mul3A_251 : i32
      %multiple_of3A_253 = tpu.assume_multiple %mul3A_252, 8 : i32
      %dma_wait3A_254 = tpu.memref_slice %arg3[%multiple_of3A_253] : memref<320000xi32, #tpu.memory_space<hbm>> -> memref<128xi32, #tpu.memory_space<hbm>>
      %dma_wait3A_255 = tpu.memref_slice %arg3[%multiple_of3A_253] : memref<320000xi32, #tpu.memory_space<hbm>> -> memref<128xi32, #tpu.memory_space<hbm>>
      tpu.wait_dma2 semaphore(%arg19 : memref<!tpu.dma_semaphore, #tpu.memory_space<semaphore_mem>>) src(%dma_wait3A_255 : memref<128xi32, #tpu.memory_space<hbm>>) dst(%arg9 : memref<128xi32, #tpu.memory_space<vmem>>)
      %mul3A_256 = arith.constant 32 : i32
      %mul3A_257 = arith.muli %add3A_247, %mul3A_256 : i32
      %add3A_258 = arith.addi %add3A, %mul3A_257 : i32
      %mul3A_259 = arith.constant 128 : i32
      %mul3A_260 = arith.muli %add3A_258, %mul3A_259 : i32
      %multiple_of3A_261 = tpu.assume_multiple %mul3A_260, 8 : i32
      %dma_wait3A_262 = tpu.memref_slice %arg4[%multiple_of3A_261] : memref<320000xi32, #tpu.memory_space<hbm>> -> memref<128xi32, #tpu.memory_space<hbm>>
      %dma_wait3A_263 = tpu.memref_slice %arg4[%multiple_of3A_261] : memref<320000xi32, #tpu.memory_space<hbm>> -> memref<128xi32, #tpu.memory_space<hbm>>
      tpu.wait_dma2 semaphore(%arg19 : memref<!tpu.dma_semaphore, #tpu.memory_space<semaphore_mem>>) src(%dma_wait3A_263 : memref<128xi32, #tpu.memory_space<hbm>>) dst(%arg12 : memref<128xi32, #tpu.memory_space<vmem>>)
      %dma_start3A_264 = arith.constant 0 : i32
      %dma_start3A_265 = arith.constant 0 : i32
      %dma_start3A_266 = tpu.memref_slice %arg2[%dma_start3A_264, %dma_start3A_265] : memref<10000x128xf32, #tpu.memory_space<hbm>> -> memref<10000x128xf32, #tpu.memory_space<hbm>>
      tpu.enqueue_indirect_dma source(%dma_start3A_266 : memref<10000x128xf32, #tpu.memory_space<hbm>>) target(%arg15 : memref<128x128xf32, #tpu.memory_space<vmem>>) offsets(%arg9 : memref<128xi32, #tpu.memory_space<vmem>>) semaphore(%arg20 : memref<!tpu.dma_semaphore, #tpu.memory_space<semaphore_mem>>)
      %dma_wait3A_267 = arith.constant 0 : i32
      %dma_wait3A_268 = arith.constant 0 : i32
      %dma_wait3A_269 = tpu.memref_slice %arg2[%dma_wait3A_267, %dma_wait3A_268] : memref<10000x128xf32, #tpu.memory_space<hbm>> -> memref<10000x128xf32, #tpu.memory_space<hbm>>
      tpu.wait_indirect_dma semaphore(%arg20 : memref<!tpu.dma_semaphore, #tpu.memory_space<semaphore_mem>>) src(%dma_wait3A_269 : memref<10000x128xf32, #tpu.memory_space<hbm>>) dst(%arg13 : memref<128x128xf32, #tpu.memory_space<vmem>>)
      %dma_start3A_270 = arith.constant 0 : i32
      %dma_start3A_271 = arith.constant 0 : i32
      %dma_start3A_272 = tpu.memref_slice %arg16[%dma_start3A_270, %dma_start3A_271] : memref<10000x128xf32, #tpu.memory_space<vmem_shared>> -> memref<10000x128xf32, #tpu.memory_space<vmem_shared>>
      tpu.enqueue_indirect_dma source(%arg13 : memref<128x128xf32, #tpu.memory_space<vmem>>) target(%dma_start3A_272 : memref<10000x128xf32, #tpu.memory_space<vmem_shared>>) offsets(%arg10 : memref<128xi32, #tpu.memory_space<vmem>>) semaphore(%arg21 : memref<!tpu.dma_semaphore, #tpu.memory_space<semaphore_mem>>) {add = true}
      %dma_wait3A_273 = arith.constant 0 : i32
      %dma_wait3A_274 = arith.constant 0 : i32
      %dma_wait3A_275 = tpu.memref_slice %arg2[%dma_wait3A_273, %dma_wait3A_274] : memref<10000x128xf32, #tpu.memory_space<hbm>> -> memref<10000x128xf32, #tpu.memory_space<hbm>>
      tpu.wait_indirect_dma semaphore(%arg20 : memref<!tpu.dma_semaphore, #tpu.memory_space<semaphore_mem>>) src(%dma_wait3A_275 : memref<10000x128xf32, #tpu.memory_space<hbm>>) dst(%arg14 : memref<128x128xf32, #tpu.memory_space<vmem>>)
      %dma_start3A_276 = arith.constant 0 : i32
      %dma_start3A_277 = arith.constant 0 : i32
      %dma_start3A_278 = tpu.memref_slice %arg16[%dma_start3A_276, %dma_start3A_277] : memref<10000x128xf32, #tpu.memory_space<vmem_shared>> -> memref<10000x128xf32, #tpu.memory_space<vmem_shared>>
      tpu.enqueue_indirect_dma source(%arg14 : memref<128x128xf32, #tpu.memory_space<vmem>>) target(%dma_start3A_278 : memref<10000x128xf32, #tpu.memory_space<vmem_shared>>) offsets(%arg11 : memref<128xi32, #tpu.memory_space<vmem>>) semaphore(%arg21 : memref<!tpu.dma_semaphore, #tpu.memory_space<semaphore_mem>>) {add = true}
      %dma_wait3A_279 = arith.constant 0 : i32
      %dma_wait3A_280 = arith.constant 0 : i32
      %dma_wait3A_281 = tpu.memref_slice %arg2[%dma_wait3A_279, %dma_wait3A_280] : memref<10000x128xf32, #tpu.memory_space<hbm>> -> memref<10000x128xf32, #tpu.memory_space<hbm>>
      tpu.wait_indirect_dma semaphore(%arg20 : memref<!tpu.dma_semaphore, #tpu.memory_space<semaphore_mem>>) src(%dma_wait3A_281 : memref<10000x128xf32, #tpu.memory_space<hbm>>) dst(%arg15 : memref<128x128xf32, #tpu.memory_space<vmem>>)
      %dma_start3A_282 = arith.constant 0 : i32
      %dma_start3A_283 = arith.constant 0 : i32
      %dma_start3A_284 = tpu.memref_slice %arg16[%dma_start3A_282, %dma_start3A_283] : memref<10000x128xf32, #tpu.memory_space<vmem_shared>> -> memref<10000x128xf32, #tpu.memory_space<vmem_shared>>
      tpu.enqueue_indirect_dma source(%arg15 : memref<128x128xf32, #tpu.memory_space<vmem>>) target(%dma_start3A_284 : memref<10000x128xf32, #tpu.memory_space<vmem_shared>>) offsets(%arg12 : memref<128xi32, #tpu.memory_space<vmem>>) semaphore(%arg21 : memref<!tpu.dma_semaphore, #tpu.memory_space<semaphore_mem>>) {add = true}
    }
    %scan3A_118 = arith.constant 25 : i32
    %dma_wait3A_119 = arith.constant 0 : i32
    %dma_wait3A_120 = arith.constant 0 : i32
    %dma_wait3A_121 = tpu.memref_slice %arg16[%dma_wait3A_119, %dma_wait3A_120] : memref<10000x128xf32, #tpu.memory_space<vmem_shared>> -> memref<10000x128xf32, #tpu.memory_space<vmem_shared>>
    tpu.wait_indirect_dma semaphore(%arg21 : memref<!tpu.dma_semaphore, #tpu.memory_space<semaphore_mem>>) src(%arg13 : memref<128x128xf32, #tpu.memory_space<vmem>>) dst(%dma_wait3A_121 : memref<10000x128xf32, #tpu.memory_space<vmem_shared>>)
    %dma_wait3A_122 = arith.constant 0 : i32
    %dma_wait3A_123 = arith.constant 0 : i32
    %dma_wait3A_124 = tpu.memref_slice %arg16[%dma_wait3A_122, %dma_wait3A_123] : memref<10000x128xf32, #tpu.memory_space<vmem_shared>> -> memref<10000x128xf32, #tpu.memory_space<vmem_shared>>
    tpu.wait_indirect_dma semaphore(%arg21 : memref<!tpu.dma_semaphore, #tpu.memory_space<semaphore_mem>>) src(%arg14 : memref<128x128xf32, #tpu.memory_space<vmem>>) dst(%dma_wait3A_124 : memref<10000x128xf32, #tpu.memory_space<vmem_shared>>)
    %dma_wait3A_125 = arith.constant 0 : i32
    %dma_wait3A_126 = arith.constant 0 : i32
    %dma_wait3A_127 = tpu.memref_slice %arg16[%dma_wait3A_125, %dma_wait3A_126] : memref<10000x128xf32, #tpu.memory_space<vmem_shared>> -> memref<10000x128xf32, #tpu.memory_space<vmem_shared>>
    tpu.wait_indirect_dma semaphore(%arg21 : memref<!tpu.dma_semaphore, #tpu.memory_space<semaphore_mem>>) src(%arg15 : memref<128x128xf32, #tpu.memory_space<vmem>>) dst(%dma_wait3A_127 : memref<10000x128xf32, #tpu.memory_space<vmem_shared>>)
    %lt3A = arith.constant 4 : i32
    %lt3A_128 = arith.cmpi slt, %add3A, %lt3A : i32
    %convert_element_type3A_129 = arith.extui %lt3A_128 : i1 to i32
    %cond3A_130 = arith.constant 0 : i32
    %cond3A_131 = arith.cmpi ne, %convert_element_type3A_129, %cond3A_130 : i32
    scf.if %cond3A_131 {
      %add3A_138 = arith.constant 2496 : i32
      %add3A_139 = arith.addi %add3A_138, %add3A : i32
      %mul3A_140 = arith.constant 128 : i32
      %mul3A_141 = arith.muli %add3A_139, %mul3A_140 : i32
      %multiple_of3A_142 = tpu.assume_multiple %mul3A_141, 8 : i32
      "tpu.region"() ({
        %run_scoped3A = tpu.sem_alloc : memref<!tpu.dma_semaphore, #tpu.memory_space<semaphore_mem>>
        %dma_start3A_149 = tpu.memref_slice %arg3[%multiple_of3A_142] : memref<320000xi32, #tpu.memory_space<hbm>> -> memref<128xi32, #tpu.memory_space<hbm>>
        %dma_start3A_150 = tpu.memref_slice %arg3[%multiple_of3A_142] : memref<320000xi32, #tpu.memory_space<hbm>> -> memref<128xi32, #tpu.memory_space<hbm>>
        tpu.enqueue_dma source(%dma_start3A_150 : memref<128xi32, #tpu.memory_space<hbm>>) target(%arg7 : memref<128xi32, #tpu.memory_space<vmem>>) target_semaphore(%run_scoped3A : memref<!tpu.dma_semaphore, #tpu.memory_space<semaphore_mem>>)
        %dma_wait3A_151 = tpu.memref_slice %arg3[%multiple_of3A_142] : memref<320000xi32, #tpu.memory_space<hbm>> -> memref<128xi32, #tpu.memory_space<hbm>>
        %dma_wait3A_152 = tpu.memref_slice %arg3[%multiple_of3A_142] : memref<320000xi32, #tpu.memory_space<hbm>> -> memref<128xi32, #tpu.memory_space<hbm>>
        tpu.wait_dma2 semaphore(%run_scoped3A : memref<!tpu.dma_semaphore, #tpu.memory_space<semaphore_mem>>) src(%dma_wait3A_152 : memref<128xi32, #tpu.memory_space<hbm>>) dst(%arg7 : memref<128xi32, #tpu.memory_space<vmem>>)
        tpu.yield
      }) : () -> ()
      "tpu.region"() ({
        %run_scoped3A = tpu.sem_alloc : memref<!tpu.dma_semaphore, #tpu.memory_space<semaphore_mem>>
        %dma_start3A_149 = tpu.memref_slice %arg4[%multiple_of3A_142] : memref<320000xi32, #tpu.memory_space<hbm>> -> memref<128xi32, #tpu.memory_space<hbm>>
        %dma_start3A_150 = tpu.memref_slice %arg4[%multiple_of3A_142] : memref<320000xi32, #tpu.memory_space<hbm>> -> memref<128xi32, #tpu.memory_space<hbm>>
        tpu.enqueue_dma source(%dma_start3A_150 : memref<128xi32, #tpu.memory_space<hbm>>) target(%arg10 : memref<128xi32, #tpu.memory_space<vmem>>) target_semaphore(%run_scoped3A : memref<!tpu.dma_semaphore, #tpu.memory_space<semaphore_mem>>)
        %dma_wait3A_151 = tpu.memref_slice %arg4[%multiple_of3A_142] : memref<320000xi32, #tpu.memory_space<hbm>> -> memref<128xi32, #tpu.memory_space<hbm>>
        %dma_wait3A_152 = tpu.memref_slice %arg4[%multiple_of3A_142] : memref<320000xi32, #tpu.memory_space<hbm>> -> memref<128xi32, #tpu.memory_space<hbm>>
        tpu.wait_dma2 semaphore(%run_scoped3A : memref<!tpu.dma_semaphore, #tpu.memory_space<semaphore_mem>>) src(%dma_wait3A_152 : memref<128xi32, #tpu.memory_space<hbm>>) dst(%arg10 : memref<128xi32, #tpu.memory_space<vmem>>)
        tpu.yield
      }) : () -> ()
      %dma_start3A_143 = arith.constant 0 : i32
      %dma_start3A_144 = arith.constant 0 : i32
      %dma_start3A_145 = tpu.memref_slice %arg2[%dma_start3A_143, %dma_start3A_144] : memref<10000x128xf32, #tpu.memory_space<hbm>> -> memref<10000x128xf32, #tpu.memory_space<hbm>>
      tpu.enqueue_indirect_dma source(%dma_start3A_145 : memref<10000x128xf32, #tpu.memory_space<hbm>>) target(%arg13 : memref<128x128xf32, #tpu.memory_space<vmem>>) offsets(%arg7 : memref<128xi32, #tpu.memory_space<vmem>>) semaphore(%arg20 : memref<!tpu.dma_semaphore, #tpu.memory_space<semaphore_mem>>)
      %dma_wait3A_146 = arith.constant 0 : i32
      %dma_wait3A_147 = arith.constant 0 : i32
      %dma_wait3A_148 = tpu.memref_slice %arg2[%dma_wait3A_146, %dma_wait3A_147] : memref<10000x128xf32, #tpu.memory_space<hbm>> -> memref<10000x128xf32, #tpu.memory_space<hbm>>
      tpu.wait_indirect_dma semaphore(%arg20 : memref<!tpu.dma_semaphore, #tpu.memory_space<semaphore_mem>>) src(%dma_wait3A_148 : memref<10000x128xf32, #tpu.memory_space<hbm>>) dst(%arg13 : memref<128x128xf32, #tpu.memory_space<vmem>>)
      "tpu.region"() ({
        %run_scoped3A = tpu.sem_alloc : memref<!tpu.dma_semaphore, #tpu.memory_space<semaphore_mem>>
        %dma_start3A_149 = arith.constant 0 : i32
        %dma_start3A_150 = arith.constant 0 : i32
        %dma_start3A_151 = tpu.memref_slice %arg16[%dma_start3A_149, %dma_start3A_150] : memref<10000x128xf32, #tpu.memory_space<vmem_shared>> -> memref<10000x128xf32, #tpu.memory_space<vmem_shared>>
        tpu.enqueue_indirect_dma source(%arg13 : memref<128x128xf32, #tpu.memory_space<vmem>>) target(%dma_start3A_151 : memref<10000x128xf32, #tpu.memory_space<vmem_shared>>) offsets(%arg10 : memref<128xi32, #tpu.memory_space<vmem>>) semaphore(%run_scoped3A : memref<!tpu.dma_semaphore, #tpu.memory_space<semaphore_mem>>) {add = true}
        %dma_wait3A_152 = arith.constant 0 : i32
        %dma_wait3A_153 = arith.constant 0 : i32
        %dma_wait3A_154 = tpu.memref_slice %arg16[%dma_wait3A_152, %dma_wait3A_153] : memref<10000x128xf32, #tpu.memory_space<vmem_shared>> -> memref<10000x128xf32, #tpu.memory_space<vmem_shared>>
        tpu.wait_indirect_dma semaphore(%run_scoped3A : memref<!tpu.dma_semaphore, #tpu.memory_space<semaphore_mem>>) src(%arg13 : memref<128x128xf32, #tpu.memory_space<vmem>>) dst(%dma_wait3A_154 : memref<10000x128xf32, #tpu.memory_space<vmem_shared>>)
        tpu.yield
      }) : () -> ()
    } else {
    }
    %barrier3A_132 = arith.constant 0 : index
    tpu.barrier barrier_id(%barrier3A_132)
    "tpu.region"() ({
      %run_scoped3A = tpu.sem_alloc : memref<!tpu.dma_semaphore, #tpu.memory_space<semaphore_mem>>
      %dma_start3A_138 = arith.constant 0 : i32
      %dma_start3A_139 = tpu.memref_slice %arg6[%arg0, %multiple_of3A, %dma_start3A_138] : memref<2x10000x128xf32, #tpu.memory_space<hbm>> -> memref<1x624x128xf32, #tpu.memory_space<hbm>>
      %dma_start3A_140 = tpu.memref_squeeze %dma_start3A_139 : memref<1x624x128xf32, #tpu.memory_space<hbm>> -> memref<624x128xf32, #tpu.memory_space<hbm>>
      %dma_start3A_141 = arith.constant 0 : i32
      %dma_start3A_142 = tpu.memref_slice %arg16[%multiple_of3A, %dma_start3A_141] : memref<10000x128xf32, #tpu.memory_space<vmem_shared>> -> memref<624x128xf32, #tpu.memory_space<vmem_shared>>
      tpu.enqueue_dma source(%dma_start3A_142 : memref<624x128xf32, #tpu.memory_space<vmem_shared>>) target(%dma_start3A_140 : memref<624x128xf32, #tpu.memory_space<hbm>>) target_semaphore(%run_scoped3A : memref<!tpu.dma_semaphore, #tpu.memory_space<semaphore_mem>>)
      %dma_wait3A_143 = arith.constant 0 : i32
      %dma_wait3A_144 = tpu.memref_slice %arg6[%arg0, %multiple_of3A, %dma_wait3A_143] : memref<2x10000x128xf32, #tpu.memory_space<hbm>> -> memref<1x624x128xf32, #tpu.memory_space<hbm>>
      %dma_wait3A_145 = tpu.memref_squeeze %dma_wait3A_144 : memref<1x624x128xf32, #tpu.memory_space<hbm>> -> memref<624x128xf32, #tpu.memory_space<hbm>>
      %dma_wait3A_146 = arith.constant 0 : i32
      %dma_wait3A_147 = tpu.memref_slice %arg16[%multiple_of3A, %dma_wait3A_146] : memref<10000x128xf32, #tpu.memory_space<vmem_shared>> -> memref<624x128xf32, #tpu.memory_space<vmem_shared>>
      tpu.wait_dma2 semaphore(%run_scoped3A : memref<!tpu.dma_semaphore, #tpu.memory_space<semaphore_mem>>) src(%dma_wait3A_147 : memref<624x128xf32, #tpu.memory_space<vmem_shared>>) dst(%dma_wait3A_145 : memref<624x128xf32, #tpu.memory_space<hbm>>)
      tpu.yield
    }) : () -> ()
    %eq3A_133 = arith.constant 0 : i32
    %eq3A_134 = arith.cmpi eq, %arg1, %eq3A_133 : i32
    %convert_element_type3A_135 = arith.extui %eq3A_134 : i1 to i32
    %cond3A_136 = arith.constant 0 : i32
    %cond3A_137 = arith.cmpi ne, %convert_element_type3A_135, %cond3A_136 : i32
    scf.if %cond3A_137 {
      "tpu.region"() ({
        %run_scoped3A = tpu.sem_alloc : memref<!tpu.dma_semaphore, #tpu.memory_space<semaphore_mem>>
        %dma_start3A_138 = arith.constant 9984 : i32
        %dma_start3A_139 = arith.constant 0 : i32
        %dma_start3A_140 = tpu.memref_slice %arg6[%arg0, %dma_start3A_138, %dma_start3A_139] : memref<2x10000x128xf32, #tpu.memory_space<hbm>> -> memref<1x16x128xf32, #tpu.memory_space<hbm>>
        %dma_start3A_141 = tpu.memref_squeeze %dma_start3A_140 : memref<1x16x128xf32, #tpu.memory_space<hbm>> -> memref<16x128xf32, #tpu.memory_space<hbm>>
        %dma_start3A_142 = arith.constant 9984 : i32
        %dma_start3A_143 = arith.constant 0 : i32
        %dma_start3A_144 = tpu.memref_slice %arg16[%dma_start3A_142, %dma_start3A_143] : memref<10000x128xf32, #tpu.memory_space<vmem_shared>> -> memref<16x128xf32, #tpu.memory_space<vmem_shared>>
        tpu.enqueue_dma source(%dma_start3A_144 : memref<16x128xf32, #tpu.memory_space<vmem_shared>>) target(%dma_start3A_141 : memref<16x128xf32, #tpu.memory_space<hbm>>) target_semaphore(%run_scoped3A : memref<!tpu.dma_semaphore, #tpu.memory_space<semaphore_mem>>)
        %dma_wait3A_145 = arith.constant 9984 : i32
        %dma_wait3A_146 = arith.constant 0 : i32
        %dma_wait3A_147 = tpu.memref_slice %arg6[%arg0, %dma_wait3A_145, %dma_wait3A_146] : memref<2x10000x128xf32, #tpu.memory_space<hbm>> -> memref<1x16x128xf32, #tpu.memory_space<hbm>>
        %dma_wait3A_148 = tpu.memref_squeeze %dma_wait3A_147 : memref<1x16x128xf32, #tpu.memory_space<hbm>> -> memref<16x128xf32, #tpu.memory_space<hbm>>
        %dma_wait3A_149 = arith.constant 9984 : i32
        %dma_wait3A_150 = arith.constant 0 : i32
        %dma_wait3A_151 = tpu.memref_slice %arg16[%dma_wait3A_149, %dma_wait3A_150] : memref<10000x128xf32, #tpu.memory_space<vmem_shared>> -> memref<16x128xf32, #tpu.memory_space<vmem_shared>>
        tpu.wait_dma2 semaphore(%run_scoped3A : memref<!tpu.dma_semaphore, #tpu.memory_space<semaphore_mem>>) src(%dma_wait3A_151 : memref<16x128xf32, #tpu.memory_space<vmem_shared>>) dst(%dma_wait3A_148 : memref<16x128xf32, #tpu.memory_space<hbm>>)
        tpu.yield
      }) : () -> ()
    } else {
    }
    return
  }
}

#map = affine_map<(d0, d1) -> (0, 0)>
#map1 = affine_map<(d0, d1) -> (0)>
#map2 = affine_map<(d0, d1) -> (0, 0, 0)>
module attributes {stable_mosaic.version = 14 : i64} {
  func.func @_sc_segsum_body(%arg0: i32, %arg1: i32, %arg2: memref<10000x128xf32, #tpu.memory_space<hbm>>, %arg3: memref<320000xi32, #tpu.memory_space<hbm>>, %arg4: memref<320000xi32, #tpu.memory_space<hbm>>, %arg5: memref<10000x128xf32, #tpu.memory_space<hbm>>, %arg6: memref<2x10000x128xf32, #tpu.memory_space<hbm>>, %arg7: memref<128xi32, #tpu.memory_space<vmem>>, %arg8: memref<128xi32, #tpu.memory_space<vmem>>, %arg9: memref<128xi32, #tpu.memory_space<vmem>>, %arg10: memref<128xi32, #tpu.memory_space<vmem>>, %arg11: memref<128xi32, #tpu.memory_space<vmem>>, %arg12: memref<128xi32, #tpu.memory_space<vmem>>, %arg13: memref<128x128xf32, #tpu.memory_space<vmem>>, %arg14: memref<128x128xf32, #tpu.memory_space<vmem>>, %arg15: memref<128x128xf32, #tpu.memory_space<vmem>>, %arg16: memref<10000x128xf32, #tpu.memory_space<vmem_shared>>, %arg17: memref<!tpu.dma_semaphore, #tpu.memory_space<semaphore_mem>>, %arg18: memref<!tpu.dma_semaphore, #tpu.memory_space<semaphore_mem>>, %arg19: memref<!tpu.dma_semaphore, #tpu.memory_space<semaphore_mem>>, %arg20: memref<!tpu.dma_semaphore, #tpu.memory_space<semaphore_mem>>, %arg21: memref<!tpu.dma_semaphore, #tpu.memory_space<semaphore_mem>>) attributes {dimension_semantics = [#tpu.dimension_semantics<core_parallel>, #tpu.dimension_semantics<subcore_parallel>], iteration_bounds = array<i64: 2, 16>, scalar_prefetch = 0 : i64, scratch_operands = 15 : i64, tpu.core_type = #tpu.core_type<sc_vector_subcore>, window_params = [{transform_indices = #map}, {transform_indices = #map1}, {transform_indices = #map1}, {transform_indices = #map}, {transform_indices = #map2}]} {
    %mul3A = arith.constant 2 : i32
    %mul3A_0 = arith.muli %arg1, %mul3A : i32
    %add3A = arith.addi %mul3A_0, %arg0 : i32
    %mul3A_1 = arith.constant 624 : i32
    %mul3A_2 = arith.muli %arg1, %mul3A_1 : i32
    %multiple_of3A = tpu.assume_multiple %mul3A_2, 8 : i32
    "tpu.region"() ({
      %run_scoped3A = tpu.sem_alloc : memref<!tpu.dma_semaphore, #tpu.memory_space<semaphore_mem>>
      %dma_start3A_138 = arith.constant 0 : i32
      %dma_start3A_139 = tpu.memref_slice %arg16[%multiple_of3A, %dma_start3A_138] : memref<10000x128xf32, #tpu.memory_space<vmem_shared>> -> memref<624x128xf32, #tpu.memory_space<vmem_shared>>
      %dma_start3A_140 = arith.constant 0 : i32
      %dma_start3A_141 = tpu.memref_slice %arg5[%multiple_of3A, %dma_start3A_140] : memref<10000x128xf32, #tpu.memory_space<hbm>> -> memref<624x128xf32, #tpu.memory_space<hbm>>
      tpu.enqueue_dma source(%dma_start3A_141 : memref<624x128xf32, #tpu.memory_space<hbm>>) target(%dma_start3A_139 : memref<624x128xf32, #tpu.memory_space<vmem_shared>>) target_semaphore(%run_scoped3A : memref<!tpu.dma_semaphore, #tpu.memory_space<semaphore_mem>>)
      %dma_wait3A_142 = arith.constant 0 : i32
      %dma_wait3A_143 = tpu.memref_slice %arg16[%multiple_of3A, %dma_wait3A_142] : memref<10000x128xf32, #tpu.memory_space<vmem_shared>> -> memref<624x128xf32, #tpu.memory_space<vmem_shared>>
      %dma_wait3A_144 = arith.constant 0 : i32
      %dma_wait3A_145 = tpu.memref_slice %arg5[%multiple_of3A, %dma_wait3A_144] : memref<10000x128xf32, #tpu.memory_space<hbm>> -> memref<624x128xf32, #tpu.memory_space<hbm>>
      tpu.wait_dma2 semaphore(%run_scoped3A : memref<!tpu.dma_semaphore, #tpu.memory_space<semaphore_mem>>) src(%dma_wait3A_145 : memref<624x128xf32, #tpu.memory_space<hbm>>) dst(%dma_wait3A_143 : memref<624x128xf32, #tpu.memory_space<vmem_shared>>)
      tpu.yield
    }) : () -> ()
    %eq3A = arith.constant 0 : i32
    %eq3A_3 = arith.cmpi eq, %arg1, %eq3A : i32
    %convert_element_type3A = arith.extui %eq3A_3 : i1 to i32
    %cond3A = arith.constant 0 : i32
    %cond3A_4 = arith.cmpi ne, %convert_element_type3A, %cond3A : i32
    scf.if %cond3A_4 {
      "tpu.region"() ({
        %run_scoped3A = tpu.sem_alloc : memref<!tpu.dma_semaphore, #tpu.memory_space<semaphore_mem>>
        %dma_start3A_138 = arith.constant 9984 : i32
        %dma_start3A_139 = arith.constant 0 : i32
        %dma_start3A_140 = tpu.memref_slice %arg16[%dma_start3A_138, %dma_start3A_139] : memref<10000x128xf32, #tpu.memory_space<vmem_shared>> -> memref<16x128xf32, #tpu.memory_space<vmem_shared>>
        %dma_start3A_141 = arith.constant 9984 : i32
        %dma_start3A_142 = arith.constant 0 : i32
        %dma_start3A_143 = tpu.memref_slice %arg5[%dma_start3A_141, %dma_start3A_142] : memref<10000x128xf32, #tpu.memory_space<hbm>> -> memref<16x128xf32, #tpu.memory_space<hbm>>
        tpu.enqueue_dma source(%dma_start3A_143 : memref<16x128xf32, #tpu.memory_space<hbm>>) target(%dma_start3A_140 : memref<16x128xf32, #tpu.memory_space<vmem_shared>>) target_semaphore(%run_scoped3A : memref<!tpu.dma_semaphore, #tpu.memory_space<semaphore_mem>>)
        %dma_wait3A_144 = arith.constant 9984 : i32
        %dma_wait3A_145 = arith.constant 0 : i32
        %dma_wait3A_146 = tpu.memref_slice %arg16[%dma_wait3A_144, %dma_wait3A_145] : memref<10000x128xf32, #tpu.memory_space<vmem_shared>> -> memref<16x128xf32, #tpu.memory_space<vmem_shared>>
        %dma_wait3A_147 = arith.constant 9984 : i32
        %dma_wait3A_148 = arith.constant 0 : i32
        %dma_wait3A_149 = tpu.memref_slice %arg5[%dma_wait3A_147, %dma_wait3A_148] : memref<10000x128xf32, #tpu.memory_space<hbm>> -> memref<16x128xf32, #tpu.memory_space<hbm>>
        tpu.wait_dma2 semaphore(%run_scoped3A : memref<!tpu.dma_semaphore, #tpu.memory_space<semaphore_mem>>) src(%dma_wait3A_149 : memref<16x128xf32, #tpu.memory_space<hbm>>) dst(%dma_wait3A_146 : memref<16x128xf32, #tpu.memory_space<vmem_shared>>)
        tpu.yield
      }) : () -> ()
    } else {
    }
    %barrier3A = arith.constant 0 : index
    tpu.barrier barrier_id(%barrier3A)
    %add3A_5 = arith.constant 0 : i32
    %add3A_6 = arith.addi %add3A, %add3A_5 : i32
    %mul3A_7 = arith.constant 128 : i32
    %mul3A_8 = arith.muli %add3A_6, %mul3A_7 : i32
    %multiple_of3A_9 = tpu.assume_multiple %mul3A_8, 8 : i32
    %dma_start3A = tpu.memref_slice %arg3[%multiple_of3A_9] : memref<320000xi32, #tpu.memory_space<hbm>> -> memref<128xi32, #tpu.memory_space<hbm>>
    %dma_start3A_10 = tpu.memref_slice %arg3[%multiple_of3A_9] : memref<320000xi32, #tpu.memory_space<hbm>> -> memref<128xi32, #tpu.memory_space<hbm>>
    tpu.enqueue_dma source(%dma_start3A_10 : memref<128xi32, #tpu.memory_space<hbm>>) target(%arg7 : memref<128xi32, #tpu.memory_space<vmem>>) target_semaphore(%arg17 : memref<!tpu.dma_semaphore, #tpu.memory_space<semaphore_mem>>)
    %add3A_11 = arith.constant 0 : i32
    %add3A_12 = arith.addi %add3A, %add3A_11 : i32
    %mul3A_13 = arith.constant 128 : i32
    %mul3A_14 = arith.muli %add3A_12, %mul3A_13 : i32
    %multiple_of3A_15 = tpu.assume_multiple %mul3A_14, 8 : i32
    %dma_start3A_16 = tpu.memref_slice %arg4[%multiple_of3A_15] : memref<320000xi32, #tpu.memory_space<hbm>> -> memref<128xi32, #tpu.memory_space<hbm>>
    %dma_start3A_17 = tpu.memref_slice %arg4[%multiple_of3A_15] : memref<320000xi32, #tpu.memory_space<hbm>> -> memref<128xi32, #tpu.memory_space<hbm>>
    tpu.enqueue_dma source(%dma_start3A_17 : memref<128xi32, #tpu.memory_space<hbm>>) target(%arg10 : memref<128xi32, #tpu.memory_space<vmem>>) target_semaphore(%arg17 : memref<!tpu.dma_semaphore, #tpu.memory_space<semaphore_mem>>)
    %add3A_18 = arith.constant 32 : i32
    %add3A_19 = arith.addi %add3A, %add3A_18 : i32
    %mul3A_20 = arith.constant 128 : i32
    %mul3A_21 = arith.muli %add3A_19, %mul3A_20 : i32
    %multiple_of3A_22 = tpu.assume_multiple %mul3A_21, 8 : i32
    %dma_start3A_23 = tpu.memref_slice %arg3[%multiple_of3A_22] : memref<320000xi32, #tpu.memory_space<hbm>> -> memref<128xi32, #tpu.memory_space<hbm>>
    %dma_start3A_24 = tpu.memref_slice %arg3[%multiple_of3A_22] : memref<320000xi32, #tpu.memory_space<hbm>> -> memref<128xi32, #tpu.memory_space<hbm>>
    tpu.enqueue_dma source(%dma_start3A_24 : memref<128xi32, #tpu.memory_space<hbm>>) target(%arg8 : memref<128xi32, #tpu.memory_space<vmem>>) target_semaphore(%arg18 : memref<!tpu.dma_semaphore, #tpu.memory_space<semaphore_mem>>)
    %add3A_25 = arith.constant 32 : i32
    %add3A_26 = arith.addi %add3A, %add3A_25 : i32
    %mul3A_27 = arith.constant 128 : i32
    %mul3A_28 = arith.muli %add3A_26, %mul3A_27 : i32
    %multiple_of3A_29 = tpu.assume_multiple %mul3A_28, 8 : i32
    %dma_start3A_30 = tpu.memref_slice %arg4[%multiple_of3A_29] : memref<320000xi32, #tpu.memory_space<hbm>> -> memref<128xi32, #tpu.memory_space<hbm>>
    %dma_start3A_31 = tpu.memref_slice %arg4[%multiple_of3A_29] : memref<320000xi32, #tpu.memory_space<hbm>> -> memref<128xi32, #tpu.memory_space<hbm>>
    tpu.enqueue_dma source(%dma_start3A_31 : memref<128xi32, #tpu.memory_space<hbm>>) target(%arg11 : memref<128xi32, #tpu.memory_space<vmem>>) target_semaphore(%arg18 : memref<!tpu.dma_semaphore, #tpu.memory_space<semaphore_mem>>)
    %add3A_32 = arith.constant 64 : i32
    %add3A_33 = arith.addi %add3A, %add3A_32 : i32
    %mul3A_34 = arith.constant 128 : i32
    %mul3A_35 = arith.muli %add3A_33, %mul3A_34 : i32
    %multiple_of3A_36 = tpu.assume_multiple %mul3A_35, 8 : i32
    %dma_start3A_37 = tpu.memref_slice %arg3[%multiple_of3A_36] : memref<320000xi32, #tpu.memory_space<hbm>> -> memref<128xi32, #tpu.memory_space<hbm>>
    %dma_start3A_38 = tpu.memref_slice %arg3[%multiple_of3A_36] : memref<320000xi32, #tpu.memory_space<hbm>> -> memref<128xi32, #tpu.memory_space<hbm>>
    tpu.enqueue_dma source(%dma_start3A_38 : memref<128xi32, #tpu.memory_space<hbm>>) target(%arg9 : memref<128xi32, #tpu.memory_space<vmem>>) target_semaphore(%arg19 : memref<!tpu.dma_semaphore, #tpu.memory_space<semaphore_mem>>)
    %add3A_39 = arith.constant 64 : i32
    %add3A_40 = arith.addi %add3A, %add3A_39 : i32
    %mul3A_41 = arith.constant 128 : i32
    %mul3A_42 = arith.muli %add3A_40, %mul3A_41 : i32
    %multiple_of3A_43 = tpu.assume_multiple %mul3A_42, 8 : i32
    %dma_start3A_44 = tpu.memref_slice %arg4[%multiple_of3A_43] : memref<320000xi32, #tpu.memory_space<hbm>> -> memref<128xi32, #tpu.memory_space<hbm>>
    %dma_start3A_45 = tpu.memref_slice %arg4[%multiple_of3A_43] : memref<320000xi32, #tpu.memory_space<hbm>> -> memref<128xi32, #tpu.memory_space<hbm>>
    tpu.enqueue_dma source(%dma_start3A_45 : memref<128xi32, #tpu.memory_space<hbm>>) target(%arg12 : memref<128xi32, #tpu.memory_space<vmem>>) target_semaphore(%arg19 : memref<!tpu.dma_semaphore, #tpu.memory_space<semaphore_mem>>)
    %add3A_46 = arith.constant 0 : i32
    %add3A_47 = arith.addi %add3A, %add3A_46 : i32
    %mul3A_48 = arith.constant 128 : i32
    %mul3A_49 = arith.muli %add3A_47, %mul3A_48 : i32
    %multiple_of3A_50 = tpu.assume_multiple %mul3A_49, 8 : i32
    %dma_wait3A = tpu.memref_slice %arg3[%multiple_of3A_50] : memref<320000xi32, #tpu.memory_space<hbm>> -> memref<128xi32, #tpu.memory_space<hbm>>
    %dma_wait3A_51 = tpu.memref_slice %arg3[%multiple_of3A_50] : memref<320000xi32, #tpu.memory_space<hbm>> -> memref<128xi32, #tpu.memory_space<hbm>>
    tpu.wait_dma2 semaphore(%arg17 : memref<!tpu.dma_semaphore, #tpu.memory_space<semaphore_mem>>) src(%dma_wait3A_51 : memref<128xi32, #tpu.memory_space<hbm>>) dst(%arg7 : memref<128xi32, #tpu.memory_space<vmem>>)
    %add3A_52 = arith.constant 0 : i32
    %add3A_53 = arith.addi %add3A, %add3A_52 : i32
    %mul3A_54 = arith.constant 128 : i32
    %mul3A_55 = arith.muli %add3A_53, %mul3A_54 : i32
    %multiple_of3A_56 = tpu.assume_multiple %mul3A_55, 8 : i32
    %dma_wait3A_57 = tpu.memref_slice %arg4[%multiple_of3A_56] : memref<320000xi32, #tpu.memory_space<hbm>> -> memref<128xi32, #tpu.memory_space<hbm>>
    %dma_wait3A_58 = tpu.memref_slice %arg4[%multiple_of3A_56] : memref<320000xi32, #tpu.memory_space<hbm>> -> memref<128xi32, #tpu.memory_space<hbm>>
    tpu.wait_dma2 semaphore(%arg17 : memref<!tpu.dma_semaphore, #tpu.memory_space<semaphore_mem>>) src(%dma_wait3A_58 : memref<128xi32, #tpu.memory_space<hbm>>) dst(%arg10 : memref<128xi32, #tpu.memory_space<vmem>>)
    %dma_start3A_59 = arith.constant 0 : i32
    %dma_start3A_60 = arith.constant 0 : i32
    %dma_start3A_61 = tpu.memref_slice %arg2[%dma_start3A_59, %dma_start3A_60] : memref<10000x128xf32, #tpu.memory_space<hbm>> -> memref<10000x128xf32, #tpu.memory_space<hbm>>
    tpu.enqueue_indirect_dma source(%dma_start3A_61 : memref<10000x128xf32, #tpu.memory_space<hbm>>) target(%arg13 : memref<128x128xf32, #tpu.memory_space<vmem>>) offsets(%arg7 : memref<128xi32, #tpu.memory_space<vmem>>) semaphore(%arg20 : memref<!tpu.dma_semaphore, #tpu.memory_space<semaphore_mem>>)
    %add3A_62 = arith.constant 32 : i32
    %add3A_63 = arith.addi %add3A, %add3A_62 : i32
    %mul3A_64 = arith.constant 128 : i32
    %mul3A_65 = arith.muli %add3A_63, %mul3A_64 : i32
    %multiple_of3A_66 = tpu.assume_multiple %mul3A_65, 8 : i32
    %dma_wait3A_67 = tpu.memref_slice %arg3[%multiple_of3A_66] : memref<320000xi32, #tpu.memory_space<hbm>> -> memref<128xi32, #tpu.memory_space<hbm>>
    %dma_wait3A_68 = tpu.memref_slice %arg3[%multiple_of3A_66] : memref<320000xi32, #tpu.memory_space<hbm>> -> memref<128xi32, #tpu.memory_space<hbm>>
    tpu.wait_dma2 semaphore(%arg18 : memref<!tpu.dma_semaphore, #tpu.memory_space<semaphore_mem>>) src(%dma_wait3A_68 : memref<128xi32, #tpu.memory_space<hbm>>) dst(%arg8 : memref<128xi32, #tpu.memory_space<vmem>>)
    %add3A_69 = arith.constant 32 : i32
    %add3A_70 = arith.addi %add3A, %add3A_69 : i32
    %mul3A_71 = arith.constant 128 : i32
    %mul3A_72 = arith.muli %add3A_70, %mul3A_71 : i32
    %multiple_of3A_73 = tpu.assume_multiple %mul3A_72, 8 : i32
    %dma_wait3A_74 = tpu.memref_slice %arg4[%multiple_of3A_73] : memref<320000xi32, #tpu.memory_space<hbm>> -> memref<128xi32, #tpu.memory_space<hbm>>
    %dma_wait3A_75 = tpu.memref_slice %arg4[%multiple_of3A_73] : memref<320000xi32, #tpu.memory_space<hbm>> -> memref<128xi32, #tpu.memory_space<hbm>>
    tpu.wait_dma2 semaphore(%arg18 : memref<!tpu.dma_semaphore, #tpu.memory_space<semaphore_mem>>) src(%dma_wait3A_75 : memref<128xi32, #tpu.memory_space<hbm>>) dst(%arg11 : memref<128xi32, #tpu.memory_space<vmem>>)
    %dma_start3A_76 = arith.constant 0 : i32
    %dma_start3A_77 = arith.constant 0 : i32
    %dma_start3A_78 = tpu.memref_slice %arg2[%dma_start3A_76, %dma_start3A_77] : memref<10000x128xf32, #tpu.memory_space<hbm>> -> memref<10000x128xf32, #tpu.memory_space<hbm>>
    tpu.enqueue_indirect_dma source(%dma_start3A_78 : memref<10000x128xf32, #tpu.memory_space<hbm>>) target(%arg14 : memref<128x128xf32, #tpu.memory_space<vmem>>) offsets(%arg8 : memref<128xi32, #tpu.memory_space<vmem>>) semaphore(%arg20 : memref<!tpu.dma_semaphore, #tpu.memory_space<semaphore_mem>>)
    %add3A_79 = arith.constant 64 : i32
    %add3A_80 = arith.addi %add3A, %add3A_79 : i32
    %mul3A_81 = arith.constant 128 : i32
    %mul3A_82 = arith.muli %add3A_80, %mul3A_81 : i32
    %multiple_of3A_83 = tpu.assume_multiple %mul3A_82, 8 : i32
    %dma_wait3A_84 = tpu.memref_slice %arg3[%multiple_of3A_83] : memref<320000xi32, #tpu.memory_space<hbm>> -> memref<128xi32, #tpu.memory_space<hbm>>
    %dma_wait3A_85 = tpu.memref_slice %arg3[%multiple_of3A_83] : memref<320000xi32, #tpu.memory_space<hbm>> -> memref<128xi32, #tpu.memory_space<hbm>>
    tpu.wait_dma2 semaphore(%arg19 : memref<!tpu.dma_semaphore, #tpu.memory_space<semaphore_mem>>) src(%dma_wait3A_85 : memref<128xi32, #tpu.memory_space<hbm>>) dst(%arg9 : memref<128xi32, #tpu.memory_space<vmem>>)
    %add3A_86 = arith.constant 64 : i32
    %add3A_87 = arith.addi %add3A, %add3A_86 : i32
    %mul3A_88 = arith.constant 128 : i32
    %mul3A_89 = arith.muli %add3A_87, %mul3A_88 : i32
    %multiple_of3A_90 = tpu.assume_multiple %mul3A_89, 8 : i32
    %dma_wait3A_91 = tpu.memref_slice %arg4[%multiple_of3A_90] : memref<320000xi32, #tpu.memory_space<hbm>> -> memref<128xi32, #tpu.memory_space<hbm>>
    %dma_wait3A_92 = tpu.memref_slice %arg4[%multiple_of3A_90] : memref<320000xi32, #tpu.memory_space<hbm>> -> memref<128xi32, #tpu.memory_space<hbm>>
    tpu.wait_dma2 semaphore(%arg19 : memref<!tpu.dma_semaphore, #tpu.memory_space<semaphore_mem>>) src(%dma_wait3A_92 : memref<128xi32, #tpu.memory_space<hbm>>) dst(%arg12 : memref<128xi32, #tpu.memory_space<vmem>>)
    %dma_start3A_93 = arith.constant 0 : i32
    %dma_start3A_94 = arith.constant 0 : i32
    %dma_start3A_95 = tpu.memref_slice %arg2[%dma_start3A_93, %dma_start3A_94] : memref<10000x128xf32, #tpu.memory_space<hbm>> -> memref<10000x128xf32, #tpu.memory_space<hbm>>
    tpu.enqueue_indirect_dma source(%dma_start3A_95 : memref<10000x128xf32, #tpu.memory_space<hbm>>) target(%arg15 : memref<128x128xf32, #tpu.memory_space<vmem>>) offsets(%arg9 : memref<128xi32, #tpu.memory_space<vmem>>) semaphore(%arg20 : memref<!tpu.dma_semaphore, #tpu.memory_space<semaphore_mem>>)
    %dma_wait3A_96 = arith.constant 0 : i32
    %dma_wait3A_97 = arith.constant 0 : i32
    %dma_wait3A_98 = tpu.memref_slice %arg2[%dma_wait3A_96, %dma_wait3A_97] : memref<10000x128xf32, #tpu.memory_space<hbm>> -> memref<10000x128xf32, #tpu.memory_space<hbm>>
    tpu.wait_indirect_dma semaphore(%arg20 : memref<!tpu.dma_semaphore, #tpu.memory_space<semaphore_mem>>) src(%dma_wait3A_98 : memref<10000x128xf32, #tpu.memory_space<hbm>>) dst(%arg13 : memref<128x128xf32, #tpu.memory_space<vmem>>)
    %dma_start3A_99 = arith.constant 0 : i32
    %dma_start3A_100 = arith.constant 0 : i32
    %dma_start3A_101 = tpu.memref_slice %arg16[%dma_start3A_99, %dma_start3A_100] : memref<10000x128xf32, #tpu.memory_space<vmem_shared>> -> memref<10000x128xf32, #tpu.memory_space<vmem_shared>>
    tpu.enqueue_indirect_dma source(%arg13 : memref<128x128xf32, #tpu.memory_space<vmem>>) target(%dma_start3A_101 : memref<10000x128xf32, #tpu.memory_space<vmem_shared>>) offsets(%arg10 : memref<128xi32, #tpu.memory_space<vmem>>) semaphore(%arg21 : memref<!tpu.dma_semaphore, #tpu.memory_space<semaphore_mem>>) {add = true}
    %dma_wait3A_102 = arith.constant 0 : i32
    %dma_wait3A_103 = arith.constant 0 : i32
    %dma_wait3A_104 = tpu.memref_slice %arg2[%dma_wait3A_102, %dma_wait3A_103] : memref<10000x128xf32, #tpu.memory_space<hbm>> -> memref<10000x128xf32, #tpu.memory_space<hbm>>
    tpu.wait_indirect_dma semaphore(%arg20 : memref<!tpu.dma_semaphore, #tpu.memory_space<semaphore_mem>>) src(%dma_wait3A_104 : memref<10000x128xf32, #tpu.memory_space<hbm>>) dst(%arg14 : memref<128x128xf32, #tpu.memory_space<vmem>>)
    %dma_start3A_105 = arith.constant 0 : i32
    %dma_start3A_106 = arith.constant 0 : i32
    %dma_start3A_107 = tpu.memref_slice %arg16[%dma_start3A_105, %dma_start3A_106] : memref<10000x128xf32, #tpu.memory_space<vmem_shared>> -> memref<10000x128xf32, #tpu.memory_space<vmem_shared>>
    tpu.enqueue_indirect_dma source(%arg14 : memref<128x128xf32, #tpu.memory_space<vmem>>) target(%dma_start3A_107 : memref<10000x128xf32, #tpu.memory_space<vmem_shared>>) offsets(%arg11 : memref<128xi32, #tpu.memory_space<vmem>>) semaphore(%arg21 : memref<!tpu.dma_semaphore, #tpu.memory_space<semaphore_mem>>) {add = true}
    %dma_wait3A_108 = arith.constant 0 : i32
    %dma_wait3A_109 = arith.constant 0 : i32
    %dma_wait3A_110 = tpu.memref_slice %arg2[%dma_wait3A_108, %dma_wait3A_109] : memref<10000x128xf32, #tpu.memory_space<hbm>> -> memref<10000x128xf32, #tpu.memory_space<hbm>>
    tpu.wait_indirect_dma semaphore(%arg20 : memref<!tpu.dma_semaphore, #tpu.memory_space<semaphore_mem>>) src(%dma_wait3A_110 : memref<10000x128xf32, #tpu.memory_space<hbm>>) dst(%arg15 : memref<128x128xf32, #tpu.memory_space<vmem>>)
    %dma_start3A_111 = arith.constant 0 : i32
    %dma_start3A_112 = arith.constant 0 : i32
    %dma_start3A_113 = tpu.memref_slice %arg16[%dma_start3A_111, %dma_start3A_112] : memref<10000x128xf32, #tpu.memory_space<vmem_shared>> -> memref<10000x128xf32, #tpu.memory_space<vmem_shared>>
    tpu.enqueue_indirect_dma source(%arg15 : memref<128x128xf32, #tpu.memory_space<vmem>>) target(%dma_start3A_113 : memref<10000x128xf32, #tpu.memory_space<vmem_shared>>) offsets(%arg12 : memref<128xi32, #tpu.memory_space<vmem>>) semaphore(%arg21 : memref<!tpu.dma_semaphore, #tpu.memory_space<semaphore_mem>>) {add = true}
    %scan3A = arith.constant 0 : i32
    %scan3A_114 = arith.constant 1 : i32
    %scan3A_115 = arith.constant 25 : i32
    %scan3A_116 = arith.addi %scan3A_114, %scan3A_115 : i32
    %scan3A_117 = arith.constant 1 : i32
    scf.for %scan3A_138 = %scan3A_114 to %scan3A_116 step %scan3A_117  : i32 {
      %mul3A_139 = arith.constant 3 : i32
      %mul3A_140 = arith.muli %scan3A_138, %mul3A_139 : i32
      %dma_wait3A_141 = arith.constant 0 : i32
      %dma_wait3A_142 = arith.constant 0 : i32
      %dma_wait3A_143 = tpu.memref_slice %arg16[%dma_wait3A_141, %dma_wait3A_142] : memref<10000x128xf32, #tpu.memory_space<vmem_shared>> -> memref<10000x128xf32, #tpu.memory_space<vmem_shared>>
      tpu.wait_indirect_dma semaphore(%arg21 : memref<!tpu.dma_semaphore, #tpu.memory_space<semaphore_mem>>) src(%arg13 : memref<128x128xf32, #tpu.memory_space<vmem>>) dst(%dma_wait3A_143 : memref<10000x128xf32, #tpu.memory_space<vmem_shared>>)
      %add3A_144 = arith.constant 0 : i32
      %add3A_145 = arith.addi %mul3A_140, %add3A_144 : i32
      %mul3A_146 = arith.constant 32 : i32
      %mul3A_147 = arith.muli %add3A_145, %mul3A_146 : i32
      %add3A_148 = arith.addi %add3A, %mul3A_147 : i32
      %mul3A_149 = arith.constant 128 : i32
      %mul3A_150 = arith.muli %add3A_148, %mul3A_149 : i32
      %multiple_of3A_151 = tpu.assume_multiple %mul3A_150, 8 : i32
      %dma_start3A_152 = tpu.memref_slice %arg3[%multiple_of3A_151] : memref<320000xi32, #tpu.memory_space<hbm>> -> memref<128xi32, #tpu.memory_space<hbm>>
      %dma_start3A_153 = tpu.memref_slice %arg3[%multiple_of3A_151] : memref<320000xi32, #tpu.memory_space<hbm>> -> memref<128xi32, #tpu.memory_space<hbm>>
      tpu.enqueue_dma source(%dma_start3A_153 : memref<128xi32, #tpu.memory_space<hbm>>) target(%arg7 : memref<128xi32, #tpu.memory_space<vmem>>) target_semaphore(%arg17 : memref<!tpu.dma_semaphore, #tpu.memory_space<semaphore_mem>>)
      %mul3A_154 = arith.constant 32 : i32
      %mul3A_155 = arith.muli %add3A_145, %mul3A_154 : i32
      %add3A_156 = arith.addi %add3A, %mul3A_155 : i32
      %mul3A_157 = arith.constant 128 : i32
      %mul3A_158 = arith.muli %add3A_156, %mul3A_157 : i32
      %multiple_of3A_159 = tpu.assume_multiple %mul3A_158, 8 : i32
      %dma_start3A_160 = tpu.memref_slice %arg4[%multiple_of3A_159] : memref<320000xi32, #tpu.memory_space<hbm>> -> memref<128xi32, #tpu.memory_space<hbm>>
      %dma_start3A_161 = tpu.memref_slice %arg4[%multiple_of3A_159] : memref<320000xi32, #tpu.memory_space<hbm>> -> memref<128xi32, #tpu.memory_space<hbm>>
      tpu.enqueue_dma source(%dma_start3A_161 : memref<128xi32, #tpu.memory_space<hbm>>) target(%arg10 : memref<128xi32, #tpu.memory_space<vmem>>) target_semaphore(%arg17 : memref<!tpu.dma_semaphore, #tpu.memory_space<semaphore_mem>>)
      %dma_wait3A_162 = arith.constant 0 : i32
      %dma_wait3A_163 = arith.constant 0 : i32
      %dma_wait3A_164 = tpu.memref_slice %arg16[%dma_wait3A_162, %dma_wait3A_163] : memref<10000x128xf32, #tpu.memory_space<vmem_shared>> -> memref<10000x128xf32, #tpu.memory_space<vmem_shared>>
      tpu.wait_indirect_dma semaphore(%arg21 : memref<!tpu.dma_semaphore, #tpu.memory_space<semaphore_mem>>) src(%arg14 : memref<128x128xf32, #tpu.memory_space<vmem>>) dst(%dma_wait3A_164 : memref<10000x128xf32, #tpu.memory_space<vmem_shared>>)
      %add3A_165 = arith.constant 1 : i32
      %add3A_166 = arith.addi %mul3A_140, %add3A_165 : i32
      %mul3A_167 = arith.constant 32 : i32
      %mul3A_168 = arith.muli %add3A_166, %mul3A_167 : i32
      %add3A_169 = arith.addi %add3A, %mul3A_168 : i32
      %mul3A_170 = arith.constant 128 : i32
      %mul3A_171 = arith.muli %add3A_169, %mul3A_170 : i32
      %multiple_of3A_172 = tpu.assume_multiple %mul3A_171, 8 : i32
      %dma_start3A_173 = tpu.memref_slice %arg3[%multiple_of3A_172] : memref<320000xi32, #tpu.memory_space<hbm>> -> memref<128xi32, #tpu.memory_space<hbm>>
      %dma_start3A_174 = tpu.memref_slice %arg3[%multiple_of3A_172] : memref<320000xi32, #tpu.memory_space<hbm>> -> memref<128xi32, #tpu.memory_space<hbm>>
      tpu.enqueue_dma source(%dma_start3A_174 : memref<128xi32, #tpu.memory_space<hbm>>) target(%arg8 : memref<128xi32, #tpu.memory_space<vmem>>) target_semaphore(%arg18 : memref<!tpu.dma_semaphore, #tpu.memory_space<semaphore_mem>>)
      %mul3A_175 = arith.constant 32 : i32
      %mul3A_176 = arith.muli %add3A_166, %mul3A_175 : i32
      %add3A_177 = arith.addi %add3A, %mul3A_176 : i32
      %mul3A_178 = arith.constant 128 : i32
      %mul3A_179 = arith.muli %add3A_177, %mul3A_178 : i32
      %multiple_of3A_180 = tpu.assume_multiple %mul3A_179, 8 : i32
      %dma_start3A_181 = tpu.memref_slice %arg4[%multiple_of3A_180] : memref<320000xi32, #tpu.memory_space<hbm>> -> memref<128xi32, #tpu.memory_space<hbm>>
      %dma_start3A_182 = tpu.memref_slice %arg4[%multiple_of3A_180] : memref<320000xi32, #tpu.memory_space<hbm>> -> memref<128xi32, #tpu.memory_space<hbm>>
      tpu.enqueue_dma source(%dma_start3A_182 : memref<128xi32, #tpu.memory_space<hbm>>) target(%arg11 : memref<128xi32, #tpu.memory_space<vmem>>) target_semaphore(%arg18 : memref<!tpu.dma_semaphore, #tpu.memory_space<semaphore_mem>>)
      %dma_wait3A_183 = arith.constant 0 : i32
      %dma_wait3A_184 = arith.constant 0 : i32
      %dma_wait3A_185 = tpu.memref_slice %arg16[%dma_wait3A_183, %dma_wait3A_184] : memref<10000x128xf32, #tpu.memory_space<vmem_shared>> -> memref<10000x128xf32, #tpu.memory_space<vmem_shared>>
      tpu.wait_indirect_dma semaphore(%arg21 : memref<!tpu.dma_semaphore, #tpu.memory_space<semaphore_mem>>) src(%arg15 : memref<128x128xf32, #tpu.memory_space<vmem>>) dst(%dma_wait3A_185 : memref<10000x128xf32, #tpu.memory_space<vmem_shared>>)
      %add3A_186 = arith.constant 2 : i32
      %add3A_187 = arith.addi %mul3A_140, %add3A_186 : i32
      %mul3A_188 = arith.constant 32 : i32
      %mul3A_189 = arith.muli %add3A_187, %mul3A_188 : i32
      %add3A_190 = arith.addi %add3A, %mul3A_189 : i32
      %mul3A_191 = arith.constant 128 : i32
      %mul3A_192 = arith.muli %add3A_190, %mul3A_191 : i32
      %multiple_of3A_193 = tpu.assume_multiple %mul3A_192, 8 : i32
      %dma_start3A_194 = tpu.memref_slice %arg3[%multiple_of3A_193] : memref<320000xi32, #tpu.memory_space<hbm>> -> memref<128xi32, #tpu.memory_space<hbm>>
      %dma_start3A_195 = tpu.memref_slice %arg3[%multiple_of3A_193] : memref<320000xi32, #tpu.memory_space<hbm>> -> memref<128xi32, #tpu.memory_space<hbm>>
      tpu.enqueue_dma source(%dma_start3A_195 : memref<128xi32, #tpu.memory_space<hbm>>) target(%arg9 : memref<128xi32, #tpu.memory_space<vmem>>) target_semaphore(%arg19 : memref<!tpu.dma_semaphore, #tpu.memory_space<semaphore_mem>>)
      %mul3A_196 = arith.constant 32 : i32
      %mul3A_197 = arith.muli %add3A_187, %mul3A_196 : i32
      %add3A_198 = arith.addi %add3A, %mul3A_197 : i32
      %mul3A_199 = arith.constant 128 : i32
      %mul3A_200 = arith.muli %add3A_198, %mul3A_199 : i32
      %multiple_of3A_201 = tpu.assume_multiple %mul3A_200, 8 : i32
      %dma_start3A_202 = tpu.memref_slice %arg4[%multiple_of3A_201] : memref<320000xi32, #tpu.memory_space<hbm>> -> memref<128xi32, #tpu.memory_space<hbm>>
      %dma_start3A_203 = tpu.memref_slice %arg4[%multiple_of3A_201] : memref<320000xi32, #tpu.memory_space<hbm>> -> memref<128xi32, #tpu.memory_space<hbm>>
      tpu.enqueue_dma source(%dma_start3A_203 : memref<128xi32, #tpu.memory_space<hbm>>) target(%arg12 : memref<128xi32, #tpu.memory_space<vmem>>) target_semaphore(%arg19 : memref<!tpu.dma_semaphore, #tpu.memory_space<semaphore_mem>>)
      %add3A_204 = arith.constant 0 : i32
      %add3A_205 = arith.addi %mul3A_140, %add3A_204 : i32
      %mul3A_206 = arith.constant 32 : i32
      %mul3A_207 = arith.muli %add3A_205, %mul3A_206 : i32
      %add3A_208 = arith.addi %add3A, %mul3A_207 : i32
      %mul3A_209 = arith.constant 128 : i32
      %mul3A_210 = arith.muli %add3A_208, %mul3A_209 : i32
      %multiple_of3A_211 = tpu.assume_multiple %mul3A_210, 8 : i32
      %dma_wait3A_212 = tpu.memref_slice %arg3[%multiple_of3A_211] : memref<320000xi32, #tpu.memory_space<hbm>> -> memref<128xi32, #tpu.memory_space<hbm>>
      %dma_wait3A_213 = tpu.memref_slice %arg3[%multiple_of3A_211] : memref<320000xi32, #tpu.memory_space<hbm>> -> memref<128xi32, #tpu.memory_space<hbm>>
      tpu.wait_dma2 semaphore(%arg17 : memref<!tpu.dma_semaphore, #tpu.memory_space<semaphore_mem>>) src(%dma_wait3A_213 : memref<128xi32, #tpu.memory_space<hbm>>) dst(%arg7 : memref<128xi32, #tpu.memory_space<vmem>>)
      %mul3A_214 = arith.constant 32 : i32
      %mul3A_215 = arith.muli %add3A_205, %mul3A_214 : i32
      %add3A_216 = arith.addi %add3A, %mul3A_215 : i32
      %mul3A_217 = arith.constant 128 : i32
      %mul3A_218 = arith.muli %add3A_216, %mul3A_217 : i32
      %multiple_of3A_219 = tpu.assume_multiple %mul3A_218, 8 : i32
      %dma_wait3A_220 = tpu.memref_slice %arg4[%multiple_of3A_219] : memref<320000xi32, #tpu.memory_space<hbm>> -> memref<128xi32, #tpu.memory_space<hbm>>
      %dma_wait3A_221 = tpu.memref_slice %arg4[%multiple_of3A_219] : memref<320000xi32, #tpu.memory_space<hbm>> -> memref<128xi32, #tpu.memory_space<hbm>>
      tpu.wait_dma2 semaphore(%arg17 : memref<!tpu.dma_semaphore, #tpu.memory_space<semaphore_mem>>) src(%dma_wait3A_221 : memref<128xi32, #tpu.memory_space<hbm>>) dst(%arg10 : memref<128xi32, #tpu.memory_space<vmem>>)
      %dma_start3A_222 = arith.constant 0 : i32
      %dma_start3A_223 = arith.constant 0 : i32
      %dma_start3A_224 = tpu.memref_slice %arg2[%dma_start3A_222, %dma_start3A_223] : memref<10000x128xf32, #tpu.memory_space<hbm>> -> memref<10000x128xf32, #tpu.memory_space<hbm>>
      tpu.enqueue_indirect_dma source(%dma_start3A_224 : memref<10000x128xf32, #tpu.memory_space<hbm>>) target(%arg13 : memref<128x128xf32, #tpu.memory_space<vmem>>) offsets(%arg7 : memref<128xi32, #tpu.memory_space<vmem>>) semaphore(%arg20 : memref<!tpu.dma_semaphore, #tpu.memory_space<semaphore_mem>>)
      %add3A_225 = arith.constant 1 : i32
      %add3A_226 = arith.addi %mul3A_140, %add3A_225 : i32
      %mul3A_227 = arith.constant 32 : i32
      %mul3A_228 = arith.muli %add3A_226, %mul3A_227 : i32
      %add3A_229 = arith.addi %add3A, %mul3A_228 : i32
      %mul3A_230 = arith.constant 128 : i32
      %mul3A_231 = arith.muli %add3A_229, %mul3A_230 : i32
      %multiple_of3A_232 = tpu.assume_multiple %mul3A_231, 8 : i32
      %dma_wait3A_233 = tpu.memref_slice %arg3[%multiple_of3A_232] : memref<320000xi32, #tpu.memory_space<hbm>> -> memref<128xi32, #tpu.memory_space<hbm>>
      %dma_wait3A_234 = tpu.memref_slice %arg3[%multiple_of3A_232] : memref<320000xi32, #tpu.memory_space<hbm>> -> memref<128xi32, #tpu.memory_space<hbm>>
      tpu.wait_dma2 semaphore(%arg18 : memref<!tpu.dma_semaphore, #tpu.memory_space<semaphore_mem>>) src(%dma_wait3A_234 : memref<128xi32, #tpu.memory_space<hbm>>) dst(%arg8 : memref<128xi32, #tpu.memory_space<vmem>>)
      %mul3A_235 = arith.constant 32 : i32
      %mul3A_236 = arith.muli %add3A_226, %mul3A_235 : i32
      %add3A_237 = arith.addi %add3A, %mul3A_236 : i32
      %mul3A_238 = arith.constant 128 : i32
      %mul3A_239 = arith.muli %add3A_237, %mul3A_238 : i32
      %multiple_of3A_240 = tpu.assume_multiple %mul3A_239, 8 : i32
      %dma_wait3A_241 = tpu.memref_slice %arg4[%multiple_of3A_240] : memref<320000xi32, #tpu.memory_space<hbm>> -> memref<128xi32, #tpu.memory_space<hbm>>
      %dma_wait3A_242 = tpu.memref_slice %arg4[%multiple_of3A_240] : memref<320000xi32, #tpu.memory_space<hbm>> -> memref<128xi32, #tpu.memory_space<hbm>>
      tpu.wait_dma2 semaphore(%arg18 : memref<!tpu.dma_semaphore, #tpu.memory_space<semaphore_mem>>) src(%dma_wait3A_242 : memref<128xi32, #tpu.memory_space<hbm>>) dst(%arg11 : memref<128xi32, #tpu.memory_space<vmem>>)
      %dma_start3A_243 = arith.constant 0 : i32
      %dma_start3A_244 = arith.constant 0 : i32
      %dma_start3A_245 = tpu.memref_slice %arg2[%dma_start3A_243, %dma_start3A_244] : memref<10000x128xf32, #tpu.memory_space<hbm>> -> memref<10000x128xf32, #tpu.memory_space<hbm>>
      tpu.enqueue_indirect_dma source(%dma_start3A_245 : memref<10000x128xf32, #tpu.memory_space<hbm>>) target(%arg14 : memref<128x128xf32, #tpu.memory_space<vmem>>) offsets(%arg8 : memref<128xi32, #tpu.memory_space<vmem>>) semaphore(%arg20 : memref<!tpu.dma_semaphore, #tpu.memory_space<semaphore_mem>>)
      %add3A_246 = arith.constant 2 : i32
      %add3A_247 = arith.addi %mul3A_140, %add3A_246 : i32
      %mul3A_248 = arith.constant 32 : i32
      %mul3A_249 = arith.muli %add3A_247, %mul3A_248 : i32
      %add3A_250 = arith.addi %add3A, %mul3A_249 : i32
      %mul3A_251 = arith.constant 128 : i32
      %mul3A_252 = arith.muli %add3A_250, %mul3A_251 : i32
      %multiple_of3A_253 = tpu.assume_multiple %mul3A_252, 8 : i32
      %dma_wait3A_254 = tpu.memref_slice %arg3[%multiple_of3A_253] : memref<320000xi32, #tpu.memory_space<hbm>> -> memref<128xi32, #tpu.memory_space<hbm>>
      %dma_wait3A_255 = tpu.memref_slice %arg3[%multiple_of3A_253] : memref<320000xi32, #tpu.memory_space<hbm>> -> memref<128xi32, #tpu.memory_space<hbm>>
      tpu.wait_dma2 semaphore(%arg19 : memref<!tpu.dma_semaphore, #tpu.memory_space<semaphore_mem>>) src(%dma_wait3A_255 : memref<128xi32, #tpu.memory_space<hbm>>) dst(%arg9 : memref<128xi32, #tpu.memory_space<vmem>>)
      %mul3A_256 = arith.constant 32 : i32
      %mul3A_257 = arith.muli %add3A_247, %mul3A_256 : i32
      %add3A_258 = arith.addi %add3A, %mul3A_257 : i32
      %mul3A_259 = arith.constant 128 : i32
      %mul3A_260 = arith.muli %add3A_258, %mul3A_259 : i32
      %multiple_of3A_261 = tpu.assume_multiple %mul3A_260, 8 : i32
      %dma_wait3A_262 = tpu.memref_slice %arg4[%multiple_of3A_261] : memref<320000xi32, #tpu.memory_space<hbm>> -> memref<128xi32, #tpu.memory_space<hbm>>
      %dma_wait3A_263 = tpu.memref_slice %arg4[%multiple_of3A_261] : memref<320000xi32, #tpu.memory_space<hbm>> -> memref<128xi32, #tpu.memory_space<hbm>>
      tpu.wait_dma2 semaphore(%arg19 : memref<!tpu.dma_semaphore, #tpu.memory_space<semaphore_mem>>) src(%dma_wait3A_263 : memref<128xi32, #tpu.memory_space<hbm>>) dst(%arg12 : memref<128xi32, #tpu.memory_space<vmem>>)
      %dma_start3A_264 = arith.constant 0 : i32
      %dma_start3A_265 = arith.constant 0 : i32
      %dma_start3A_266 = tpu.memref_slice %arg2[%dma_start3A_264, %dma_start3A_265] : memref<10000x128xf32, #tpu.memory_space<hbm>> -> memref<10000x128xf32, #tpu.memory_space<hbm>>
      tpu.enqueue_indirect_dma source(%dma_start3A_266 : memref<10000x128xf32, #tpu.memory_space<hbm>>) target(%arg15 : memref<128x128xf32, #tpu.memory_space<vmem>>) offsets(%arg9 : memref<128xi32, #tpu.memory_space<vmem>>) semaphore(%arg20 : memref<!tpu.dma_semaphore, #tpu.memory_space<semaphore_mem>>)
      %dma_wait3A_267 = arith.constant 0 : i32
      %dma_wait3A_268 = arith.constant 0 : i32
      %dma_wait3A_269 = tpu.memref_slice %arg2[%dma_wait3A_267, %dma_wait3A_268] : memref<10000x128xf32, #tpu.memory_space<hbm>> -> memref<10000x128xf32, #tpu.memory_space<hbm>>
      tpu.wait_indirect_dma semaphore(%arg20 : memref<!tpu.dma_semaphore, #tpu.memory_space<semaphore_mem>>) src(%dma_wait3A_269 : memref<10000x128xf32, #tpu.memory_space<hbm>>) dst(%arg13 : memref<128x128xf32, #tpu.memory_space<vmem>>)
      %dma_start3A_270 = arith.constant 0 : i32
      %dma_start3A_271 = arith.constant 0 : i32
      %dma_start3A_272 = tpu.memref_slice %arg16[%dma_start3A_270, %dma_start3A_271] : memref<10000x128xf32, #tpu.memory_space<vmem_shared>> -> memref<10000x128xf32, #tpu.memory_space<vmem_shared>>
      tpu.enqueue_indirect_dma source(%arg13 : memref<128x128xf32, #tpu.memory_space<vmem>>) target(%dma_start3A_272 : memref<10000x128xf32, #tpu.memory_space<vmem_shared>>) offsets(%arg10 : memref<128xi32, #tpu.memory_space<vmem>>) semaphore(%arg21 : memref<!tpu.dma_semaphore, #tpu.memory_space<semaphore_mem>>) {add = true}
      %dma_wait3A_273 = arith.constant 0 : i32
      %dma_wait3A_274 = arith.constant 0 : i32
      %dma_wait3A_275 = tpu.memref_slice %arg2[%dma_wait3A_273, %dma_wait3A_274] : memref<10000x128xf32, #tpu.memory_space<hbm>> -> memref<10000x128xf32, #tpu.memory_space<hbm>>
      tpu.wait_indirect_dma semaphore(%arg20 : memref<!tpu.dma_semaphore, #tpu.memory_space<semaphore_mem>>) src(%dma_wait3A_275 : memref<10000x128xf32, #tpu.memory_space<hbm>>) dst(%arg14 : memref<128x128xf32, #tpu.memory_space<vmem>>)
      %dma_start3A_276 = arith.constant 0 : i32
      %dma_start3A_277 = arith.constant 0 : i32
      %dma_start3A_278 = tpu.memref_slice %arg16[%dma_start3A_276, %dma_start3A_277] : memref<10000x128xf32, #tpu.memory_space<vmem_shared>> -> memref<10000x128xf32, #tpu.memory_space<vmem_shared>>
      tpu.enqueue_indirect_dma source(%arg14 : memref<128x128xf32, #tpu.memory_space<vmem>>) target(%dma_start3A_278 : memref<10000x128xf32, #tpu.memory_space<vmem_shared>>) offsets(%arg11 : memref<128xi32, #tpu.memory_space<vmem>>) semaphore(%arg21 : memref<!tpu.dma_semaphore, #tpu.memory_space<semaphore_mem>>) {add = true}
      %dma_wait3A_279 = arith.constant 0 : i32
      %dma_wait3A_280 = arith.constant 0 : i32
      %dma_wait3A_281 = tpu.memref_slice %arg2[%dma_wait3A_279, %dma_wait3A_280] : memref<10000x128xf32, #tpu.memory_space<hbm>> -> memref<10000x128xf32, #tpu.memory_space<hbm>>
      tpu.wait_indirect_dma semaphore(%arg20 : memref<!tpu.dma_semaphore, #tpu.memory_space<semaphore_mem>>) src(%dma_wait3A_281 : memref<10000x128xf32, #tpu.memory_space<hbm>>) dst(%arg15 : memref<128x128xf32, #tpu.memory_space<vmem>>)
      %dma_start3A_282 = arith.constant 0 : i32
      %dma_start3A_283 = arith.constant 0 : i32
      %dma_start3A_284 = tpu.memref_slice %arg16[%dma_start3A_282, %dma_start3A_283] : memref<10000x128xf32, #tpu.memory_space<vmem_shared>> -> memref<10000x128xf32, #tpu.memory_space<vmem_shared>>
      tpu.enqueue_indirect_dma source(%arg15 : memref<128x128xf32, #tpu.memory_space<vmem>>) target(%dma_start3A_284 : memref<10000x128xf32, #tpu.memory_space<vmem_shared>>) offsets(%arg12 : memref<128xi32, #tpu.memory_space<vmem>>) semaphore(%arg21 : memref<!tpu.dma_semaphore, #tpu.memory_space<semaphore_mem>>) {add = true}
    }
    %scan3A_118 = arith.constant 25 : i32
    %dma_wait3A_119 = arith.constant 0 : i32
    %dma_wait3A_120 = arith.constant 0 : i32
    %dma_wait3A_121 = tpu.memref_slice %arg16[%dma_wait3A_119, %dma_wait3A_120] : memref<10000x128xf32, #tpu.memory_space<vmem_shared>> -> memref<10000x128xf32, #tpu.memory_space<vmem_shared>>
    tpu.wait_indirect_dma semaphore(%arg21 : memref<!tpu.dma_semaphore, #tpu.memory_space<semaphore_mem>>) src(%arg13 : memref<128x128xf32, #tpu.memory_space<vmem>>) dst(%dma_wait3A_121 : memref<10000x128xf32, #tpu.memory_space<vmem_shared>>)
    %dma_wait3A_122 = arith.constant 0 : i32
    %dma_wait3A_123 = arith.constant 0 : i32
    %dma_wait3A_124 = tpu.memref_slice %arg16[%dma_wait3A_122, %dma_wait3A_123] : memref<10000x128xf32, #tpu.memory_space<vmem_shared>> -> memref<10000x128xf32, #tpu.memory_space<vmem_shared>>
    tpu.wait_indirect_dma semaphore(%arg21 : memref<!tpu.dma_semaphore, #tpu.memory_space<semaphore_mem>>) src(%arg14 : memref<128x128xf32, #tpu.memory_space<vmem>>) dst(%dma_wait3A_124 : memref<10000x128xf32, #tpu.memory_space<vmem_shared>>)
    %dma_wait3A_125 = arith.constant 0 : i32
    %dma_wait3A_126 = arith.constant 0 : i32
    %dma_wait3A_127 = tpu.memref_slice %arg16[%dma_wait3A_125, %dma_wait3A_126] : memref<10000x128xf32, #tpu.memory_space<vmem_shared>> -> memref<10000x128xf32, #tpu.memory_space<vmem_shared>>
    tpu.wait_indirect_dma semaphore(%arg21 : memref<!tpu.dma_semaphore, #tpu.memory_space<semaphore_mem>>) src(%arg15 : memref<128x128xf32, #tpu.memory_space<vmem>>) dst(%dma_wait3A_127 : memref<10000x128xf32, #tpu.memory_space<vmem_shared>>)
    %lt3A = arith.constant 4 : i32
    %lt3A_128 = arith.cmpi slt, %add3A, %lt3A : i32
    %convert_element_type3A_129 = arith.extui %lt3A_128 : i1 to i32
    %cond3A_130 = arith.constant 0 : i32
    %cond3A_131 = arith.cmpi ne, %convert_element_type3A_129, %cond3A_130 : i32
    scf.if %cond3A_131 {
      %add3A_138 = arith.constant 2496 : i32
      %add3A_139 = arith.addi %add3A_138, %add3A : i32
      %mul3A_140 = arith.constant 128 : i32
      %mul3A_141 = arith.muli %add3A_139, %mul3A_140 : i32
      %multiple_of3A_142 = tpu.assume_multiple %mul3A_141, 8 : i32
      "tpu.region"() ({
        %run_scoped3A = tpu.sem_alloc : memref<!tpu.dma_semaphore, #tpu.memory_space<semaphore_mem>>
        %dma_start3A_149 = tpu.memref_slice %arg3[%multiple_of3A_142] : memref<320000xi32, #tpu.memory_space<hbm>> -> memref<128xi32, #tpu.memory_space<hbm>>
        %dma_start3A_150 = tpu.memref_slice %arg3[%multiple_of3A_142] : memref<320000xi32, #tpu.memory_space<hbm>> -> memref<128xi32, #tpu.memory_space<hbm>>
        tpu.enqueue_dma source(%dma_start3A_150 : memref<128xi32, #tpu.memory_space<hbm>>) target(%arg7 : memref<128xi32, #tpu.memory_space<vmem>>) target_semaphore(%run_scoped3A : memref<!tpu.dma_semaphore, #tpu.memory_space<semaphore_mem>>)
        %dma_wait3A_151 = tpu.memref_slice %arg3[%multiple_of3A_142] : memref<320000xi32, #tpu.memory_space<hbm>> -> memref<128xi32, #tpu.memory_space<hbm>>
        %dma_wait3A_152 = tpu.memref_slice %arg3[%multiple_of3A_142] : memref<320000xi32, #tpu.memory_space<hbm>> -> memref<128xi32, #tpu.memory_space<hbm>>
        tpu.wait_dma2 semaphore(%run_scoped3A : memref<!tpu.dma_semaphore, #tpu.memory_space<semaphore_mem>>) src(%dma_wait3A_152 : memref<128xi32, #tpu.memory_space<hbm>>) dst(%arg7 : memref<128xi32, #tpu.memory_space<vmem>>)
        tpu.yield
      }) : () -> ()
      "tpu.region"() ({
        %run_scoped3A = tpu.sem_alloc : memref<!tpu.dma_semaphore, #tpu.memory_space<semaphore_mem>>
        %dma_start3A_149 = tpu.memref_slice %arg4[%multiple_of3A_142] : memref<320000xi32, #tpu.memory_space<hbm>> -> memref<128xi32, #tpu.memory_space<hbm>>
        %dma_start3A_150 = tpu.memref_slice %arg4[%multiple_of3A_142] : memref<320000xi32, #tpu.memory_space<hbm>> -> memref<128xi32, #tpu.memory_space<hbm>>
        tpu.enqueue_dma source(%dma_start3A_150 : memref<128xi32, #tpu.memory_space<hbm>>) target(%arg10 : memref<128xi32, #tpu.memory_space<vmem>>) target_semaphore(%run_scoped3A : memref<!tpu.dma_semaphore, #tpu.memory_space<semaphore_mem>>)
        %dma_wait3A_151 = tpu.memref_slice %arg4[%multiple_of3A_142] : memref<320000xi32, #tpu.memory_space<hbm>> -> memref<128xi32, #tpu.memory_space<hbm>>
        %dma_wait3A_152 = tpu.memref_slice %arg4[%multiple_of3A_142] : memref<320000xi32, #tpu.memory_space<hbm>> -> memref<128xi32, #tpu.memory_space<hbm>>
        tpu.wait_dma2 semaphore(%run_scoped3A : memref<!tpu.dma_semaphore, #tpu.memory_space<semaphore_mem>>) src(%dma_wait3A_152 : memref<128xi32, #tpu.memory_space<hbm>>) dst(%arg10 : memref<128xi32, #tpu.memory_space<vmem>>)
        tpu.yield
      }) : () -> ()
      %dma_start3A_143 = arith.constant 0 : i32
      %dma_start3A_144 = arith.constant 0 : i32
      %dma_start3A_145 = tpu.memref_slice %arg2[%dma_start3A_143, %dma_start3A_144] : memref<10000x128xf32, #tpu.memory_space<hbm>> -> memref<10000x128xf32, #tpu.memory_space<hbm>>
      tpu.enqueue_indirect_dma source(%dma_start3A_145 : memref<10000x128xf32, #tpu.memory_space<hbm>>) target(%arg13 : memref<128x128xf32, #tpu.memory_space<vmem>>) offsets(%arg7 : memref<128xi32, #tpu.memory_space<vmem>>) semaphore(%arg20 : memref<!tpu.dma_semaphore, #tpu.memory_space<semaphore_mem>>)
      %dma_wait3A_146 = arith.constant 0 : i32
      %dma_wait3A_147 = arith.constant 0 : i32
      %dma_wait3A_148 = tpu.memref_slice %arg2[%dma_wait3A_146, %dma_wait3A_147] : memref<10000x128xf32, #tpu.memory_space<hbm>> -> memref<10000x128xf32, #tpu.memory_space<hbm>>
      tpu.wait_indirect_dma semaphore(%arg20 : memref<!tpu.dma_semaphore, #tpu.memory_space<semaphore_mem>>) src(%dma_wait3A_148 : memref<10000x128xf32, #tpu.memory_space<hbm>>) dst(%arg13 : memref<128x128xf32, #tpu.memory_space<vmem>>)
      "tpu.region"() ({
        %run_scoped3A = tpu.sem_alloc : memref<!tpu.dma_semaphore, #tpu.memory_space<semaphore_mem>>
        %dma_start3A_149 = arith.constant 0 : i32
        %dma_start3A_150 = arith.constant 0 : i32
        %dma_start3A_151 = tpu.memref_slice %arg16[%dma_start3A_149, %dma_start3A_150] : memref<10000x128xf32, #tpu.memory_space<vmem_shared>> -> memref<10000x128xf32, #tpu.memory_space<vmem_shared>>
        tpu.enqueue_indirect_dma source(%arg13 : memref<128x128xf32, #tpu.memory_space<vmem>>) target(%dma_start3A_151 : memref<10000x128xf32, #tpu.memory_space<vmem_shared>>) offsets(%arg10 : memref<128xi32, #tpu.memory_space<vmem>>) semaphore(%run_scoped3A : memref<!tpu.dma_semaphore, #tpu.memory_space<semaphore_mem>>) {add = true}
        %dma_wait3A_152 = arith.constant 0 : i32
        %dma_wait3A_153 = arith.constant 0 : i32
        %dma_wait3A_154 = tpu.memref_slice %arg16[%dma_wait3A_152, %dma_wait3A_153] : memref<10000x128xf32, #tpu.memory_space<vmem_shared>> -> memref<10000x128xf32, #tpu.memory_space<vmem_shared>>
        tpu.wait_indirect_dma semaphore(%run_scoped3A : memref<!tpu.dma_semaphore, #tpu.memory_space<semaphore_mem>>) src(%arg13 : memref<128x128xf32, #tpu.memory_space<vmem>>) dst(%dma_wait3A_154 : memref<10000x128xf32, #tpu.memory_space<vmem_shared>>)
        tpu.yield
      }) : () -> ()
    } else {
    }
    %barrier3A_132 = arith.constant 0 : index
    tpu.barrier barrier_id(%barrier3A_132)
    "tpu.region"() ({
      %run_scoped3A = tpu.sem_alloc : memref<!tpu.dma_semaphore, #tpu.memory_space<semaphore_mem>>
      %dma_start3A_138 = arith.constant 0 : i32
      %dma_start3A_139 = tpu.memref_slice %arg6[%arg0, %multiple_of3A, %dma_start3A_138] : memref<2x10000x128xf32, #tpu.memory_space<hbm>> -> memref<1x624x128xf32, #tpu.memory_space<hbm>>
      %dma_start3A_140 = tpu.memref_squeeze %dma_start3A_139 : memref<1x624x128xf32, #tpu.memory_space<hbm>> -> memref<624x128xf32, #tpu.memory_space<hbm>>
      %dma_start3A_141 = arith.constant 0 : i32
      %dma_start3A_142 = tpu.memref_slice %arg16[%multiple_of3A, %dma_start3A_141] : memref<10000x128xf32, #tpu.memory_space<vmem_shared>> -> memref<624x128xf32, #tpu.memory_space<vmem_shared>>
      tpu.enqueue_dma source(%dma_start3A_142 : memref<624x128xf32, #tpu.memory_space<vmem_shared>>) target(%dma_start3A_140 : memref<624x128xf32, #tpu.memory_space<hbm>>) target_semaphore(%run_scoped3A : memref<!tpu.dma_semaphore, #tpu.memory_space<semaphore_mem>>)
      %dma_wait3A_143 = arith.constant 0 : i32
      %dma_wait3A_144 = tpu.memref_slice %arg6[%arg0, %multiple_of3A, %dma_wait3A_143] : memref<2x10000x128xf32, #tpu.memory_space<hbm>> -> memref<1x624x128xf32, #tpu.memory_space<hbm>>
      %dma_wait3A_145 = tpu.memref_squeeze %dma_wait3A_144 : memref<1x624x128xf32, #tpu.memory_space<hbm>> -> memref<624x128xf32, #tpu.memory_space<hbm>>
      %dma_wait3A_146 = arith.constant 0 : i32
      %dma_wait3A_147 = tpu.memref_slice %arg16[%multiple_of3A, %dma_wait3A_146] : memref<10000x128xf32, #tpu.memory_space<vmem_shared>> -> memref<624x128xf32, #tpu.memory_space<vmem_shared>>
      tpu.wait_dma2 semaphore(%run_scoped3A : memref<!tpu.dma_semaphore, #tpu.memory_space<semaphore_mem>>) src(%dma_wait3A_147 : memref<624x128xf32, #tpu.memory_space<vmem_shared>>) dst(%dma_wait3A_145 : memref<624x128xf32, #tpu.memory_space<hbm>>)
      tpu.yield
    }) : () -> ()
    %eq3A_133 = arith.constant 0 : i32
    %eq3A_134 = arith.cmpi eq, %arg1, %eq3A_133 : i32
    %convert_element_type3A_135 = arith.extui %eq3A_134 : i1 to i32
    %cond3A_136 = arith.constant 0 : i32
    %cond3A_137 = arith.cmpi ne, %convert_element_type3A_135, %cond3A_136 : i32
    scf.if %cond3A_137 {
      "tpu.region"() ({
        %run_scoped3A = tpu.sem_alloc : memref<!tpu.dma_semaphore, #tpu.memory_space<semaphore_mem>>
        %dma_start3A_138 = arith.constant 9984 : i32
        %dma_start3A_139 = arith.constant 0 : i32
        %dma_start3A_140 = tpu.memref_slice %arg6[%arg0, %dma_start3A_138, %dma_start3A_139] : memref<2x10000x128xf32, #tpu.memory_space<hbm>> -> memref<1x16x128xf32, #tpu.memory_space<hbm>>
        %dma_start3A_141 = tpu.memref_squeeze %dma_start3A_140 : memref<1x16x128xf32, #tpu.memory_space<hbm>> -> memref<16x128xf32, #tpu.memory_space<hbm>>
        %dma_start3A_142 = arith.constant 9984 : i32
        %dma_start3A_143 = arith.constant 0 : i32
        %dma_start3A_144 = tpu.memref_slice %arg16[%dma_start3A_142, %dma_start3A_143] : memref<10000x128xf32, #tpu.memory_space<vmem_shared>> -> memref<16x128xf32, #tpu.memory_space<vmem_shared>>
        tpu.enqueue_dma source(%dma_start3A_144 : memref<16x128xf32, #tpu.memory_space<vmem_shared>>) target(%dma_start3A_141 : memref<16x128xf32, #tpu.memory_space<hbm>>) target_semaphore(%run_scoped3A : memref<!tpu.dma_semaphore, #tpu.memory_space<semaphore_mem>>)
        %dma_wait3A_145 = arith.constant 9984 : i32
        %dma_wait3A_146 = arith.constant 0 : i32
        %dma_wait3A_147 = tpu.memref_slice %arg6[%arg0, %dma_wait3A_145, %dma_wait3A_146] : memref<2x10000x128xf32, #tpu.memory_space<hbm>> -> memref<1x16x128xf32, #tpu.memory_space<hbm>>
        %dma_wait3A_148 = tpu.memref_squeeze %dma_wait3A_147 : memref<1x16x128xf32, #tpu.memory_space<hbm>> -> memref<16x128xf32, #tpu.memory_space<hbm>>
        %dma_wait3A_149 = arith.constant 9984 : i32
        %dma_wait3A_150 = arith.constant 0 : i32
        %dma_wait3A_151 = tpu.memref_slice %arg16[%dma_wait3A_149, %dma_wait3A_150] : memref<10000x128xf32, #tpu.memory_space<vmem_shared>> -> memref<16x128xf32, #tpu.memory_space<vmem_shared>>
        tpu.wait_dma2 semaphore(%run_scoped3A : memref<!tpu.dma_semaphore, #tpu.memory_space<semaphore_mem>>) src(%dma_wait3A_151 : memref<16x128xf32, #tpu.memory_space<vmem_shared>>) dst(%dma_wait3A_148 : memref<16x128xf32, #tpu.memory_space<hbm>>)
        tpu.yield
      }) : () -> ()
    } else {
    }
    return
  }
}

#map = affine_map<(d0, d1) -> (0, 0)>
#map1 = affine_map<(d0, d1) -> (0)>
#map2 = affine_map<(d0, d1) -> (0, 0, 0)>
module attributes {stable_mosaic.version = 14 : i64} {
  func.func @_sc_segsum_body(%arg0: i32, %arg1: i32, %arg2: memref<10000x128xf32, #tpu.memory_space<hbm>>, %arg3: memref<320000xi32, #tpu.memory_space<hbm>>, %arg4: memref<320000xi32, #tpu.memory_space<hbm>>, %arg5: memref<10000x128xf32, #tpu.memory_space<hbm>>, %arg6: memref<2x10000x128xf32, #tpu.memory_space<hbm>>, %arg7: memref<128xi32, #tpu.memory_space<vmem>>, %arg8: memref<128xi32, #tpu.memory_space<vmem>>, %arg9: memref<128xi32, #tpu.memory_space<vmem>>, %arg10: memref<128xi32, #tpu.memory_space<vmem>>, %arg11: memref<128xi32, #tpu.memory_space<vmem>>, %arg12: memref<128xi32, #tpu.memory_space<vmem>>, %arg13: memref<128x128xf32, #tpu.memory_space<vmem>>, %arg14: memref<128x128xf32, #tpu.memory_space<vmem>>, %arg15: memref<128x128xf32, #tpu.memory_space<vmem>>, %arg16: memref<10000x128xf32, #tpu.memory_space<vmem_shared>>, %arg17: memref<!tpu.dma_semaphore, #tpu.memory_space<semaphore_mem>>, %arg18: memref<!tpu.dma_semaphore, #tpu.memory_space<semaphore_mem>>, %arg19: memref<!tpu.dma_semaphore, #tpu.memory_space<semaphore_mem>>, %arg20: memref<!tpu.dma_semaphore, #tpu.memory_space<semaphore_mem>>, %arg21: memref<!tpu.dma_semaphore, #tpu.memory_space<semaphore_mem>>) attributes {dimension_semantics = [#tpu.dimension_semantics<core_parallel>, #tpu.dimension_semantics<subcore_parallel>], iteration_bounds = array<i64: 2, 16>, scalar_prefetch = 0 : i64, scratch_operands = 15 : i64, tpu.core_type = #tpu.core_type<sc_vector_subcore>, window_params = [{transform_indices = #map}, {transform_indices = #map1}, {transform_indices = #map1}, {transform_indices = #map}, {transform_indices = #map2}]} {
    %mul3A = arith.constant 2 : i32
    %mul3A_0 = arith.muli %arg1, %mul3A : i32
    %add3A = arith.addi %mul3A_0, %arg0 : i32
    %mul3A_1 = arith.constant 624 : i32
    %mul3A_2 = arith.muli %arg1, %mul3A_1 : i32
    %multiple_of3A = tpu.assume_multiple %mul3A_2, 8 : i32
    "tpu.region"() ({
      %run_scoped3A = tpu.sem_alloc : memref<!tpu.dma_semaphore, #tpu.memory_space<semaphore_mem>>
      %dma_start3A_138 = arith.constant 0 : i32
      %dma_start3A_139 = tpu.memref_slice %arg16[%multiple_of3A, %dma_start3A_138] : memref<10000x128xf32, #tpu.memory_space<vmem_shared>> -> memref<624x128xf32, #tpu.memory_space<vmem_shared>>
      %dma_start3A_140 = arith.constant 0 : i32
      %dma_start3A_141 = tpu.memref_slice %arg5[%multiple_of3A, %dma_start3A_140] : memref<10000x128xf32, #tpu.memory_space<hbm>> -> memref<624x128xf32, #tpu.memory_space<hbm>>
      tpu.enqueue_dma source(%dma_start3A_141 : memref<624x128xf32, #tpu.memory_space<hbm>>) target(%dma_start3A_139 : memref<624x128xf32, #tpu.memory_space<vmem_shared>>) target_semaphore(%run_scoped3A : memref<!tpu.dma_semaphore, #tpu.memory_space<semaphore_mem>>)
      %dma_wait3A_142 = arith.constant 0 : i32
      %dma_wait3A_143 = tpu.memref_slice %arg16[%multiple_of3A, %dma_wait3A_142] : memref<10000x128xf32, #tpu.memory_space<vmem_shared>> -> memref<624x128xf32, #tpu.memory_space<vmem_shared>>
      %dma_wait3A_144 = arith.constant 0 : i32
      %dma_wait3A_145 = tpu.memref_slice %arg5[%multiple_of3A, %dma_wait3A_144] : memref<10000x128xf32, #tpu.memory_space<hbm>> -> memref<624x128xf32, #tpu.memory_space<hbm>>
      tpu.wait_dma2 semaphore(%run_scoped3A : memref<!tpu.dma_semaphore, #tpu.memory_space<semaphore_mem>>) src(%dma_wait3A_145 : memref<624x128xf32, #tpu.memory_space<hbm>>) dst(%dma_wait3A_143 : memref<624x128xf32, #tpu.memory_space<vmem_shared>>)
      tpu.yield
    }) : () -> ()
    %eq3A = arith.constant 0 : i32
    %eq3A_3 = arith.cmpi eq, %arg1, %eq3A : i32
    %convert_element_type3A = arith.extui %eq3A_3 : i1 to i32
    %cond3A = arith.constant 0 : i32
    %cond3A_4 = arith.cmpi ne, %convert_element_type3A, %cond3A : i32
    scf.if %cond3A_4 {
      "tpu.region"() ({
        %run_scoped3A = tpu.sem_alloc : memref<!tpu.dma_semaphore, #tpu.memory_space<semaphore_mem>>
        %dma_start3A_138 = arith.constant 9984 : i32
        %dma_start3A_139 = arith.constant 0 : i32
        %dma_start3A_140 = tpu.memref_slice %arg16[%dma_start3A_138, %dma_start3A_139] : memref<10000x128xf32, #tpu.memory_space<vmem_shared>> -> memref<16x128xf32, #tpu.memory_space<vmem_shared>>
        %dma_start3A_141 = arith.constant 9984 : i32
        %dma_start3A_142 = arith.constant 0 : i32
        %dma_start3A_143 = tpu.memref_slice %arg5[%dma_start3A_141, %dma_start3A_142] : memref<10000x128xf32, #tpu.memory_space<hbm>> -> memref<16x128xf32, #tpu.memory_space<hbm>>
        tpu.enqueue_dma source(%dma_start3A_143 : memref<16x128xf32, #tpu.memory_space<hbm>>) target(%dma_start3A_140 : memref<16x128xf32, #tpu.memory_space<vmem_shared>>) target_semaphore(%run_scoped3A : memref<!tpu.dma_semaphore, #tpu.memory_space<semaphore_mem>>)
        %dma_wait3A_144 = arith.constant 9984 : i32
        %dma_wait3A_145 = arith.constant 0 : i32
        %dma_wait3A_146 = tpu.memref_slice %arg16[%dma_wait3A_144, %dma_wait3A_145] : memref<10000x128xf32, #tpu.memory_space<vmem_shared>> -> memref<16x128xf32, #tpu.memory_space<vmem_shared>>
        %dma_wait3A_147 = arith.constant 9984 : i32
        %dma_wait3A_148 = arith.constant 0 : i32
        %dma_wait3A_149 = tpu.memref_slice %arg5[%dma_wait3A_147, %dma_wait3A_148] : memref<10000x128xf32, #tpu.memory_space<hbm>> -> memref<16x128xf32, #tpu.memory_space<hbm>>
        tpu.wait_dma2 semaphore(%run_scoped3A : memref<!tpu.dma_semaphore, #tpu.memory_space<semaphore_mem>>) src(%dma_wait3A_149 : memref<16x128xf32, #tpu.memory_space<hbm>>) dst(%dma_wait3A_146 : memref<16x128xf32, #tpu.memory_space<vmem_shared>>)
        tpu.yield
      }) : () -> ()
    } else {
    }
    %barrier3A = arith.constant 0 : index
    tpu.barrier barrier_id(%barrier3A)
    %add3A_5 = arith.constant 0 : i32
    %add3A_6 = arith.addi %add3A, %add3A_5 : i32
    %mul3A_7 = arith.constant 128 : i32
    %mul3A_8 = arith.muli %add3A_6, %mul3A_7 : i32
    %multiple_of3A_9 = tpu.assume_multiple %mul3A_8, 8 : i32
    %dma_start3A = tpu.memref_slice %arg3[%multiple_of3A_9] : memref<320000xi32, #tpu.memory_space<hbm>> -> memref<128xi32, #tpu.memory_space<hbm>>
    %dma_start3A_10 = tpu.memref_slice %arg3[%multiple_of3A_9] : memref<320000xi32, #tpu.memory_space<hbm>> -> memref<128xi32, #tpu.memory_space<hbm>>
    tpu.enqueue_dma source(%dma_start3A_10 : memref<128xi32, #tpu.memory_space<hbm>>) target(%arg7 : memref<128xi32, #tpu.memory_space<vmem>>) target_semaphore(%arg17 : memref<!tpu.dma_semaphore, #tpu.memory_space<semaphore_mem>>)
    %add3A_11 = arith.constant 0 : i32
    %add3A_12 = arith.addi %add3A, %add3A_11 : i32
    %mul3A_13 = arith.constant 128 : i32
    %mul3A_14 = arith.muli %add3A_12, %mul3A_13 : i32
    %multiple_of3A_15 = tpu.assume_multiple %mul3A_14, 8 : i32
    %dma_start3A_16 = tpu.memref_slice %arg4[%multiple_of3A_15] : memref<320000xi32, #tpu.memory_space<hbm>> -> memref<128xi32, #tpu.memory_space<hbm>>
    %dma_start3A_17 = tpu.memref_slice %arg4[%multiple_of3A_15] : memref<320000xi32, #tpu.memory_space<hbm>> -> memref<128xi32, #tpu.memory_space<hbm>>
    tpu.enqueue_dma source(%dma_start3A_17 : memref<128xi32, #tpu.memory_space<hbm>>) target(%arg10 : memref<128xi32, #tpu.memory_space<vmem>>) target_semaphore(%arg17 : memref<!tpu.dma_semaphore, #tpu.memory_space<semaphore_mem>>)
    %add3A_18 = arith.constant 32 : i32
    %add3A_19 = arith.addi %add3A, %add3A_18 : i32
    %mul3A_20 = arith.constant 128 : i32
    %mul3A_21 = arith.muli %add3A_19, %mul3A_20 : i32
    %multiple_of3A_22 = tpu.assume_multiple %mul3A_21, 8 : i32
    %dma_start3A_23 = tpu.memref_slice %arg3[%multiple_of3A_22] : memref<320000xi32, #tpu.memory_space<hbm>> -> memref<128xi32, #tpu.memory_space<hbm>>
    %dma_start3A_24 = tpu.memref_slice %arg3[%multiple_of3A_22] : memref<320000xi32, #tpu.memory_space<hbm>> -> memref<128xi32, #tpu.memory_space<hbm>>
    tpu.enqueue_dma source(%dma_start3A_24 : memref<128xi32, #tpu.memory_space<hbm>>) target(%arg8 : memref<128xi32, #tpu.memory_space<vmem>>) target_semaphore(%arg18 : memref<!tpu.dma_semaphore, #tpu.memory_space<semaphore_mem>>)
    %add3A_25 = arith.constant 32 : i32
    %add3A_26 = arith.addi %add3A, %add3A_25 : i32
    %mul3A_27 = arith.constant 128 : i32
    %mul3A_28 = arith.muli %add3A_26, %mul3A_27 : i32
    %multiple_of3A_29 = tpu.assume_multiple %mul3A_28, 8 : i32
    %dma_start3A_30 = tpu.memref_slice %arg4[%multiple_of3A_29] : memref<320000xi32, #tpu.memory_space<hbm>> -> memref<128xi32, #tpu.memory_space<hbm>>
    %dma_start3A_31 = tpu.memref_slice %arg4[%multiple_of3A_29] : memref<320000xi32, #tpu.memory_space<hbm>> -> memref<128xi32, #tpu.memory_space<hbm>>
    tpu.enqueue_dma source(%dma_start3A_31 : memref<128xi32, #tpu.memory_space<hbm>>) target(%arg11 : memref<128xi32, #tpu.memory_space<vmem>>) target_semaphore(%arg18 : memref<!tpu.dma_semaphore, #tpu.memory_space<semaphore_mem>>)
    %add3A_32 = arith.constant 64 : i32
    %add3A_33 = arith.addi %add3A, %add3A_32 : i32
    %mul3A_34 = arith.constant 128 : i32
    %mul3A_35 = arith.muli %add3A_33, %mul3A_34 : i32
    %multiple_of3A_36 = tpu.assume_multiple %mul3A_35, 8 : i32
    %dma_start3A_37 = tpu.memref_slice %arg3[%multiple_of3A_36] : memref<320000xi32, #tpu.memory_space<hbm>> -> memref<128xi32, #tpu.memory_space<hbm>>
    %dma_start3A_38 = tpu.memref_slice %arg3[%multiple_of3A_36] : memref<320000xi32, #tpu.memory_space<hbm>> -> memref<128xi32, #tpu.memory_space<hbm>>
    tpu.enqueue_dma source(%dma_start3A_38 : memref<128xi32, #tpu.memory_space<hbm>>) target(%arg9 : memref<128xi32, #tpu.memory_space<vmem>>) target_semaphore(%arg19 : memref<!tpu.dma_semaphore, #tpu.memory_space<semaphore_mem>>)
    %add3A_39 = arith.constant 64 : i32
    %add3A_40 = arith.addi %add3A, %add3A_39 : i32
    %mul3A_41 = arith.constant 128 : i32
    %mul3A_42 = arith.muli %add3A_40, %mul3A_41 : i32
    %multiple_of3A_43 = tpu.assume_multiple %mul3A_42, 8 : i32
    %dma_start3A_44 = tpu.memref_slice %arg4[%multiple_of3A_43] : memref<320000xi32, #tpu.memory_space<hbm>> -> memref<128xi32, #tpu.memory_space<hbm>>
    %dma_start3A_45 = tpu.memref_slice %arg4[%multiple_of3A_43] : memref<320000xi32, #tpu.memory_space<hbm>> -> memref<128xi32, #tpu.memory_space<hbm>>
    tpu.enqueue_dma source(%dma_start3A_45 : memref<128xi32, #tpu.memory_space<hbm>>) target(%arg12 : memref<128xi32, #tpu.memory_space<vmem>>) target_semaphore(%arg19 : memref<!tpu.dma_semaphore, #tpu.memory_space<semaphore_mem>>)
    %add3A_46 = arith.constant 0 : i32
    %add3A_47 = arith.addi %add3A, %add3A_46 : i32
    %mul3A_48 = arith.constant 128 : i32
    %mul3A_49 = arith.muli %add3A_47, %mul3A_48 : i32
    %multiple_of3A_50 = tpu.assume_multiple %mul3A_49, 8 : i32
    %dma_wait3A = tpu.memref_slice %arg3[%multiple_of3A_50] : memref<320000xi32, #tpu.memory_space<hbm>> -> memref<128xi32, #tpu.memory_space<hbm>>
    %dma_wait3A_51 = tpu.memref_slice %arg3[%multiple_of3A_50] : memref<320000xi32, #tpu.memory_space<hbm>> -> memref<128xi32, #tpu.memory_space<hbm>>
    tpu.wait_dma2 semaphore(%arg17 : memref<!tpu.dma_semaphore, #tpu.memory_space<semaphore_mem>>) src(%dma_wait3A_51 : memref<128xi32, #tpu.memory_space<hbm>>) dst(%arg7 : memref<128xi32, #tpu.memory_space<vmem>>)
    %add3A_52 = arith.constant 0 : i32
    %add3A_53 = arith.addi %add3A, %add3A_52 : i32
    %mul3A_54 = arith.constant 128 : i32
    %mul3A_55 = arith.muli %add3A_53, %mul3A_54 : i32
    %multiple_of3A_56 = tpu.assume_multiple %mul3A_55, 8 : i32
    %dma_wait3A_57 = tpu.memref_slice %arg4[%multiple_of3A_56] : memref<320000xi32, #tpu.memory_space<hbm>> -> memref<128xi32, #tpu.memory_space<hbm>>
    %dma_wait3A_58 = tpu.memref_slice %arg4[%multiple_of3A_56] : memref<320000xi32, #tpu.memory_space<hbm>> -> memref<128xi32, #tpu.memory_space<hbm>>
    tpu.wait_dma2 semaphore(%arg17 : memref<!tpu.dma_semaphore, #tpu.memory_space<semaphore_mem>>) src(%dma_wait3A_58 : memref<128xi32, #tpu.memory_space<hbm>>) dst(%arg10 : memref<128xi32, #tpu.memory_space<vmem>>)
    %dma_start3A_59 = arith.constant 0 : i32
    %dma_start3A_60 = arith.constant 0 : i32
    %dma_start3A_61 = tpu.memref_slice %arg2[%dma_start3A_59, %dma_start3A_60] : memref<10000x128xf32, #tpu.memory_space<hbm>> -> memref<10000x128xf32, #tpu.memory_space<hbm>>
    tpu.enqueue_indirect_dma source(%dma_start3A_61 : memref<10000x128xf32, #tpu.memory_space<hbm>>) target(%arg13 : memref<128x128xf32, #tpu.memory_space<vmem>>) offsets(%arg7 : memref<128xi32, #tpu.memory_space<vmem>>) semaphore(%arg20 : memref<!tpu.dma_semaphore, #tpu.memory_space<semaphore_mem>>)
    %add3A_62 = arith.constant 32 : i32
    %add3A_63 = arith.addi %add3A, %add3A_62 : i32
    %mul3A_64 = arith.constant 128 : i32
    %mul3A_65 = arith.muli %add3A_63, %mul3A_64 : i32
    %multiple_of3A_66 = tpu.assume_multiple %mul3A_65, 8 : i32
    %dma_wait3A_67 = tpu.memref_slice %arg3[%multiple_of3A_66] : memref<320000xi32, #tpu.memory_space<hbm>> -> memref<128xi32, #tpu.memory_space<hbm>>
    %dma_wait3A_68 = tpu.memref_slice %arg3[%multiple_of3A_66] : memref<320000xi32, #tpu.memory_space<hbm>> -> memref<128xi32, #tpu.memory_space<hbm>>
    tpu.wait_dma2 semaphore(%arg18 : memref<!tpu.dma_semaphore, #tpu.memory_space<semaphore_mem>>) src(%dma_wait3A_68 : memref<128xi32, #tpu.memory_space<hbm>>) dst(%arg8 : memref<128xi32, #tpu.memory_space<vmem>>)
    %add3A_69 = arith.constant 32 : i32
    %add3A_70 = arith.addi %add3A, %add3A_69 : i32
    %mul3A_71 = arith.constant 128 : i32
    %mul3A_72 = arith.muli %add3A_70, %mul3A_71 : i32
    %multiple_of3A_73 = tpu.assume_multiple %mul3A_72, 8 : i32
    %dma_wait3A_74 = tpu.memref_slice %arg4[%multiple_of3A_73] : memref<320000xi32, #tpu.memory_space<hbm>> -> memref<128xi32, #tpu.memory_space<hbm>>
    %dma_wait3A_75 = tpu.memref_slice %arg4[%multiple_of3A_73] : memref<320000xi32, #tpu.memory_space<hbm>> -> memref<128xi32, #tpu.memory_space<hbm>>
    tpu.wait_dma2 semaphore(%arg18 : memref<!tpu.dma_semaphore, #tpu.memory_space<semaphore_mem>>) src(%dma_wait3A_75 : memref<128xi32, #tpu.memory_space<hbm>>) dst(%arg11 : memref<128xi32, #tpu.memory_space<vmem>>)
    %dma_start3A_76 = arith.constant 0 : i32
    %dma_start3A_77 = arith.constant 0 : i32
    %dma_start3A_78 = tpu.memref_slice %arg2[%dma_start3A_76, %dma_start3A_77] : memref<10000x128xf32, #tpu.memory_space<hbm>> -> memref<10000x128xf32, #tpu.memory_space<hbm>>
    tpu.enqueue_indirect_dma source(%dma_start3A_78 : memref<10000x128xf32, #tpu.memory_space<hbm>>) target(%arg14 : memref<128x128xf32, #tpu.memory_space<vmem>>) offsets(%arg8 : memref<128xi32, #tpu.memory_space<vmem>>) semaphore(%arg20 : memref<!tpu.dma_semaphore, #tpu.memory_space<semaphore_mem>>)
    %add3A_79 = arith.constant 64 : i32
    %add3A_80 = arith.addi %add3A, %add3A_79 : i32
    %mul3A_81 = arith.constant 128 : i32
    %mul3A_82 = arith.muli %add3A_80, %mul3A_81 : i32
    %multiple_of3A_83 = tpu.assume_multiple %mul3A_82, 8 : i32
    %dma_wait3A_84 = tpu.memref_slice %arg3[%multiple_of3A_83] : memref<320000xi32, #tpu.memory_space<hbm>> -> memref<128xi32, #tpu.memory_space<hbm>>
    %dma_wait3A_85 = tpu.memref_slice %arg3[%multiple_of3A_83] : memref<320000xi32, #tpu.memory_space<hbm>> -> memref<128xi32, #tpu.memory_space<hbm>>
    tpu.wait_dma2 semaphore(%arg19 : memref<!tpu.dma_semaphore, #tpu.memory_space<semaphore_mem>>) src(%dma_wait3A_85 : memref<128xi32, #tpu.memory_space<hbm>>) dst(%arg9 : memref<128xi32, #tpu.memory_space<vmem>>)
    %add3A_86 = arith.constant 64 : i32
    %add3A_87 = arith.addi %add3A, %add3A_86 : i32
    %mul3A_88 = arith.constant 128 : i32
    %mul3A_89 = arith.muli %add3A_87, %mul3A_88 : i32
    %multiple_of3A_90 = tpu.assume_multiple %mul3A_89, 8 : i32
    %dma_wait3A_91 = tpu.memref_slice %arg4[%multiple_of3A_90] : memref<320000xi32, #tpu.memory_space<hbm>> -> memref<128xi32, #tpu.memory_space<hbm>>
    %dma_wait3A_92 = tpu.memref_slice %arg4[%multiple_of3A_90] : memref<320000xi32, #tpu.memory_space<hbm>> -> memref<128xi32, #tpu.memory_space<hbm>>
    tpu.wait_dma2 semaphore(%arg19 : memref<!tpu.dma_semaphore, #tpu.memory_space<semaphore_mem>>) src(%dma_wait3A_92 : memref<128xi32, #tpu.memory_space<hbm>>) dst(%arg12 : memref<128xi32, #tpu.memory_space<vmem>>)
    %dma_start3A_93 = arith.constant 0 : i32
    %dma_start3A_94 = arith.constant 0 : i32
    %dma_start3A_95 = tpu.memref_slice %arg2[%dma_start3A_93, %dma_start3A_94] : memref<10000x128xf32, #tpu.memory_space<hbm>> -> memref<10000x128xf32, #tpu.memory_space<hbm>>
    tpu.enqueue_indirect_dma source(%dma_start3A_95 : memref<10000x128xf32, #tpu.memory_space<hbm>>) target(%arg15 : memref<128x128xf32, #tpu.memory_space<vmem>>) offsets(%arg9 : memref<128xi32, #tpu.memory_space<vmem>>) semaphore(%arg20 : memref<!tpu.dma_semaphore, #tpu.memory_space<semaphore_mem>>)
    %dma_wait3A_96 = arith.constant 0 : i32
    %dma_wait3A_97 = arith.constant 0 : i32
    %dma_wait3A_98 = tpu.memref_slice %arg2[%dma_wait3A_96, %dma_wait3A_97] : memref<10000x128xf32, #tpu.memory_space<hbm>> -> memref<10000x128xf32, #tpu.memory_space<hbm>>
    tpu.wait_indirect_dma semaphore(%arg20 : memref<!tpu.dma_semaphore, #tpu.memory_space<semaphore_mem>>) src(%dma_wait3A_98 : memref<10000x128xf32, #tpu.memory_space<hbm>>) dst(%arg13 : memref<128x128xf32, #tpu.memory_space<vmem>>)
    %dma_start3A_99 = arith.constant 0 : i32
    %dma_start3A_100 = arith.constant 0 : i32
    %dma_start3A_101 = tpu.memref_slice %arg16[%dma_start3A_99, %dma_start3A_100] : memref<10000x128xf32, #tpu.memory_space<vmem_shared>> -> memref<10000x128xf32, #tpu.memory_space<vmem_shared>>
    tpu.enqueue_indirect_dma source(%arg13 : memref<128x128xf32, #tpu.memory_space<vmem>>) target(%dma_start3A_101 : memref<10000x128xf32, #tpu.memory_space<vmem_shared>>) offsets(%arg10 : memref<128xi32, #tpu.memory_space<vmem>>) semaphore(%arg21 : memref<!tpu.dma_semaphore, #tpu.memory_space<semaphore_mem>>) {add = true}
    %dma_wait3A_102 = arith.constant 0 : i32
    %dma_wait3A_103 = arith.constant 0 : i32
    %dma_wait3A_104 = tpu.memref_slice %arg2[%dma_wait3A_102, %dma_wait3A_103] : memref<10000x128xf32, #tpu.memory_space<hbm>> -> memref<10000x128xf32, #tpu.memory_space<hbm>>
    tpu.wait_indirect_dma semaphore(%arg20 : memref<!tpu.dma_semaphore, #tpu.memory_space<semaphore_mem>>) src(%dma_wait3A_104 : memref<10000x128xf32, #tpu.memory_space<hbm>>) dst(%arg14 : memref<128x128xf32, #tpu.memory_space<vmem>>)
    %dma_start3A_105 = arith.constant 0 : i32
    %dma_start3A_106 = arith.constant 0 : i32
    %dma_start3A_107 = tpu.memref_slice %arg16[%dma_start3A_105, %dma_start3A_106] : memref<10000x128xf32, #tpu.memory_space<vmem_shared>> -> memref<10000x128xf32, #tpu.memory_space<vmem_shared>>
    tpu.enqueue_indirect_dma source(%arg14 : memref<128x128xf32, #tpu.memory_space<vmem>>) target(%dma_start3A_107 : memref<10000x128xf32, #tpu.memory_space<vmem_shared>>) offsets(%arg11 : memref<128xi32, #tpu.memory_space<vmem>>) semaphore(%arg21 : memref<!tpu.dma_semaphore, #tpu.memory_space<semaphore_mem>>) {add = true}
    %dma_wait3A_108 = arith.constant 0 : i32
    %dma_wait3A_109 = arith.constant 0 : i32
    %dma_wait3A_110 = tpu.memref_slice %arg2[%dma_wait3A_108, %dma_wait3A_109] : memref<10000x128xf32, #tpu.memory_space<hbm>> -> memref<10000x128xf32, #tpu.memory_space<hbm>>
    tpu.wait_indirect_dma semaphore(%arg20 : memref<!tpu.dma_semaphore, #tpu.memory_space<semaphore_mem>>) src(%dma_wait3A_110 : memref<10000x128xf32, #tpu.memory_space<hbm>>) dst(%arg15 : memref<128x128xf32, #tpu.memory_space<vmem>>)
    %dma_start3A_111 = arith.constant 0 : i32
    %dma_start3A_112 = arith.constant 0 : i32
    %dma_start3A_113 = tpu.memref_slice %arg16[%dma_start3A_111, %dma_start3A_112] : memref<10000x128xf32, #tpu.memory_space<vmem_shared>> -> memref<10000x128xf32, #tpu.memory_space<vmem_shared>>
    tpu.enqueue_indirect_dma source(%arg15 : memref<128x128xf32, #tpu.memory_space<vmem>>) target(%dma_start3A_113 : memref<10000x128xf32, #tpu.memory_space<vmem_shared>>) offsets(%arg12 : memref<128xi32, #tpu.memory_space<vmem>>) semaphore(%arg21 : memref<!tpu.dma_semaphore, #tpu.memory_space<semaphore_mem>>) {add = true}
    %scan3A = arith.constant 0 : i32
    %scan3A_114 = arith.constant 1 : i32
    %scan3A_115 = arith.constant 25 : i32
    %scan3A_116 = arith.addi %scan3A_114, %scan3A_115 : i32
    %scan3A_117 = arith.constant 1 : i32
    scf.for %scan3A_138 = %scan3A_114 to %scan3A_116 step %scan3A_117  : i32 {
      %mul3A_139 = arith.constant 3 : i32
      %mul3A_140 = arith.muli %scan3A_138, %mul3A_139 : i32
      %dma_wait3A_141 = arith.constant 0 : i32
      %dma_wait3A_142 = arith.constant 0 : i32
      %dma_wait3A_143 = tpu.memref_slice %arg16[%dma_wait3A_141, %dma_wait3A_142] : memref<10000x128xf32, #tpu.memory_space<vmem_shared>> -> memref<10000x128xf32, #tpu.memory_space<vmem_shared>>
      tpu.wait_indirect_dma semaphore(%arg21 : memref<!tpu.dma_semaphore, #tpu.memory_space<semaphore_mem>>) src(%arg13 : memref<128x128xf32, #tpu.memory_space<vmem>>) dst(%dma_wait3A_143 : memref<10000x128xf32, #tpu.memory_space<vmem_shared>>)
      %add3A_144 = arith.constant 0 : i32
      %add3A_145 = arith.addi %mul3A_140, %add3A_144 : i32
      %mul3A_146 = arith.constant 32 : i32
      %mul3A_147 = arith.muli %add3A_145, %mul3A_146 : i32
      %add3A_148 = arith.addi %add3A, %mul3A_147 : i32
      %mul3A_149 = arith.constant 128 : i32
      %mul3A_150 = arith.muli %add3A_148, %mul3A_149 : i32
      %multiple_of3A_151 = tpu.assume_multiple %mul3A_150, 8 : i32
      %dma_start3A_152 = tpu.memref_slice %arg3[%multiple_of3A_151] : memref<320000xi32, #tpu.memory_space<hbm>> -> memref<128xi32, #tpu.memory_space<hbm>>
      %dma_start3A_153 = tpu.memref_slice %arg3[%multiple_of3A_151] : memref<320000xi32, #tpu.memory_space<hbm>> -> memref<128xi32, #tpu.memory_space<hbm>>
      tpu.enqueue_dma source(%dma_start3A_153 : memref<128xi32, #tpu.memory_space<hbm>>) target(%arg7 : memref<128xi32, #tpu.memory_space<vmem>>) target_semaphore(%arg17 : memref<!tpu.dma_semaphore, #tpu.memory_space<semaphore_mem>>)
      %mul3A_154 = arith.constant 32 : i32
      %mul3A_155 = arith.muli %add3A_145, %mul3A_154 : i32
      %add3A_156 = arith.addi %add3A, %mul3A_155 : i32
      %mul3A_157 = arith.constant 128 : i32
      %mul3A_158 = arith.muli %add3A_156, %mul3A_157 : i32
      %multiple_of3A_159 = tpu.assume_multiple %mul3A_158, 8 : i32
      %dma_start3A_160 = tpu.memref_slice %arg4[%multiple_of3A_159] : memref<320000xi32, #tpu.memory_space<hbm>> -> memref<128xi32, #tpu.memory_space<hbm>>
      %dma_start3A_161 = tpu.memref_slice %arg4[%multiple_of3A_159] : memref<320000xi32, #tpu.memory_space<hbm>> -> memref<128xi32, #tpu.memory_space<hbm>>
      tpu.enqueue_dma source(%dma_start3A_161 : memref<128xi32, #tpu.memory_space<hbm>>) target(%arg10 : memref<128xi32, #tpu.memory_space<vmem>>) target_semaphore(%arg17 : memref<!tpu.dma_semaphore, #tpu.memory_space<semaphore_mem>>)
      %dma_wait3A_162 = arith.constant 0 : i32
      %dma_wait3A_163 = arith.constant 0 : i32
      %dma_wait3A_164 = tpu.memref_slice %arg16[%dma_wait3A_162, %dma_wait3A_163] : memref<10000x128xf32, #tpu.memory_space<vmem_shared>> -> memref<10000x128xf32, #tpu.memory_space<vmem_shared>>
      tpu.wait_indirect_dma semaphore(%arg21 : memref<!tpu.dma_semaphore, #tpu.memory_space<semaphore_mem>>) src(%arg14 : memref<128x128xf32, #tpu.memory_space<vmem>>) dst(%dma_wait3A_164 : memref<10000x128xf32, #tpu.memory_space<vmem_shared>>)
      %add3A_165 = arith.constant 1 : i32
      %add3A_166 = arith.addi %mul3A_140, %add3A_165 : i32
      %mul3A_167 = arith.constant 32 : i32
      %mul3A_168 = arith.muli %add3A_166, %mul3A_167 : i32
      %add3A_169 = arith.addi %add3A, %mul3A_168 : i32
      %mul3A_170 = arith.constant 128 : i32
      %mul3A_171 = arith.muli %add3A_169, %mul3A_170 : i32
      %multiple_of3A_172 = tpu.assume_multiple %mul3A_171, 8 : i32
      %dma_start3A_173 = tpu.memref_slice %arg3[%multiple_of3A_172] : memref<320000xi32, #tpu.memory_space<hbm>> -> memref<128xi32, #tpu.memory_space<hbm>>
      %dma_start3A_174 = tpu.memref_slice %arg3[%multiple_of3A_172] : memref<320000xi32, #tpu.memory_space<hbm>> -> memref<128xi32, #tpu.memory_space<hbm>>
      tpu.enqueue_dma source(%dma_start3A_174 : memref<128xi32, #tpu.memory_space<hbm>>) target(%arg8 : memref<128xi32, #tpu.memory_space<vmem>>) target_semaphore(%arg18 : memref<!tpu.dma_semaphore, #tpu.memory_space<semaphore_mem>>)
      %mul3A_175 = arith.constant 32 : i32
      %mul3A_176 = arith.muli %add3A_166, %mul3A_175 : i32
      %add3A_177 = arith.addi %add3A, %mul3A_176 : i32
      %mul3A_178 = arith.constant 128 : i32
      %mul3A_179 = arith.muli %add3A_177, %mul3A_178 : i32
      %multiple_of3A_180 = tpu.assume_multiple %mul3A_179, 8 : i32
      %dma_start3A_181 = tpu.memref_slice %arg4[%multiple_of3A_180] : memref<320000xi32, #tpu.memory_space<hbm>> -> memref<128xi32, #tpu.memory_space<hbm>>
      %dma_start3A_182 = tpu.memref_slice %arg4[%multiple_of3A_180] : memref<320000xi32, #tpu.memory_space<hbm>> -> memref<128xi32, #tpu.memory_space<hbm>>
      tpu.enqueue_dma source(%dma_start3A_182 : memref<128xi32, #tpu.memory_space<hbm>>) target(%arg11 : memref<128xi32, #tpu.memory_space<vmem>>) target_semaphore(%arg18 : memref<!tpu.dma_semaphore, #tpu.memory_space<semaphore_mem>>)
      %dma_wait3A_183 = arith.constant 0 : i32
      %dma_wait3A_184 = arith.constant 0 : i32
      %dma_wait3A_185 = tpu.memref_slice %arg16[%dma_wait3A_183, %dma_wait3A_184] : memref<10000x128xf32, #tpu.memory_space<vmem_shared>> -> memref<10000x128xf32, #tpu.memory_space<vmem_shared>>
      tpu.wait_indirect_dma semaphore(%arg21 : memref<!tpu.dma_semaphore, #tpu.memory_space<semaphore_mem>>) src(%arg15 : memref<128x128xf32, #tpu.memory_space<vmem>>) dst(%dma_wait3A_185 : memref<10000x128xf32, #tpu.memory_space<vmem_shared>>)
      %add3A_186 = arith.constant 2 : i32
      %add3A_187 = arith.addi %mul3A_140, %add3A_186 : i32
      %mul3A_188 = arith.constant 32 : i32
      %mul3A_189 = arith.muli %add3A_187, %mul3A_188 : i32
      %add3A_190 = arith.addi %add3A, %mul3A_189 : i32
      %mul3A_191 = arith.constant 128 : i32
      %mul3A_192 = arith.muli %add3A_190, %mul3A_191 : i32
      %multiple_of3A_193 = tpu.assume_multiple %mul3A_192, 8 : i32
      %dma_start3A_194 = tpu.memref_slice %arg3[%multiple_of3A_193] : memref<320000xi32, #tpu.memory_space<hbm>> -> memref<128xi32, #tpu.memory_space<hbm>>
      %dma_start3A_195 = tpu.memref_slice %arg3[%multiple_of3A_193] : memref<320000xi32, #tpu.memory_space<hbm>> -> memref<128xi32, #tpu.memory_space<hbm>>
      tpu.enqueue_dma source(%dma_start3A_195 : memref<128xi32, #tpu.memory_space<hbm>>) target(%arg9 : memref<128xi32, #tpu.memory_space<vmem>>) target_semaphore(%arg19 : memref<!tpu.dma_semaphore, #tpu.memory_space<semaphore_mem>>)
      %mul3A_196 = arith.constant 32 : i32
      %mul3A_197 = arith.muli %add3A_187, %mul3A_196 : i32
      %add3A_198 = arith.addi %add3A, %mul3A_197 : i32
      %mul3A_199 = arith.constant 128 : i32
      %mul3A_200 = arith.muli %add3A_198, %mul3A_199 : i32
      %multiple_of3A_201 = tpu.assume_multiple %mul3A_200, 8 : i32
      %dma_start3A_202 = tpu.memref_slice %arg4[%multiple_of3A_201] : memref<320000xi32, #tpu.memory_space<hbm>> -> memref<128xi32, #tpu.memory_space<hbm>>
      %dma_start3A_203 = tpu.memref_slice %arg4[%multiple_of3A_201] : memref<320000xi32, #tpu.memory_space<hbm>> -> memref<128xi32, #tpu.memory_space<hbm>>
      tpu.enqueue_dma source(%dma_start3A_203 : memref<128xi32, #tpu.memory_space<hbm>>) target(%arg12 : memref<128xi32, #tpu.memory_space<vmem>>) target_semaphore(%arg19 : memref<!tpu.dma_semaphore, #tpu.memory_space<semaphore_mem>>)
      %add3A_204 = arith.constant 0 : i32
      %add3A_205 = arith.addi %mul3A_140, %add3A_204 : i32
      %mul3A_206 = arith.constant 32 : i32
      %mul3A_207 = arith.muli %add3A_205, %mul3A_206 : i32
      %add3A_208 = arith.addi %add3A, %mul3A_207 : i32
      %mul3A_209 = arith.constant 128 : i32
      %mul3A_210 = arith.muli %add3A_208, %mul3A_209 : i32
      %multiple_of3A_211 = tpu.assume_multiple %mul3A_210, 8 : i32
      %dma_wait3A_212 = tpu.memref_slice %arg3[%multiple_of3A_211] : memref<320000xi32, #tpu.memory_space<hbm>> -> memref<128xi32, #tpu.memory_space<hbm>>
      %dma_wait3A_213 = tpu.memref_slice %arg3[%multiple_of3A_211] : memref<320000xi32, #tpu.memory_space<hbm>> -> memref<128xi32, #tpu.memory_space<hbm>>
      tpu.wait_dma2 semaphore(%arg17 : memref<!tpu.dma_semaphore, #tpu.memory_space<semaphore_mem>>) src(%dma_wait3A_213 : memref<128xi32, #tpu.memory_space<hbm>>) dst(%arg7 : memref<128xi32, #tpu.memory_space<vmem>>)
      %mul3A_214 = arith.constant 32 : i32
      %mul3A_215 = arith.muli %add3A_205, %mul3A_214 : i32
      %add3A_216 = arith.addi %add3A, %mul3A_215 : i32
      %mul3A_217 = arith.constant 128 : i32
      %mul3A_218 = arith.muli %add3A_216, %mul3A_217 : i32
      %multiple_of3A_219 = tpu.assume_multiple %mul3A_218, 8 : i32
      %dma_wait3A_220 = tpu.memref_slice %arg4[%multiple_of3A_219] : memref<320000xi32, #tpu.memory_space<hbm>> -> memref<128xi32, #tpu.memory_space<hbm>>
      %dma_wait3A_221 = tpu.memref_slice %arg4[%multiple_of3A_219] : memref<320000xi32, #tpu.memory_space<hbm>> -> memref<128xi32, #tpu.memory_space<hbm>>
      tpu.wait_dma2 semaphore(%arg17 : memref<!tpu.dma_semaphore, #tpu.memory_space<semaphore_mem>>) src(%dma_wait3A_221 : memref<128xi32, #tpu.memory_space<hbm>>) dst(%arg10 : memref<128xi32, #tpu.memory_space<vmem>>)
      %dma_start3A_222 = arith.constant 0 : i32
      %dma_start3A_223 = arith.constant 0 : i32
      %dma_start3A_224 = tpu.memref_slice %arg2[%dma_start3A_222, %dma_start3A_223] : memref<10000x128xf32, #tpu.memory_space<hbm>> -> memref<10000x128xf32, #tpu.memory_space<hbm>>
      tpu.enqueue_indirect_dma source(%dma_start3A_224 : memref<10000x128xf32, #tpu.memory_space<hbm>>) target(%arg13 : memref<128x128xf32, #tpu.memory_space<vmem>>) offsets(%arg7 : memref<128xi32, #tpu.memory_space<vmem>>) semaphore(%arg20 : memref<!tpu.dma_semaphore, #tpu.memory_space<semaphore_mem>>)
      %add3A_225 = arith.constant 1 : i32
      %add3A_226 = arith.addi %mul3A_140, %add3A_225 : i32
      %mul3A_227 = arith.constant 32 : i32
      %mul3A_228 = arith.muli %add3A_226, %mul3A_227 : i32
      %add3A_229 = arith.addi %add3A, %mul3A_228 : i32
      %mul3A_230 = arith.constant 128 : i32
      %mul3A_231 = arith.muli %add3A_229, %mul3A_230 : i32
      %multiple_of3A_232 = tpu.assume_multiple %mul3A_231, 8 : i32
      %dma_wait3A_233 = tpu.memref_slice %arg3[%multiple_of3A_232] : memref<320000xi32, #tpu.memory_space<hbm>> -> memref<128xi32, #tpu.memory_space<hbm>>
      %dma_wait3A_234 = tpu.memref_slice %arg3[%multiple_of3A_232] : memref<320000xi32, #tpu.memory_space<hbm>> -> memref<128xi32, #tpu.memory_space<hbm>>
      tpu.wait_dma2 semaphore(%arg18 : memref<!tpu.dma_semaphore, #tpu.memory_space<semaphore_mem>>) src(%dma_wait3A_234 : memref<128xi32, #tpu.memory_space<hbm>>) dst(%arg8 : memref<128xi32, #tpu.memory_space<vmem>>)
      %mul3A_235 = arith.constant 32 : i32
      %mul3A_236 = arith.muli %add3A_226, %mul3A_235 : i32
      %add3A_237 = arith.addi %add3A, %mul3A_236 : i32
      %mul3A_238 = arith.constant 128 : i32
      %mul3A_239 = arith.muli %add3A_237, %mul3A_238 : i32
      %multiple_of3A_240 = tpu.assume_multiple %mul3A_239, 8 : i32
      %dma_wait3A_241 = tpu.memref_slice %arg4[%multiple_of3A_240] : memref<320000xi32, #tpu.memory_space<hbm>> -> memref<128xi32, #tpu.memory_space<hbm>>
      %dma_wait3A_242 = tpu.memref_slice %arg4[%multiple_of3A_240] : memref<320000xi32, #tpu.memory_space<hbm>> -> memref<128xi32, #tpu.memory_space<hbm>>
      tpu.wait_dma2 semaphore(%arg18 : memref<!tpu.dma_semaphore, #tpu.memory_space<semaphore_mem>>) src(%dma_wait3A_242 : memref<128xi32, #tpu.memory_space<hbm>>) dst(%arg11 : memref<128xi32, #tpu.memory_space<vmem>>)
      %dma_start3A_243 = arith.constant 0 : i32
      %dma_start3A_244 = arith.constant 0 : i32
      %dma_start3A_245 = tpu.memref_slice %arg2[%dma_start3A_243, %dma_start3A_244] : memref<10000x128xf32, #tpu.memory_space<hbm>> -> memref<10000x128xf32, #tpu.memory_space<hbm>>
      tpu.enqueue_indirect_dma source(%dma_start3A_245 : memref<10000x128xf32, #tpu.memory_space<hbm>>) target(%arg14 : memref<128x128xf32, #tpu.memory_space<vmem>>) offsets(%arg8 : memref<128xi32, #tpu.memory_space<vmem>>) semaphore(%arg20 : memref<!tpu.dma_semaphore, #tpu.memory_space<semaphore_mem>>)
      %add3A_246 = arith.constant 2 : i32
      %add3A_247 = arith.addi %mul3A_140, %add3A_246 : i32
      %mul3A_248 = arith.constant 32 : i32
      %mul3A_249 = arith.muli %add3A_247, %mul3A_248 : i32
      %add3A_250 = arith.addi %add3A, %mul3A_249 : i32
      %mul3A_251 = arith.constant 128 : i32
      %mul3A_252 = arith.muli %add3A_250, %mul3A_251 : i32
      %multiple_of3A_253 = tpu.assume_multiple %mul3A_252, 8 : i32
      %dma_wait3A_254 = tpu.memref_slice %arg3[%multiple_of3A_253] : memref<320000xi32, #tpu.memory_space<hbm>> -> memref<128xi32, #tpu.memory_space<hbm>>
      %dma_wait3A_255 = tpu.memref_slice %arg3[%multiple_of3A_253] : memref<320000xi32, #tpu.memory_space<hbm>> -> memref<128xi32, #tpu.memory_space<hbm>>
      tpu.wait_dma2 semaphore(%arg19 : memref<!tpu.dma_semaphore, #tpu.memory_space<semaphore_mem>>) src(%dma_wait3A_255 : memref<128xi32, #tpu.memory_space<hbm>>) dst(%arg9 : memref<128xi32, #tpu.memory_space<vmem>>)
      %mul3A_256 = arith.constant 32 : i32
      %mul3A_257 = arith.muli %add3A_247, %mul3A_256 : i32
      %add3A_258 = arith.addi %add3A, %mul3A_257 : i32
      %mul3A_259 = arith.constant 128 : i32
      %mul3A_260 = arith.muli %add3A_258, %mul3A_259 : i32
      %multiple_of3A_261 = tpu.assume_multiple %mul3A_260, 8 : i32
      %dma_wait3A_262 = tpu.memref_slice %arg4[%multiple_of3A_261] : memref<320000xi32, #tpu.memory_space<hbm>> -> memref<128xi32, #tpu.memory_space<hbm>>
      %dma_wait3A_263 = tpu.memref_slice %arg4[%multiple_of3A_261] : memref<320000xi32, #tpu.memory_space<hbm>> -> memref<128xi32, #tpu.memory_space<hbm>>
      tpu.wait_dma2 semaphore(%arg19 : memref<!tpu.dma_semaphore, #tpu.memory_space<semaphore_mem>>) src(%dma_wait3A_263 : memref<128xi32, #tpu.memory_space<hbm>>) dst(%arg12 : memref<128xi32, #tpu.memory_space<vmem>>)
      %dma_start3A_264 = arith.constant 0 : i32
      %dma_start3A_265 = arith.constant 0 : i32
      %dma_start3A_266 = tpu.memref_slice %arg2[%dma_start3A_264, %dma_start3A_265] : memref<10000x128xf32, #tpu.memory_space<hbm>> -> memref<10000x128xf32, #tpu.memory_space<hbm>>
      tpu.enqueue_indirect_dma source(%dma_start3A_266 : memref<10000x128xf32, #tpu.memory_space<hbm>>) target(%arg15 : memref<128x128xf32, #tpu.memory_space<vmem>>) offsets(%arg9 : memref<128xi32, #tpu.memory_space<vmem>>) semaphore(%arg20 : memref<!tpu.dma_semaphore, #tpu.memory_space<semaphore_mem>>)
      %dma_wait3A_267 = arith.constant 0 : i32
      %dma_wait3A_268 = arith.constant 0 : i32
      %dma_wait3A_269 = tpu.memref_slice %arg2[%dma_wait3A_267, %dma_wait3A_268] : memref<10000x128xf32, #tpu.memory_space<hbm>> -> memref<10000x128xf32, #tpu.memory_space<hbm>>
      tpu.wait_indirect_dma semaphore(%arg20 : memref<!tpu.dma_semaphore, #tpu.memory_space<semaphore_mem>>) src(%dma_wait3A_269 : memref<10000x128xf32, #tpu.memory_space<hbm>>) dst(%arg13 : memref<128x128xf32, #tpu.memory_space<vmem>>)
      %dma_start3A_270 = arith.constant 0 : i32
      %dma_start3A_271 = arith.constant 0 : i32
      %dma_start3A_272 = tpu.memref_slice %arg16[%dma_start3A_270, %dma_start3A_271] : memref<10000x128xf32, #tpu.memory_space<vmem_shared>> -> memref<10000x128xf32, #tpu.memory_space<vmem_shared>>
      tpu.enqueue_indirect_dma source(%arg13 : memref<128x128xf32, #tpu.memory_space<vmem>>) target(%dma_start3A_272 : memref<10000x128xf32, #tpu.memory_space<vmem_shared>>) offsets(%arg10 : memref<128xi32, #tpu.memory_space<vmem>>) semaphore(%arg21 : memref<!tpu.dma_semaphore, #tpu.memory_space<semaphore_mem>>) {add = true}
      %dma_wait3A_273 = arith.constant 0 : i32
      %dma_wait3A_274 = arith.constant 0 : i32
      %dma_wait3A_275 = tpu.memref_slice %arg2[%dma_wait3A_273, %dma_wait3A_274] : memref<10000x128xf32, #tpu.memory_space<hbm>> -> memref<10000x128xf32, #tpu.memory_space<hbm>>
      tpu.wait_indirect_dma semaphore(%arg20 : memref<!tpu.dma_semaphore, #tpu.memory_space<semaphore_mem>>) src(%dma_wait3A_275 : memref<10000x128xf32, #tpu.memory_space<hbm>>) dst(%arg14 : memref<128x128xf32, #tpu.memory_space<vmem>>)
      %dma_start3A_276 = arith.constant 0 : i32
      %dma_start3A_277 = arith.constant 0 : i32
      %dma_start3A_278 = tpu.memref_slice %arg16[%dma_start3A_276, %dma_start3A_277] : memref<10000x128xf32, #tpu.memory_space<vmem_shared>> -> memref<10000x128xf32, #tpu.memory_space<vmem_shared>>
      tpu.enqueue_indirect_dma source(%arg14 : memref<128x128xf32, #tpu.memory_space<vmem>>) target(%dma_start3A_278 : memref<10000x128xf32, #tpu.memory_space<vmem_shared>>) offsets(%arg11 : memref<128xi32, #tpu.memory_space<vmem>>) semaphore(%arg21 : memref<!tpu.dma_semaphore, #tpu.memory_space<semaphore_mem>>) {add = true}
      %dma_wait3A_279 = arith.constant 0 : i32
      %dma_wait3A_280 = arith.constant 0 : i32
      %dma_wait3A_281 = tpu.memref_slice %arg2[%dma_wait3A_279, %dma_wait3A_280] : memref<10000x128xf32, #tpu.memory_space<hbm>> -> memref<10000x128xf32, #tpu.memory_space<hbm>>
      tpu.wait_indirect_dma semaphore(%arg20 : memref<!tpu.dma_semaphore, #tpu.memory_space<semaphore_mem>>) src(%dma_wait3A_281 : memref<10000x128xf32, #tpu.memory_space<hbm>>) dst(%arg15 : memref<128x128xf32, #tpu.memory_space<vmem>>)
      %dma_start3A_282 = arith.constant 0 : i32
      %dma_start3A_283 = arith.constant 0 : i32
      %dma_start3A_284 = tpu.memref_slice %arg16[%dma_start3A_282, %dma_start3A_283] : memref<10000x128xf32, #tpu.memory_space<vmem_shared>> -> memref<10000x128xf32, #tpu.memory_space<vmem_shared>>
      tpu.enqueue_indirect_dma source(%arg15 : memref<128x128xf32, #tpu.memory_space<vmem>>) target(%dma_start3A_284 : memref<10000x128xf32, #tpu.memory_space<vmem_shared>>) offsets(%arg12 : memref<128xi32, #tpu.memory_space<vmem>>) semaphore(%arg21 : memref<!tpu.dma_semaphore, #tpu.memory_space<semaphore_mem>>) {add = true}
    }
    %scan3A_118 = arith.constant 25 : i32
    %dma_wait3A_119 = arith.constant 0 : i32
    %dma_wait3A_120 = arith.constant 0 : i32
    %dma_wait3A_121 = tpu.memref_slice %arg16[%dma_wait3A_119, %dma_wait3A_120] : memref<10000x128xf32, #tpu.memory_space<vmem_shared>> -> memref<10000x128xf32, #tpu.memory_space<vmem_shared>>
    tpu.wait_indirect_dma semaphore(%arg21 : memref<!tpu.dma_semaphore, #tpu.memory_space<semaphore_mem>>) src(%arg13 : memref<128x128xf32, #tpu.memory_space<vmem>>) dst(%dma_wait3A_121 : memref<10000x128xf32, #tpu.memory_space<vmem_shared>>)
    %dma_wait3A_122 = arith.constant 0 : i32
    %dma_wait3A_123 = arith.constant 0 : i32
    %dma_wait3A_124 = tpu.memref_slice %arg16[%dma_wait3A_122, %dma_wait3A_123] : memref<10000x128xf32, #tpu.memory_space<vmem_shared>> -> memref<10000x128xf32, #tpu.memory_space<vmem_shared>>
    tpu.wait_indirect_dma semaphore(%arg21 : memref<!tpu.dma_semaphore, #tpu.memory_space<semaphore_mem>>) src(%arg14 : memref<128x128xf32, #tpu.memory_space<vmem>>) dst(%dma_wait3A_124 : memref<10000x128xf32, #tpu.memory_space<vmem_shared>>)
    %dma_wait3A_125 = arith.constant 0 : i32
    %dma_wait3A_126 = arith.constant 0 : i32
    %dma_wait3A_127 = tpu.memref_slice %arg16[%dma_wait3A_125, %dma_wait3A_126] : memref<10000x128xf32, #tpu.memory_space<vmem_shared>> -> memref<10000x128xf32, #tpu.memory_space<vmem_shared>>
    tpu.wait_indirect_dma semaphore(%arg21 : memref<!tpu.dma_semaphore, #tpu.memory_space<semaphore_mem>>) src(%arg15 : memref<128x128xf32, #tpu.memory_space<vmem>>) dst(%dma_wait3A_127 : memref<10000x128xf32, #tpu.memory_space<vmem_shared>>)
    %lt3A = arith.constant 4 : i32
    %lt3A_128 = arith.cmpi slt, %add3A, %lt3A : i32
    %convert_element_type3A_129 = arith.extui %lt3A_128 : i1 to i32
    %cond3A_130 = arith.constant 0 : i32
    %cond3A_131 = arith.cmpi ne, %convert_element_type3A_129, %cond3A_130 : i32
    scf.if %cond3A_131 {
      %add3A_138 = arith.constant 2496 : i32
      %add3A_139 = arith.addi %add3A_138, %add3A : i32
      %mul3A_140 = arith.constant 128 : i32
      %mul3A_141 = arith.muli %add3A_139, %mul3A_140 : i32
      %multiple_of3A_142 = tpu.assume_multiple %mul3A_141, 8 : i32
      "tpu.region"() ({
        %run_scoped3A = tpu.sem_alloc : memref<!tpu.dma_semaphore, #tpu.memory_space<semaphore_mem>>
        %dma_start3A_149 = tpu.memref_slice %arg3[%multiple_of3A_142] : memref<320000xi32, #tpu.memory_space<hbm>> -> memref<128xi32, #tpu.memory_space<hbm>>
        %dma_start3A_150 = tpu.memref_slice %arg3[%multiple_of3A_142] : memref<320000xi32, #tpu.memory_space<hbm>> -> memref<128xi32, #tpu.memory_space<hbm>>
        tpu.enqueue_dma source(%dma_start3A_150 : memref<128xi32, #tpu.memory_space<hbm>>) target(%arg7 : memref<128xi32, #tpu.memory_space<vmem>>) target_semaphore(%run_scoped3A : memref<!tpu.dma_semaphore, #tpu.memory_space<semaphore_mem>>)
        %dma_wait3A_151 = tpu.memref_slice %arg3[%multiple_of3A_142] : memref<320000xi32, #tpu.memory_space<hbm>> -> memref<128xi32, #tpu.memory_space<hbm>>
        %dma_wait3A_152 = tpu.memref_slice %arg3[%multiple_of3A_142] : memref<320000xi32, #tpu.memory_space<hbm>> -> memref<128xi32, #tpu.memory_space<hbm>>
        tpu.wait_dma2 semaphore(%run_scoped3A : memref<!tpu.dma_semaphore, #tpu.memory_space<semaphore_mem>>) src(%dma_wait3A_152 : memref<128xi32, #tpu.memory_space<hbm>>) dst(%arg7 : memref<128xi32, #tpu.memory_space<vmem>>)
        tpu.yield
      }) : () -> ()
      "tpu.region"() ({
        %run_scoped3A = tpu.sem_alloc : memref<!tpu.dma_semaphore, #tpu.memory_space<semaphore_mem>>
        %dma_start3A_149 = tpu.memref_slice %arg4[%multiple_of3A_142] : memref<320000xi32, #tpu.memory_space<hbm>> -> memref<128xi32, #tpu.memory_space<hbm>>
        %dma_start3A_150 = tpu.memref_slice %arg4[%multiple_of3A_142] : memref<320000xi32, #tpu.memory_space<hbm>> -> memref<128xi32, #tpu.memory_space<hbm>>
        tpu.enqueue_dma source(%dma_start3A_150 : memref<128xi32, #tpu.memory_space<hbm>>) target(%arg10 : memref<128xi32, #tpu.memory_space<vmem>>) target_semaphore(%run_scoped3A : memref<!tpu.dma_semaphore, #tpu.memory_space<semaphore_mem>>)
        %dma_wait3A_151 = tpu.memref_slice %arg4[%multiple_of3A_142] : memref<320000xi32, #tpu.memory_space<hbm>> -> memref<128xi32, #tpu.memory_space<hbm>>
        %dma_wait3A_152 = tpu.memref_slice %arg4[%multiple_of3A_142] : memref<320000xi32, #tpu.memory_space<hbm>> -> memref<128xi32, #tpu.memory_space<hbm>>
        tpu.wait_dma2 semaphore(%run_scoped3A : memref<!tpu.dma_semaphore, #tpu.memory_space<semaphore_mem>>) src(%dma_wait3A_152 : memref<128xi32, #tpu.memory_space<hbm>>) dst(%arg10 : memref<128xi32, #tpu.memory_space<vmem>>)
        tpu.yield
      }) : () -> ()
      %dma_start3A_143 = arith.constant 0 : i32
      %dma_start3A_144 = arith.constant 0 : i32
      %dma_start3A_145 = tpu.memref_slice %arg2[%dma_start3A_143, %dma_start3A_144] : memref<10000x128xf32, #tpu.memory_space<hbm>> -> memref<10000x128xf32, #tpu.memory_space<hbm>>
      tpu.enqueue_indirect_dma source(%dma_start3A_145 : memref<10000x128xf32, #tpu.memory_space<hbm>>) target(%arg13 : memref<128x128xf32, #tpu.memory_space<vmem>>) offsets(%arg7 : memref<128xi32, #tpu.memory_space<vmem>>) semaphore(%arg20 : memref<!tpu.dma_semaphore, #tpu.memory_space<semaphore_mem>>)
      %dma_wait3A_146 = arith.constant 0 : i32
      %dma_wait3A_147 = arith.constant 0 : i32
      %dma_wait3A_148 = tpu.memref_slice %arg2[%dma_wait3A_146, %dma_wait3A_147] : memref<10000x128xf32, #tpu.memory_space<hbm>> -> memref<10000x128xf32, #tpu.memory_space<hbm>>
      tpu.wait_indirect_dma semaphore(%arg20 : memref<!tpu.dma_semaphore, #tpu.memory_space<semaphore_mem>>) src(%dma_wait3A_148 : memref<10000x128xf32, #tpu.memory_space<hbm>>) dst(%arg13 : memref<128x128xf32, #tpu.memory_space<vmem>>)
      "tpu.region"() ({
        %run_scoped3A = tpu.sem_alloc : memref<!tpu.dma_semaphore, #tpu.memory_space<semaphore_mem>>
        %dma_start3A_149 = arith.constant 0 : i32
        %dma_start3A_150 = arith.constant 0 : i32
        %dma_start3A_151 = tpu.memref_slice %arg16[%dma_start3A_149, %dma_start3A_150] : memref<10000x128xf32, #tpu.memory_space<vmem_shared>> -> memref<10000x128xf32, #tpu.memory_space<vmem_shared>>
        tpu.enqueue_indirect_dma source(%arg13 : memref<128x128xf32, #tpu.memory_space<vmem>>) target(%dma_start3A_151 : memref<10000x128xf32, #tpu.memory_space<vmem_shared>>) offsets(%arg10 : memref<128xi32, #tpu.memory_space<vmem>>) semaphore(%run_scoped3A : memref<!tpu.dma_semaphore, #tpu.memory_space<semaphore_mem>>) {add = true}
        %dma_wait3A_152 = arith.constant 0 : i32
        %dma_wait3A_153 = arith.constant 0 : i32
        %dma_wait3A_154 = tpu.memref_slice %arg16[%dma_wait3A_152, %dma_wait3A_153] : memref<10000x128xf32, #tpu.memory_space<vmem_shared>> -> memref<10000x128xf32, #tpu.memory_space<vmem_shared>>
        tpu.wait_indirect_dma semaphore(%run_scoped3A : memref<!tpu.dma_semaphore, #tpu.memory_space<semaphore_mem>>) src(%arg13 : memref<128x128xf32, #tpu.memory_space<vmem>>) dst(%dma_wait3A_154 : memref<10000x128xf32, #tpu.memory_space<vmem_shared>>)
        tpu.yield
      }) : () -> ()
    } else {
    }
    %barrier3A_132 = arith.constant 0 : index
    tpu.barrier barrier_id(%barrier3A_132)
    "tpu.region"() ({
      %run_scoped3A = tpu.sem_alloc : memref<!tpu.dma_semaphore, #tpu.memory_space<semaphore_mem>>
      %dma_start3A_138 = arith.constant 0 : i32
      %dma_start3A_139 = tpu.memref_slice %arg6[%arg0, %multiple_of3A, %dma_start3A_138] : memref<2x10000x128xf32, #tpu.memory_space<hbm>> -> memref<1x624x128xf32, #tpu.memory_space<hbm>>
      %dma_start3A_140 = tpu.memref_squeeze %dma_start3A_139 : memref<1x624x128xf32, #tpu.memory_space<hbm>> -> memref<624x128xf32, #tpu.memory_space<hbm>>
      %dma_start3A_141 = arith.constant 0 : i32
      %dma_start3A_142 = tpu.memref_slice %arg16[%multiple_of3A, %dma_start3A_141] : memref<10000x128xf32, #tpu.memory_space<vmem_shared>> -> memref<624x128xf32, #tpu.memory_space<vmem_shared>>
      tpu.enqueue_dma source(%dma_start3A_142 : memref<624x128xf32, #tpu.memory_space<vmem_shared>>) target(%dma_start3A_140 : memref<624x128xf32, #tpu.memory_space<hbm>>) target_semaphore(%run_scoped3A : memref<!tpu.dma_semaphore, #tpu.memory_space<semaphore_mem>>)
      %dma_wait3A_143 = arith.constant 0 : i32
      %dma_wait3A_144 = tpu.memref_slice %arg6[%arg0, %multiple_of3A, %dma_wait3A_143] : memref<2x10000x128xf32, #tpu.memory_space<hbm>> -> memref<1x624x128xf32, #tpu.memory_space<hbm>>
      %dma_wait3A_145 = tpu.memref_squeeze %dma_wait3A_144 : memref<1x624x128xf32, #tpu.memory_space<hbm>> -> memref<624x128xf32, #tpu.memory_space<hbm>>
      %dma_wait3A_146 = arith.constant 0 : i32
      %dma_wait3A_147 = tpu.memref_slice %arg16[%multiple_of3A, %dma_wait3A_146] : memref<10000x128xf32, #tpu.memory_space<vmem_shared>> -> memref<624x128xf32, #tpu.memory_space<vmem_shared>>
      tpu.wait_dma2 semaphore(%run_scoped3A : memref<!tpu.dma_semaphore, #tpu.memory_space<semaphore_mem>>) src(%dma_wait3A_147 : memref<624x128xf32, #tpu.memory_space<vmem_shared>>) dst(%dma_wait3A_145 : memref<624x128xf32, #tpu.memory_space<hbm>>)
      tpu.yield
    }) : () -> ()
    %eq3A_133 = arith.constant 0 : i32
    %eq3A_134 = arith.cmpi eq, %arg1, %eq3A_133 : i32
    %convert_element_type3A_135 = arith.extui %eq3A_134 : i1 to i32
    %cond3A_136 = arith.constant 0 : i32
    %cond3A_137 = arith.cmpi ne, %convert_element_type3A_135, %cond3A_136 : i32
    scf.if %cond3A_137 {
      "tpu.region"() ({
        %run_scoped3A = tpu.sem_alloc : memref<!tpu.dma_semaphore, #tpu.memory_space<semaphore_mem>>
        %dma_start3A_138 = arith.constant 9984 : i32
        %dma_start3A_139 = arith.constant 0 : i32
        %dma_start3A_140 = tpu.memref_slice %arg6[%arg0, %dma_start3A_138, %dma_start3A_139] : memref<2x10000x128xf32, #tpu.memory_space<hbm>> -> memref<1x16x128xf32, #tpu.memory_space<hbm>>
        %dma_start3A_141 = tpu.memref_squeeze %dma_start3A_140 : memref<1x16x128xf32, #tpu.memory_space<hbm>> -> memref<16x128xf32, #tpu.memory_space<hbm>>
        %dma_start3A_142 = arith.constant 9984 : i32
        %dma_start3A_143 = arith.constant 0 : i32
        %dma_start3A_144 = tpu.memref_slice %arg16[%dma_start3A_142, %dma_start3A_143] : memref<10000x128xf32, #tpu.memory_space<vmem_shared>> -> memref<16x128xf32, #tpu.memory_space<vmem_shared>>
        tpu.enqueue_dma source(%dma_start3A_144 : memref<16x128xf32, #tpu.memory_space<vmem_shared>>) target(%dma_start3A_141 : memref<16x128xf32, #tpu.memory_space<hbm>>) target_semaphore(%run_scoped3A : memref<!tpu.dma_semaphore, #tpu.memory_space<semaphore_mem>>)
        %dma_wait3A_145 = arith.constant 9984 : i32
        %dma_wait3A_146 = arith.constant 0 : i32
        %dma_wait3A_147 = tpu.memref_slice %arg6[%arg0, %dma_wait3A_145, %dma_wait3A_146] : memref<2x10000x128xf32, #tpu.memory_space<hbm>> -> memref<1x16x128xf32, #tpu.memory_space<hbm>>
        %dma_wait3A_148 = tpu.memref_squeeze %dma_wait3A_147 : memref<1x16x128xf32, #tpu.memory_space<hbm>> -> memref<16x128xf32, #tpu.memory_space<hbm>>
        %dma_wait3A_149 = arith.constant 9984 : i32
        %dma_wait3A_150 = arith.constant 0 : i32
        %dma_wait3A_151 = tpu.memref_slice %arg16[%dma_wait3A_149, %dma_wait3A_150] : memref<10000x128xf32, #tpu.memory_space<vmem_shared>> -> memref<16x128xf32, #tpu.memory_space<vmem_shared>>
        tpu.wait_dma2 semaphore(%run_scoped3A : memref<!tpu.dma_semaphore, #tpu.memory_space<semaphore_mem>>) src(%dma_wait3A_151 : memref<16x128xf32, #tpu.memory_space<vmem_shared>>) dst(%dma_wait3A_148 : memref<16x128xf32, #tpu.memory_space<hbm>>)
        tpu.yield
      }) : () -> ()
    } else {
    }
    return
  }
}

module attributes {stable_mosaic.version = 14 : i64} {
  func.func @_tc_mlp_body(%arg0: i32, %arg1: memref<2000x128xf32, #tpu.memory_space<vmem>>, %arg2: memref<2x2000x128xf32, #tpu.memory_space<vmem>>, %arg3: memref<1x1xf32, #tpu.memory_space<vmem>>, %arg4: memref<128x128xf32, #tpu.memory_space<vmem>>, %arg5: memref<1x128xf32, #tpu.memory_space<vmem>>, %arg6: memref<128x128xf32, #tpu.memory_space<vmem>>, %arg7: memref<1x128xf32, #tpu.memory_space<vmem>>, %arg8: memref<1x128xf32, #tpu.memory_space<vmem>>, %arg9: memref<1x128xf32, #tpu.memory_space<vmem>>, %arg10: memref<2000x128xf32, #tpu.memory_space<vmem>>) attributes {dimension_semantics = [#tpu.dimension_semantics<arbitrary>], iteration_bounds = array<i64: 5>, scalar_prefetch = 0 : i64, scratch_operands = 0 : i64, tpu.core_type = #tpu.core_type<tc>, window_params = [{transform_indices = @transform_0, window_bounds = array<i64: 2000, 128>}, {transform_indices = @transform_1, window_bounds = array<i64: 2, 2000, 128>}, {pipeline_mode = #tpu.pipeline_mode<synchronous>, transform_indices = @transform_2, window_bounds = array<i64: 1, 1>}, {pipeline_mode = #tpu.pipeline_mode<synchronous>, transform_indices = @transform_3, window_bounds = array<i64: 128, 128>}, {pipeline_mode = #tpu.pipeline_mode<synchronous>, transform_indices = @transform_4, window_bounds = array<i64: 1, 128>}, {pipeline_mode = #tpu.pipeline_mode<synchronous>, transform_indices = @transform_5, window_bounds = array<i64: 128, 128>}, {pipeline_mode = #tpu.pipeline_mode<synchronous>, transform_indices = @transform_6, window_bounds = array<i64: 1, 128>}, {pipeline_mode = #tpu.pipeline_mode<synchronous>, transform_indices = @transform_7, window_bounds = array<i64: 1, 128>}, {pipeline_mode = #tpu.pipeline_mode<synchronous>, transform_indices = @transform_8, window_bounds = array<i64: 1, 128>}, {transform_indices = @transform_9, window_bounds = array<i64: 2000, 128>}]} {
    %get3A = arith.constant 0 : index
    %get3A_0 = arith.constant 0 : index
    %get3A_1 = vector.load %arg3[%get3A, %get3A_0] : memref<1x1xf32, #tpu.memory_space<vmem>>, vector<1x1xf32>
    %get3A_2 = vector.extract %get3A_1[0, 0] : f32 from vector<1x1xf32>
    %add3A = arith.constant 1.000000e+00 : f32
    %add3A_3 = arith.addf %add3A, %get3A_2 : f32
    %get3A_4 = arith.constant 0 : index
    %get3A_5 = arith.constant 0 : index
    %get3A_6 = vector.load %arg1[%get3A_4, %get3A_5] : memref<2000x128xf32, #tpu.memory_space<vmem>>, vector<2000x128xf32>
    %mul3A = vector.broadcast %add3A_3 : f32 to vector<2000x128xf32>
    %mul3A_7 = arith.mulf %mul3A, %get3A_6 : vector<2000x128xf32>
    %get3A_8 = arith.constant 0 : index
    %get3A_9 = arith.constant 0 : index
    %get3A_10 = arith.constant 0 : index
    %get3A_11 = vector.load %arg2[%get3A_8, %get3A_9, %get3A_10] : memref<2x2000x128xf32, #tpu.memory_space<vmem>>, vector<1x2000x128xf32>
    %get3A_12 = vector.shape_cast %get3A_11 : vector<1x2000x128xf32> to vector<2000x128xf32>
    %add3A_13 = arith.addf %mul3A_7, %get3A_12 : vector<2000x128xf32>
    %get3A_14 = arith.constant 1 : index
    %get3A_15 = arith.constant 0 : index
    %get3A_16 = arith.constant 0 : index
    %get3A_17 = vector.load %arg2[%get3A_14, %get3A_15, %get3A_16] : memref<2x2000x128xf32, #tpu.memory_space<vmem>>, vector<1x2000x128xf32>
    %get3A_18 = vector.shape_cast %get3A_17 : vector<1x2000x128xf32> to vector<2000x128xf32>
    %add3A_19 = arith.addf %add3A_13, %get3A_18 : vector<2000x128xf32>
    %get3A_20 = arith.constant 0 : index
    %get3A_21 = arith.constant 0 : index
    %get3A_22 = vector.load %arg4[%get3A_20, %get3A_21] : memref<128x128xf32, #tpu.memory_space<vmem>>, vector<128x128xf32>
    %dot_general3A = arith.constant dense<0.000000e+00> : vector<2000x128xf32>
    %dot_general3A_23 = tpu.matmul %add3A_19, %get3A_22, %dot_general3A {dimension_numbers = #tpu.dot_dimension_numbers<[1], [0], [0], [1], [0, 0, 1, 1], [], []>, transpose_lhs_hint = false} : vector<2000x128xf32>, vector<128x128xf32>, vector<2000x128xf32> -> vector<2000x128xf32>
    %get3A_24 = arith.constant 0 : index
    %get3A_25 = arith.constant 0 : index
    %get3A_26 = vector.load %arg5[%get3A_24, %get3A_25] : memref<1x128xf32, #tpu.memory_space<vmem>>, vector<1x128xf32>
    %add3A_27 = vector.broadcast %get3A_26 : vector<1x128xf32> to vector<2000x128xf32>
    %add3A_28 = arith.addf %dot_general3A_23, %add3A_27 : vector<2000x128xf32>
    %max3A = arith.constant 0.000000e+00 : f32
    %max3A_29 = vector.broadcast %max3A : f32 to vector<2000x128xf32>
    %max3A_30 = arith.maximumf %add3A_28, %max3A_29 : vector<2000x128xf32>
    %get3A_31 = arith.constant 0 : index
    %get3A_32 = arith.constant 0 : index
    %get3A_33 = vector.load %arg6[%get3A_31, %get3A_32] : memref<128x128xf32, #tpu.memory_space<vmem>>, vector<128x128xf32>
    %dot_general3A_34 = arith.constant dense<0.000000e+00> : vector<2000x128xf32>
    %dot_general3A_35 = tpu.matmul %max3A_30, %get3A_33, %dot_general3A_34 {dimension_numbers = #tpu.dot_dimension_numbers<[1], [0], [0], [1], [0, 0, 1, 1], [], []>, transpose_lhs_hint = false} : vector<2000x128xf32>, vector<128x128xf32>, vector<2000x128xf32> -> vector<2000x128xf32>
    %get3A_36 = arith.constant 0 : index
    %get3A_37 = arith.constant 0 : index
    %get3A_38 = vector.load %arg7[%get3A_36, %get3A_37] : memref<1x128xf32, #tpu.memory_space<vmem>>, vector<1x128xf32>
    %add3A_39 = vector.broadcast %get3A_38 : vector<1x128xf32> to vector<2000x128xf32>
    %add3A_40 = arith.addf %dot_general3A_35, %add3A_39 : vector<2000x128xf32>
    %max3A_41 = arith.constant 0.000000e+00 : f32
    %max3A_42 = vector.broadcast %max3A_41 : f32 to vector<2000x128xf32>
    %max3A_43 = arith.maximumf %add3A_40, %max3A_42 : vector<2000x128xf32>
    %get3A_44 = arith.constant 0 : index
    %get3A_45 = arith.constant 0 : index
    %get3A_46 = vector.load %arg8[%get3A_44, %get3A_45] : memref<1x128xf32, #tpu.memory_space<vmem>>, vector<1x128xf32>
    %mul3A_47 = arith.constant 0.999994993 : f32
    %mul3A_48 = vector.broadcast %mul3A_47 : f32 to vector<1x128xf32>
    %mul3A_49 = arith.mulf %mul3A_48, %get3A_46 : vector<1x128xf32>
    %mul3A_50 = vector.broadcast %mul3A_49 : vector<1x128xf32> to vector<2000x128xf32>
    %mul3A_51 = arith.mulf %max3A_43, %mul3A_50 : vector<2000x128xf32>
    %get3A_52 = arith.constant 0 : index
    %get3A_53 = arith.constant 0 : index
    %get3A_54 = vector.load %arg9[%get3A_52, %get3A_53] : memref<1x128xf32, #tpu.memory_space<vmem>>, vector<1x128xf32>
    %add3A_55 = vector.broadcast %get3A_54 : vector<1x128xf32> to vector<2000x128xf32>
    %add3A_56 = arith.addf %mul3A_51, %add3A_55 : vector<2000x128xf32>
    %swap3A = arith.constant 0 : index
    %swap3A_57 = arith.constant 0 : index
    %swap3A_58 = vector.load %arg10[%swap3A, %swap3A_57] : memref<2000x128xf32, #tpu.memory_space<vmem>>, vector<2000x128xf32>
    tpu.vector_store %arg10[%swap3A, %swap3A_57], %add3A_56 {strides = array<i32>} : memref<2000x128xf32, #tpu.memory_space<vmem>>, vector<2000x128xf32>,
    return
  }
  func.func @transform_0(%arg0: i32) -> (i32, i32) {
    %c0_i32 = arith.constant 0 : i32
    %c0_i32_0 = arith.constant 0 : i32
    return %arg0, %c0_i32 : i32, i32
  }
  func.func @transform_1(%arg0: i32) -> (i32, i32, i32) {
    %c0_i32 = arith.constant 0 : i32
    %c0_i32_0 = arith.constant 0 : i32
    %c0_i32_1 = arith.constant 0 : i32
    return %c0_i32, %arg0, %c0_i32_0 : i32, i32, i32
  }
  func.func @transform_2(%arg0: i32) -> (i32, i32) {
    %c0_i32 = arith.constant 0 : i32
    %c0_i32_0 = arith.constant 0 : i32
    %c0_i32_1 = arith.constant 0 : i32
    return %c0_i32, %c0_i32_0 : i32, i32
  }
  func.func @transform_3(%arg0: i32) -> (i32, i32) {
    %c0_i32 = arith.constant 0 : i32
    %c0_i32_0 = arith.constant 0 : i32
    %c0_i32_1 = arith.constant 0 : i32
    return %c0_i32, %c0_i32_0 : i32, i32
  }
  func.func @transform_4(%arg0: i32) -> (i32, i32) {
    %c0_i32 = arith.constant 0 : i32
    %c0_i32_0 = arith.constant 0 : i32
    %c0_i32_1 = arith.constant 0 : i32
    return %c0_i32, %c0_i32_0 : i32, i32
  }
  func.func @transform_5(%arg0: i32) -> (i32, i32) {
    %c0_i32 = arith.constant 0 : i32
    %c0_i32_0 = arith.constant 0 : i32
    %c0_i32_1 = arith.constant 0 : i32
    return %c0_i32, %c0_i32_0 : i32, i32
  }
  func.func @transform_6(%arg0: i32) -> (i32, i32) {
    %c0_i32 = arith.constant 0 : i32
    %c0_i32_0 = arith.constant 0 : i32
    %c0_i32_1 = arith.constant 0 : i32
    return %c0_i32, %c0_i32_0 : i32, i32
  }
  func.func @transform_7(%arg0: i32) -> (i32, i32) {
    %c0_i32 = arith.constant 0 : i32
    %c0_i32_0 = arith.constant 0 : i32
    %c0_i32_1 = arith.constant 0 : i32
    return %c0_i32, %c0_i32_0 : i32, i32
  }
  func.func @transform_8(%arg0: i32) -> (i32, i32) {
    %c0_i32 = arith.constant 0 : i32
    %c0_i32_0 = arith.constant 0 : i32
    %c0_i32_1 = arith.constant 0 : i32
    return %c0_i32, %c0_i32_0 : i32, i32
  }
  func.func @transform_9(%arg0: i32) -> (i32, i32) {
    %c0_i32 = arith.constant 0 : i32
    %c0_i32_0 = arith.constant 0 : i32
    return %arg0, %c0_i32 : i32, i32
  }
}

module attributes {stable_mosaic.version = 14 : i64} {
  func.func @_tc_mlp_pool_fc_body(%arg0: memref<10000x128xf32, #tpu.memory_space<vmem>>, %arg1: memref<2x10000x128xf32, #tpu.memory_space<vmem>>, %arg2: memref<1x1xf32, #tpu.memory_space<vmem>>, %arg3: memref<128x128xf32, #tpu.memory_space<vmem>>, %arg4: memref<1x128xf32, #tpu.memory_space<vmem>>, %arg5: memref<128x128xf32, #tpu.memory_space<vmem>>, %arg6: memref<1x128xf32, #tpu.memory_space<vmem>>, %arg7: memref<1x128xf32, #tpu.memory_space<vmem>>, %arg8: memref<1x128xf32, #tpu.memory_space<vmem>>, %arg9: memref<1x10000xi32, #tpu.memory_space<vmem>>, %arg10: memref<128x128xf32, #tpu.memory_space<vmem>>, %arg11: memref<1x128xf32, #tpu.memory_space<vmem>>, %arg12: memref<128x16xf32, #tpu.memory_space<vmem>>, %arg13: memref<1x16xf32, #tpu.memory_space<vmem>>, %arg14: memref<64x16xf32, #tpu.memory_space<vmem>>) attributes {dimension_semantics = [], scalar_prefetch = 0 : i64, scratch_operands = 0 : i64, tpu.core_type = #tpu.core_type<tc>} {
    %get3A = arith.constant 0 : index
    %get3A_0 = arith.constant 0 : index
    %get3A_1 = vector.load %arg2[%get3A, %get3A_0] : memref<1x1xf32, #tpu.memory_space<vmem>>, vector<1x1xf32>
    %get3A_2 = vector.extract %get3A_1[0, 0] : f32 from vector<1x1xf32>
    %add3A = arith.constant 1.000000e+00 : f32
    %add3A_3 = arith.addf %add3A, %get3A_2 : f32
    %get3A_4 = arith.constant 0 : index
    %get3A_5 = arith.constant 0 : index
    %get3A_6 = vector.load %arg0[%get3A_4, %get3A_5] : memref<10000x128xf32, #tpu.memory_space<vmem>>, vector<10000x128xf32>
    %mul3A = vector.broadcast %add3A_3 : f32 to vector<10000x128xf32>
    %mul3A_7 = arith.mulf %mul3A, %get3A_6 : vector<10000x128xf32>
    %get3A_8 = arith.constant 0 : index
    %get3A_9 = arith.constant 0 : index
    %get3A_10 = arith.constant 0 : index
    %get3A_11 = vector.load %arg1[%get3A_8, %get3A_9, %get3A_10] : memref<2x10000x128xf32, #tpu.memory_space<vmem>>, vector<1x10000x128xf32>
    %get3A_12 = vector.shape_cast %get3A_11 : vector<1x10000x128xf32> to vector<10000x128xf32>
    %add3A_13 = arith.addf %mul3A_7, %get3A_12 : vector<10000x128xf32>
    %get3A_14 = arith.constant 1 : index
    %get3A_15 = arith.constant 0 : index
    %get3A_16 = arith.constant 0 : index
    %get3A_17 = vector.load %arg1[%get3A_14, %get3A_15, %get3A_16] : memref<2x10000x128xf32, #tpu.memory_space<vmem>>, vector<1x10000x128xf32>
    %get3A_18 = vector.shape_cast %get3A_17 : vector<1x10000x128xf32> to vector<10000x128xf32>
    %add3A_19 = arith.addf %add3A_13, %get3A_18 : vector<10000x128xf32>
    %get3A_20 = arith.constant 0 : index
    %get3A_21 = arith.constant 0 : index
    %get3A_22 = vector.load %arg3[%get3A_20, %get3A_21] : memref<128x128xf32, #tpu.memory_space<vmem>>, vector<128x128xf32>
    %dot_general3A = arith.constant dense<0.000000e+00> : vector<10000x128xf32>
    %dot_general3A_23 = tpu.matmul %add3A_19, %get3A_22, %dot_general3A {dimension_numbers = #tpu.dot_dimension_numbers<[1], [0], [0], [1], [0, 0, 1, 1], [], []>, transpose_lhs_hint = false} : vector<10000x128xf32>, vector<128x128xf32>, vector<10000x128xf32> -> vector<10000x128xf32>
    %get3A_24 = arith.constant 0 : index
    %get3A_25 = arith.constant 0 : index
    %get3A_26 = vector.load %arg4[%get3A_24, %get3A_25] : memref<1x128xf32, #tpu.memory_space<vmem>>, vector<1x128xf32>
    %add3A_27 = vector.broadcast %get3A_26 : vector<1x128xf32> to vector<10000x128xf32>
    %add3A_28 = arith.addf %dot_general3A_23, %add3A_27 : vector<10000x128xf32>
    %max3A = arith.constant 0.000000e+00 : f32
    %max3A_29 = vector.broadcast %max3A : f32 to vector<10000x128xf32>
    %max3A_30 = arith.maximumf %add3A_28, %max3A_29 : vector<10000x128xf32>
    %get3A_31 = arith.constant 0 : index
    %get3A_32 = arith.constant 0 : index
    %get3A_33 = vector.load %arg5[%get3A_31, %get3A_32] : memref<128x128xf32, #tpu.memory_space<vmem>>, vector<128x128xf32>
    %dot_general3A_34 = arith.constant dense<0.000000e+00> : vector<10000x128xf32>
    %dot_general3A_35 = tpu.matmul %max3A_30, %get3A_33, %dot_general3A_34 {dimension_numbers = #tpu.dot_dimension_numbers<[1], [0], [0], [1], [0, 0, 1, 1], [], []>, transpose_lhs_hint = false} : vector<10000x128xf32>, vector<128x128xf32>, vector<10000x128xf32> -> vector<10000x128xf32>
    %get3A_36 = arith.constant 0 : index
    %get3A_37 = arith.constant 0 : index
    %get3A_38 = vector.load %arg6[%get3A_36, %get3A_37] : memref<1x128xf32, #tpu.memory_space<vmem>>, vector<1x128xf32>
    %add3A_39 = vector.broadcast %get3A_38 : vector<1x128xf32> to vector<10000x128xf32>
    %add3A_40 = arith.addf %dot_general3A_35, %add3A_39 : vector<10000x128xf32>
    %max3A_41 = arith.constant 0.000000e+00 : f32
    %max3A_42 = vector.broadcast %max3A_41 : f32 to vector<10000x128xf32>
    %max3A_43 = arith.maximumf %add3A_40, %max3A_42 : vector<10000x128xf32>
    %get3A_44 = arith.constant 0 : index
    %get3A_45 = arith.constant 0 : index
    %get3A_46 = vector.load %arg7[%get3A_44, %get3A_45] : memref<1x128xf32, #tpu.memory_space<vmem>>, vector<1x128xf32>
    %mul3A_47 = arith.constant 0.999994993 : f32
    %mul3A_48 = vector.broadcast %mul3A_47 : f32 to vector<1x128xf32>
    %mul3A_49 = arith.mulf %mul3A_48, %get3A_46 : vector<1x128xf32>
    %mul3A_50 = vector.broadcast %mul3A_49 : vector<1x128xf32> to vector<10000x128xf32>
    %mul3A_51 = arith.mulf %max3A_43, %mul3A_50 : vector<10000x128xf32>
    %get3A_52 = arith.constant 0 : index
    %get3A_53 = arith.constant 0 : index
    %get3A_54 = vector.load %arg8[%get3A_52, %get3A_53] : memref<1x128xf32, #tpu.memory_space<vmem>>, vector<1x128xf32>
    %add3A_55 = vector.broadcast %get3A_54 : vector<1x128xf32> to vector<10000x128xf32>
    %add3A_56 = arith.addf %mul3A_51, %add3A_55 : vector<10000x128xf32>
    %iota3A = tpu.iota {dimensions = array<i32: 0>} : vector<64x10000xi32>
    %get3A_57 = arith.constant 0 : index
    %get3A_58 = arith.constant 0 : index
    %get3A_59 = vector.load %arg9[%get3A_57, %get3A_58] : memref<1x10000xi32, #tpu.memory_space<vmem>>, vector<1x10000xi32>
    %eq3A = vector.broadcast %get3A_59 : vector<1x10000xi32> to vector<64x10000xi32>
    %eq3A_60 = arith.cmpi eq, %iota3A, %eq3A : vector<64x10000xi32>
    %convert_element_type3A = arith.extui %eq3A_60 : vector<64x10000xi1> to vector<64x10000xi32>
    %convert_element_type3A_61 = arith.sitofp %convert_element_type3A : vector<64x10000xi32> to vector<64x10000xf32>
    %dot_general3A_62 = arith.constant dense<0.000000e+00> : vector<64x128xf32>
    %dot_general3A_63 = tpu.matmul %convert_element_type3A_61, %add3A_56, %dot_general3A_62 {dimension_numbers = #tpu.dot_dimension_numbers<[1], [0], [0], [1], [0, 0, 1, 1], [], []>, transpose_lhs_hint = false} : vector<64x10000xf32>, vector<10000x128xf32>, vector<64x128xf32> -> vector<64x128xf32>
    %reduce_sum3A = arith.constant dense<0.000000e+00> : vector<64xf32>
    %reduce_sum3A_64 = vector.multi_reduction <add>, %convert_element_type3A_61, %reduce_sum3A [1] : vector<64x10000xf32> to vector<64xf32>
    %broadcast_in_dim3A = vector.shape_cast %reduce_sum3A_64 : vector<64xf32> to vector<64x1xf32>
    %max3A_65 = arith.constant 1.000000e+00 : f32
    %max3A_66 = vector.broadcast %max3A_65 : f32 to vector<64x1xf32>
    %max3A_67 = arith.maximumf %broadcast_in_dim3A, %max3A_66 : vector<64x1xf32>
    %div3A = vector.broadcast %max3A_67 : vector<64x1xf32> to vector<64x128xf32>
    %div3A_68 = arith.divf %dot_general3A_63, %div3A : vector<64x128xf32>
    %get3A_69 = arith.constant 0 : index
    %get3A_70 = arith.constant 0 : index
    %get3A_71 = vector.load %arg10[%get3A_69, %get3A_70] : memref<128x128xf32, #tpu.memory_space<vmem>>, vector<128x128xf32>
    %dot_general3A_72 = arith.constant dense<0.000000e+00> : vector<64x128xf32>
    %dot_general3A_73 = tpu.matmul %div3A_68, %get3A_71, %dot_general3A_72 {dimension_numbers = #tpu.dot_dimension_numbers<[1], [0], [0], [1], [0, 0, 1, 1], [], []>, transpose_lhs_hint = false} : vector<64x128xf32>, vector<128x128xf32>, vector<64x128xf32> -> vector<64x128xf32>
    %get3A_74 = arith.constant 0 : index
    %get3A_75 = arith.constant 0 : index
    %get3A_76 = vector.load %arg11[%get3A_74, %get3A_75] : memref<1x128xf32, #tpu.memory_space<vmem>>, vector<1x128xf32>
    %add3A_77 = vector.broadcast %get3A_76 : vector<1x128xf32> to vector<64x128xf32>
    %add3A_78 = arith.addf %dot_general3A_73, %add3A_77 : vector<64x128xf32>
    %max3A_79 = arith.constant 0.000000e+00 : f32
    %max3A_80 = vector.broadcast %max3A_79 : f32 to vector<64x128xf32>
    %max3A_81 = arith.maximumf %add3A_78, %max3A_80 : vector<64x128xf32>
    %get3A_82 = arith.constant 0 : index
    %get3A_83 = arith.constant 0 : index
    %get3A_84 = vector.load %arg12[%get3A_82, %get3A_83] : memref<128x16xf32, #tpu.memory_space<vmem>>, vector<128x16xf32>
    %dot_general3A_85 = arith.constant dense<0.000000e+00> : vector<64x16xf32>
    %dot_general3A_86 = tpu.matmul %max3A_81, %get3A_84, %dot_general3A_85 {dimension_numbers = #tpu.dot_dimension_numbers<[1], [0], [0], [1], [0, 0, 1, 1], [], []>, transpose_lhs_hint = false} : vector<64x128xf32>, vector<128x16xf32>, vector<64x16xf32> -> vector<64x16xf32>
    %get3A_87 = arith.constant 0 : index
    %get3A_88 = arith.constant 0 : index
    %get3A_89 = vector.load %arg13[%get3A_87, %get3A_88] : memref<1x16xf32, #tpu.memory_space<vmem>>, vector<1x16xf32>
    %add3A_90 = vector.broadcast %get3A_89 : vector<1x16xf32> to vector<64x16xf32>
    %add3A_91 = arith.addf %dot_general3A_86, %add3A_90 : vector<64x16xf32>
    %reduce_max3A = arith.constant dense<0xFF800000> : vector<64xf32>
    %reduce_max3A_92 = vector.multi_reduction <maximumf>, %add3A_91, %reduce_max3A [1] : vector<64x16xf32> to vector<64xf32>
    %broadcast_in_dim3A_93 = vector.shape_cast %reduce_max3A_92 : vector<64xf32> to vector<64x1xf32>
    %sub3A = vector.broadcast %broadcast_in_dim3A_93 : vector<64x1xf32> to vector<64x16xf32>
    %sub3A_94 = arith.subf %add3A_91, %sub3A : vector<64x16xf32>
    %exp3A = math.exp %sub3A_94 : vector<64x16xf32>
    %reduce_sum3A_95 = arith.constant dense<0.000000e+00> : vector<64xf32>
    %reduce_sum3A_96 = vector.multi_reduction <add>, %exp3A, %reduce_sum3A_95 [1] : vector<64x16xf32> to vector<64xf32>
    %broadcast_in_dim3A_97 = vector.shape_cast %reduce_sum3A_96 : vector<64xf32> to vector<64x1xf32>
    %log3A = math.log %broadcast_in_dim3A_97 : vector<64x1xf32>
    %add3A_98 = arith.addf %log3A, %broadcast_in_dim3A_93 : vector<64x1xf32>
    %sub3A_99 = vector.broadcast %add3A_98 : vector<64x1xf32> to vector<64x16xf32>
    %sub3A_100 = arith.subf %add3A_91, %sub3A_99 : vector<64x16xf32>
    %swap3A = arith.constant 0 : index
    %swap3A_101 = arith.constant 0 : index
    %swap3A_102 = vector.load %arg14[%swap3A, %swap3A_101] : memref<64x16xf32, #tpu.memory_space<vmem>>, vector<64x16xf32>
    tpu.vector_store %arg14[%swap3A, %swap3A_101], %sub3A_100 {strides = array<i32>} : memref<64x16xf32, #tpu.memory_space<vmem>>, vector<64x16xf32>,
    return
  }
}

</mosaic_0001>

<sc_bundles>
// kernel: kernel.11.cloned.1.call-start
scs
__scs_entry_jumppad:
0x0: {  	(pc) =	sbr.rel $0x88, $3  }
0x1: {  	(tag) =	ssettag $0x0;
	lr =	simm.s32 $0x1  }
0x2: {  	[smem:$0x3F85] =	sst lr;
	_ =	strace $0xD0000000  }
0x3: {  	_ = 	snop  }
0x4: {  	_ = 	snop  }
0x5: {  	_ = 	snop  }
0x6: {  	_ = 	snop  }
0x7: {  	_ = 	snop  }
__scs_overlays_trampoline_lowered:
0x8: {  	[smem:$0x3F94] =	sst s0  }
0x9: {  	[smem:$0x3F95] =	sst s1  }
0xa: {  	[smem:$0x3F96] =	sst s2  }
0xb: {  	[smem:$0x3F97] =	sst s3  }
0xc: {  	[smem:$0x3F98] =	sst s4  }
0xd: {  	[smem:$0x3F99] =	sst s5  }
0xe: {  	[smem:$0x3F9A] =	sst s6  }
0xf: {  	[smem:$0x3F9B] =	sst s7  }
0x10: {  	[smem:$0x3F9C] =	sst s8  }
0x11: {  	[smem:$0x3F9D] =	sst s9;
	s0 =	simm.s32 @!p0 $0x0  }
0x12: {  	s1 =	sld [smem:$0x3F83];
	s0 =	simm.s32 @p0 $0x1  }
0x13: {  	[smem:$0x3F9E] =	sst s0;
	s0 =	simm.s32 @!p1 $0x0  }
0x14: {  	s2 =	sld [smem:$0x3F82];
	s0 =	simm.s32 @p1 $0x1  }
0x15: {  	[smem:$0x3F9F] =	sst s0;
	s0 =	simm.s32 @!p2 $0x0  }
0x16: {  	s3 =	sld [smem:$0x3FDB];
	s0 =	simm.s32 @p2 $0x1  }
0x17: {  	s4 =	simm.s32 $0x1BF5;
	[smem:$0x3FA1] =	sst s0  }
0x18: {  	s0 =	sld [smem:$0x3F84];
	_ =	swait.ge [sflag:s4], $0x0  }
0x19: {  	s7 =	sld [smem:$0x3F85]  }
0x1a: {  	s8 =	sadd.s32 $0xFFFFE003, lr  }
0x1b: {  	s9 =	sadd.s32 $0xFFFFFEF7, lr;
	s5 =	simm.s32 $0xFFFFFFFF;
	p2 =	slt.u32 s8, $0xFFFFF086  }
0x1c: {  	p1 =	slt.u32 s9, $0xF7A;
	s5 =	simm.s32 @!p2 $0x0  }
0x1d: {  	s5 =	simm.s32 @p1 $0x1;
	p0 =	seq.s32 s7, s2  }
0x1e: {  	s7 =	smul.u32 @!p0 $0xF7A, s2;
	p2 =	seq.s32 @!p0 s5, $0x0  }
0x1f: {  	s9 =	smul.u32 $0xF7A, s1;
	s8 =	simm.s32 @!p0 $0x1BF5;
	p2 =	por !p2, p0  }
0x20: {  	[sflag:s8] =	ssyncset.s32 @!p0 $0xFFFFF086;
	s6 =	sadd.s32 @!p0 s3, s7;
	s7 =	simm.s32 @!p0 $0x108  }
0x21: {  	s3 =	sadd.s32 s3, s9;
	s6 =	sadd.s32 @!p0 $0x88, s6;
	s7 =	simm.s32 @p2 $0x1082  }
0x22: {  	[simem:s7], [sflag:s8] =	dma.local @!p0 [hbm:s6], $0xF7A  }
0x23: {  	s9 =	sor.u32 $0xD0000000, s2;
	s6 =	simm.s32 $0x108;
	_ =	swait.ge @!p0 [sflag:s8], $0x0  }
0x24: {  	s3 =	sadd.s32 $0x88, s3;
	s6 =	simm.s32 @!p1 $0x1082;
	[sflag:s4] =	ssyncset.s32 $0xFFFFF086  }
0x25: {  	[simem:s6], [sflag:s4] =	dma.local [hbm:s3], $0xF7A  }
0x26: {  	[smem:$0x3F85] =	sst s1;
	(tag) =	ssettag s2;
	_ =	strace s9  }
0x27: {  	s1 =	sld [smem:$0x3F95]  }
0x28: {  	s2 =	sld [smem:$0x3F96]  }
0x29: {  	s4 =	sld [smem:$0x3F98]  }
0x2a: {  	p0 =	seq.s32 s5, $0x0;
	s5 =	sld [smem:$0x3F99]  }
0x2b: {  	s6 =	sld [smem:$0x3F9A]  }
0x2c: {  	s7 =	sld [smem:$0x3F9B]  }
0x2d: {  	s3 =	simm.s32 $0x108;
	s8 =	sld [smem:$0x3F9C]  }
0x2e: {  	s3 =	simm.s32 @!p0 $0x1082;
	s9 =	sld [smem:$0x3F9D]  }
0x2f: {  	lr =	sadd.s32 s0, s3;
	s0 =	sld [smem:$0x3F94]  }
0x30: {  	s3 =	sld [smem:$0x3F97]  }
0x31: {  	[smem:$0x3FA0] =	sst s10  }
0x32: {  	s10 =	sld [smem:$0x3F9E];
	_ =	sdelay $0x3  }
0x33: {  	p0 =	seq.s32 s10, $0x1;
	s10 =	sld [smem:$0x3FA0];
	_ =	sdelay $0x3  }
0x34: {  	[smem:$0x3FA0] =	sst s10  }
0x35: {  	s10 =	sld [smem:$0x3F9F];
	_ =	sdelay $0x3  }
0x36: {  	p1 =	seq.s32 s10, $0x1;
	s10 =	sld [smem:$0x3FA0];
	_ =	sdelay $0x3  }
0x37: {  	[smem:$0x3FA0] =	sst s10  }
0x38: {  	s10 =	sld [smem:$0x3FA1]  }
0x39: {  	_ = 	snop;
	(pc) =	sbr.ind lr, $3  }
0x3a: {  	_ = 	snop  }
0x3b: {  	_ = 	snop  }
0x3c: {  	p2 =	seq.s32 s10, $0x1;
	s10 =	sld [smem:$0x3FA0]  }
0x3d: {  	_ =	shalt  }
0x3e: {  	_ =	shalt  }
0x3f: {  	_ =	shalt  }
0x40: {  	_ =	shalt  }
0x41: {  	_ =	shalt  }
0x42: {  	_ =	shalt  }
0x43: {  	_ =	shalt  }
0x44: {  	_ =	shalt  }
0x45: {  	_ =	shalt  }
0x46: {  	_ =	shalt  }
0x47: {  	_ =	shalt  }
0x48: {  	_ =	shalt  }
0x49: {  	_ =	shalt  }
0x4a: {  	_ =	shalt  }
0x4b: {  	_ =	shalt  }
0x4c: {  	_ =	shalt  }
0x4d: {  	_ =	shalt  }
0x4e: {  	_ =	shalt  }
0x4f: {  	_ =	shalt  }
0x50: {  	_ =	shalt  }
0x51: {  	_ =	shalt  }
0x52: {  	_ =	shalt  }
0x53: {  	_ =	shalt  }
0x54: {  	_ =	shalt  }
0x55: {  	_ =	shalt  }
0x56: {  	_ =	shalt  }
0x57: {  	_ =	shalt  }
0x58: {  	_ =	shalt  }
0x59: {  	_ =	shalt  }
0x5a: {  	_ =	shalt  }
0x5b: {  	_ =	shalt  }
0x5c: {  	_ =	shalt  }
0x5d: {  	_ =	shalt  }
0x5e: {  	_ =	shalt  }
0x5f: {  	_ =	shalt  }
0x60: {  	_ =	shalt  }
0x61: {  	_ =	shalt  }
0x62: {  	_ =	shalt  }
0x63: {  	_ =	shalt  }
0x64: {  	_ =	shalt  }
0x65: {  	_ =	shalt  }
0x66: {  	_ =	shalt  }
0x67: {  	_ =	shalt  }
0x68: {  	_ =	shalt  }
0x69: {  	_ =	shalt  }
0x6a: {  	_ =	shalt  }
0x6b: {  	_ =	shalt  }
0x6c: {  	_ =	shalt  }
0x6d: {  	_ =	shalt  }
0x6e: {  	_ =	shalt  }
0x6f: {  	_ =	shalt  }
0x70: {  	_ =	shalt  }
0x71: {  	_ =	shalt  }
0x72: {  	_ =	shalt  }
0x73: {  	_ =	shalt  }
0x74: {  	_ =	shalt  }
0x75: {  	_ =	shalt  }
0x76: {  	_ =	shalt  }
0x77: {  	_ =	shalt  }
0x78: {  	_ =	shalt  }
0x79: {  	_ =	shalt  }
0x7a: {  	_ =	shalt  }
0x7b: {  	_ =	shalt  }
0x7c: {  	_ =	shalt  }
0x7d: {  	_ =	shalt  }
0x7e: {  	_ =	shalt  }
0x7f: {  	_ =	shalt  }
0x80: {  	_ =	shalt  }
0x81: {  	_ =	shalt  }
0x82: {  	_ =	shalt  }
0x83: {  	_ =	shalt  }
0x84: {  	_ =	shalt  }
0x85: {  	_ =	shalt  }
0x86: {  	_ =	shalt  }
0x87: {  	_ =	shalt  }
.Lfunc_end0:
.L_simem_size_0:
called_computation.1_lowered:
.L_overlay_start_0:
0x88: {  	s2 =	sld [smem:$0x3FD9]  }
0x89: {  	s3 =	sld [smem:$0x3FFE];
	_ =	sdelay $0x1  }
0x8a: {  	s1 =	srdreg.scid  }
0x8b: {  	s0 =	sand.u32 $0x1, s1  }
0x8c: {  	s16 =	sshll.u32 s0, $0xA;
	s2 =	sadd.s32 s3, s2  }
0x8d: {  	s2 =	sadd.s32 s2, s16  }
0x8e: {  	[smem:$0x3FAC] =	sst s2  }
0x8f: {  	_ = 	snop  }
0x90: {  	(tm) =	ssettm $0x1  }
0x91: {  	s17 =	sld [smem:$0x3FFB];
	_ =	sdelay $0x3  }
0x92: {  	_ =	strace s17  }
0x93: {  	s2 =	sld [smem:$0x3FFC];
	_ =	sdelay $0x3  }
0x94: {  	_ =	strace s2  }
0x95: {  	s2 =	sld [smem:$0x3FFD];
	_ =	sdelay $0x3  }
0x96: {  	_ =	strace s2  }
0x97: {  	_ =	strace $0x8FFFFFFF  }
0x98: {  	s18 =	sld [smem:$0x3FDB];
	_ =	sdelay $0x1  }
0x99: {  	s19 =	simm.s32 $_scs_section_size  }
0x9a: {  	s4 =	simm.s32 $_size__tile_overlayer_lowered;
	s5 =	simm.s32 $_tile_overlayer_lowered  }
0x9b: {  	s22 =	simm.s32 $0x1BFF;
	s21 =	sshll.u32 s5, $0x1;
	s2 =	sadd.s32 s19, s18  }
0x9c: {  	s6 =	simm.s32 $0x0;
	s20 =	sshll.u32 s4, $0x1;
	s4 =	sadd.s32 s21, s2  }
0x9d: {  	[timem:s6], [sflag:s22] =	dma.local [hbm:s4], s20  }
0x9e: {  	_ =	swait.ge [sflag:s22], s20  }
0x9f: {  	s3 =	ssub.s32 $0x0, s20;
	[sflag:s22] =	ssyncset.done $0x0  }
0xa0: {  	[sflag:s22] =	ssyncadd.s32 s3;
	_ =	sdelay $0x1  }
0xa1: {  	s23 =	simm.s32 $0x1B8B  }
0xa2: {  	_ =	swait.ge [sflag:s23], $0x1  }
0xa3: {  	[sflag:s23] =	ssyncset.done $0x0  }
0xa4: {  	s25 =	simm.s32 $0x1B8E;
	s24 =	sld [smem:$0x3FFE];
	[sflag:s23] =	ssyncadd.s32 $0xFFFFFFFF  }
0xa5: {  	s26 =	simm.s32 $execute0_lowered;
	[smem:$0x3FD2] =	sst s25  }
0xa6: {  	s4 =	sshll.u32 s26, $0x1;
	_ =	strace $0x80000049;
	[dreg:$0x1] =	wrdreg $0xFFFFFFFF  }
0xa7: {  	s28 =	simm.s32 $_size_execute0_lowered;
	s2 =	sadd.s32 s2, s4;
	[dreg:$0x0] =	wrdreg $0x0  }
0xa8: {  	s4 =	sshll.u32 s28, $0x1;
	[dreg:$0x2] =	wrdreg s2  }
0xa9: {  	[dreg:$0x3] =	wrdreg s4  }
0xaa: {  	[dreg:$0x4] =	wrdreg $0xC0  }
0xab: {  	_ =	task [dreg:s6], $0x5FFFF  }
0xac: {  	[dreg:$0x1] =	wrdreg $0xFFFFFFFF  }
0xad: {  	[dreg:$0x0] =	wrdreg $0x60  }
0xae: {  	[dreg:$0x2] =	wrdreg s24  }
0xaf: {  	[dreg:$0x3] =	wrdreg $0xC3000  }
0xb0: {  	[dreg:$0x4] =	wrdreg $0x9  }
0xb1: {  	_ =	task.clear_ibuf [dreg:s6], $0x5FFFF;
	_ =	strace $0x90000049  }
0xb2: {  	s29 =	simm.s32 $0x9;
	_ =	strace $0x8000004B  }
0xb3: {  	_ =	swait.ge [sflag:s29], $0x1  }
0xb4: {  	[sflag:s29] =	ssyncadd.s32 $0xFFFFFFFF  }
0xb5: {  	_ =	strace $0x9000004B  }
0xb6: {  	_ =	sfence  }
0xb7: {  	s30 =	sld [smem:$0x0];
	_ =	sdelay $0x2  }
0xb8: {  	s31 =	sshll.u32 s1, $0xD;
	s1 =	sshrl.u32 s1, $0x2  }
0xb9: {  	s3 =	sand.u32 $0x4000, s31;
	s1 =	sadd.s32 s1, s30  }
0xba: {  	s0 =	sor.u32 s3, s0;
	s1 =	sshll.u32 s1, $0x11  }
0xbb: {  	s0 =	sor.u32 s1, s0  }
0xbc: {  	s0 =	sadd.s32 $0x8F2B, s0  }
0xbd: {  	[sflag:s0] =	ssyncadd.remote.s32 $0x1  }
0xbe: {  	_ =	sfence.sel $0xFFFF  }
0xbf: {  	[dreg:$0x0] =	wrdreg $0xFFFFFFFF;
	(pc) =	sbr.abs _section_cstart, $3  }
0xc0: {  	[dreg:$0x1] =	wrdreg $0xFFFFFFFF  }
0xc1: {  	_ =	task.clear_ibuf [dreg:s6], $0x2FFFF;
	_ =	strace $0x9FFFFFFF  }
0xc2: {  	(tm) =	ssettm $0x7FFFFFFF  }
0xc3: {  	_ =	shalt  }
tec
execute0_lowered:
.L_overlay_start_1:
0x0: {  	(tag) =	ssettag $0x1  }
0x1: {  	s0 =	rddreg [dreg:$0x0]  }
0x2: {  	s1 =	rddreg [dreg:$0x1];
	s2 =	simm.s32 $0x0  }
0x3: {  	s4 =	stileid.u32;
	s6 =	srdreg.scid;
	s28 =	simm.s32 $0x280  }
0x4: {  	s29 =	simm.s32 $0x1;
	s30 =	simm.s32 $0x300;
	s31 =	simm.s32 $0x2  }
0x5: {  	[smem:$0x7FF] =	sst s2;
	s3 =	sadd.s32 $0x3F600, s0;
	s5 =	smul.u32 $0x13800, s4  }
0x6: {  	s7 =	sadd.s32 $0xE600, s0;
	s8 =	sand.u32 $0x1, s6;
	s24 =	smul.u32 $0x4E000, s4  }
0x7: {  	s9 =	sadd.s32 $0x4800, s0;
	s17 =	sadd.s32 $0x66800, s0;
	s25 =	sshll.u32 s4, $0x6  }
0x8: {  	s13 =	sadd.s32 $0x138000, s1;
	p0 =	sne.s32 s4, $0x0;
	p1 =	sgt.u32 s4, $0x1  }
0x9: {  	_ =	strace $0x8000004A;
	s11 =	ssub.s32 $0x2, s8;
	s21 =	sshll.u32 s8, $0x4  }
0xa: {  	[dreg:$0x5] =	wrdreg s13;
	s8 =	smul.u32 $0x138800, s8;
	s10 =	sshrl.u32 s5, $0x3  }
0xb: {  	s12 =	sshrl.u32 s11, $0x1;
	s6 =	sshrl.u32 s24, $0x2;
	s10 =	sadd.s32 s10, s0  }
0xc: {  	s11 =	ssub.s32 s11, s12;
	s6 =	sadd.s32 s6, s1;
	s12 =	sshll.u32 s4, $0x5  }
0xd: {  	s0 =	sadd.s32 $0x3F400, s0;
	s5 =	sadd.s32 s5, s8;
	s8 =	sshrl.u32 s8, $0x3  }
0xe: {  	s4 =	simm.s32 $0x3;
	[dreg:$0x3] =	wrdreg s6;
	s10 =	sadd.s32 $0x18400, s10  }
0xf: {  	s6 =	sor.u32 $0x1C06, s25;
	s26 =	sor.u32 s21, s12;
	[dreg:$0x6] =	wrdreg s0  }
0x10: {  	s23 =	sshrl.u32 s5, $0x3;
	s24 =	sadd.s32 s17, s8;
	s25 =	sadd.s32 s12, s9  }
0x11: {  	s5 =	simm.s32 $0x8300;
	s8 =	simm.s32 $0x5;
	[dreg:$0x4] =	wrdreg s10  }
0x12: {  	s14 =	sor.u32 $0x200, s26;
	s15 =	sadd.s32 s7, s26;
	s16 =	sadd.s32 s9, s26  }
0x13: {  	s19 =	sor.u32 $0x400, s26;
	s22 =	sor.u32 $0x9C00, s26;
	[dreg:$0x7] =	wrdreg s15  }
0x14: {  	s17 =	sadd.s32 s17, s23;
	[dreg:$0x8] =	wrdreg s16;
	s18 =	sadd.s32 s7, s14  }
0x15: {  	s26 =	sadd.s32 s12, s7;
	s0 =	sadd.s32 s9, s14;
	[dreg:$0x9] =	wrdreg s18  }
0x16: {  	s23 =	simm.s32 $0x180;
	s20 =	sadd.s32 s7, s19;
	[dreg:$0xa] =	wrdreg s0  }
0x17: {  	s10 =	sadd.s32 s7, s22;
	s7 =	simm.s32 $0x4;
	[dreg:$0xb] =	wrdreg s20  }
0x18: {  	s0 =	sadd.s32 s9, s19;
	[dreg:$0xd] =	wrdreg s10;
	s18 =	sadd.s32 $0x27000, s24  }
0x19: {  	s19 =	smax.u32 s11, $0x1;
	s20 =	sadd.s32 s21, s25;
	s21 =	sadd.s32 s21, s26  }
0x1a: {  	s24 =	simm.s32 $0x80;
	s25 =	simm.s32 $0x200;
	s26 =	simm.s32 $0x100  }
0x1b: {  	[dreg:$0xc] =	wrdreg s0;
	s0 =	sadd.s32 s9, s22;
	s22 =	simm.s32 $0x6  }
0x1c: {  	s9 =	simm.s32 $0x0;
	[dreg:$0xe] =	wrdreg s0;
	s0 =	simm.s32 $0x4300  }
.LBB2_1:
0x1d: {  	s10 =	rddreg [dreg:$0x3]  }
0x1e: {  	s11 =	rddreg [dreg:$0x4];
	s10 =	sshrl.u32 s10, $0x3  }
0x1f: {  	[spmem:s10], [sflag:s6] =	dma.local [hbm:s11], $0x2700  }
0x20: {  	_ =	swait.ge [sflag:s22], $0x2700  }
0x21: {  	[sflag:s22] =	ssyncset.done $0x0;
	s11 =	rddreg [dreg:$0x5]  }
0x22: {  	s12 =	rddreg [dreg:$0x6];
	[sflag:s22] =	ssyncadd.s32 $0xFFFFD900;
	s11 =	sshrl.u32 @!p0 s11, $0x3  }
0x23: {  	[spmem:s11], [sflag:s6] =	dma.local @!p0 [hbm:s12], $0x100  }
0x24: {  	s12 =	simm.s32 @!p0 $0x6  }
0x25: {  	_ =	swait.ge @!p0 [sflag:s12], $0x100  }
0x26: {  	[sflag:s12] =	ssyncset.done @!p0 $0x0  }
0x27: {  	[sflag:s12] =	ssyncadd.s32 @!p0 $0xFFFFFF00  }
0x28: {  	[bflag:$0x0] =	sbarrier.arrive $0xFFFF  }
0x29: {  	s13 =	rddreg [dreg:$0x7]  }
0x2a: {  	[tilespmem:s2], [sflag:$0x1] =	stream.linear.gather [hbm4b:s13+s2], $0x80, $0x38;
	[tilespmem:$0x1FB80] =	vst v63  }
0x2b: {  	s14 =	rddreg [dreg:$0x8]  }
0x2c: {  	[tilespmem:s23], [sflag:$0x1] =	stream.linear.gather [hbm4b:s14+s2], $0x80, $0x38;
	[tilespmem:$0x1FB80] =	vst v63  }
0x2d: {  	s15 =	rddreg [dreg:$0x9]  }
0x2e: {  	[tilespmem:s24], [sflag:$0x2] =	stream.linear.gather [hbm4b:s15+s2], $0x80, $0x38;
	[tilespmem:$0x1FB80] =	vst v63  }
0x2f: {  	s16 =	rddreg [dreg:$0xa]  }
0x30: {  	[tilespmem:s25], [sflag:$0x2] =	stream.linear.gather [hbm4b:s16+s2], $0x80, $0x38;
	[tilespmem:$0x1FB80] =	vst v63  }
0x31: {  	s13 =	rddreg [dreg:$0xb]  }
0x32: {  	[tilespmem:s26], [sflag:$0x3] =	stream.linear.gather [hbm4b:s13+s2], $0x80, $0x38;
	[tilespmem:$0x1FB80] =	vst v63  }
0x33: {  	s14 =	rddreg [dreg:$0xc]  }
0x34: {  	[tilespmem:s28], [sflag:$0x3] =	stream.linear.gather [hbm4b:s14+s2], $0x80, $0x38;
	[tilespmem:$0x1FB80] =	vst v63  }
0x35: {  	_ =	swait.ge [sflag:s29], $0x80  }
0x36: {  	[sflag:s29] =	ssyncset.done $0x0  }
0x37: {  	[sflag:s29] =	ssyncadd.s32 $0xFFFFFF80  }
0x38: {  	_ =	swait.ge [sflag:s29], $0x80  }
0x39: {  	[sflag:s29] =	ssyncset.done $0x0  }
0x3a: {  	[sflag:s29] =	ssyncadd.s32 $0xFFFFFF80  }
0x3b: {  	[tilespmem:s30], [sflag:$0x4] =	stream.indirect.gather [hbm4b:s3+s24], $0x80, s2, s24, $0xb8;
	[tilespmem:$0x1FB80] =	vst v63  }
0x3c: {  	_ =	swait.ge [sflag:s31], $0x80  }
0x3d: {  	[sflag:s31] =	ssyncset.done $0x0  }
0x3e: {  	[sflag:s31] =	ssyncadd.s32 $0xFFFFFF80  }
0x3f: {  	_ =	swait.ge [sflag:s31], $0x80  }
0x40: {  	[sflag:s31] =	ssyncset.done $0x0  }
0x41: {  	[sflag:s31] =	ssyncadd.s32 $0xFFFFFF80  }
0x42: {  	[tilespmem:s0], [sflag:$0x4] =	stream.indirect.gather [hbm4b:s3+s24], $0x80, s24, s24, $0xb8;
	[tilespmem:$0x1FB80] =	vst v63  }
0x43: {  	_ =	swait.ge [sflag:s4], $0x80  }
0x44: {  	[sflag:s4] =	ssyncset.done $0x0  }
0x45: {  	[sflag:s4] =	ssyncadd.s32 $0xFFFFFF80  }
0x46: {  	_ =	swait.ge [sflag:s4], $0x80  }
0x47: {  	[sflag:s4] =	ssyncset.done $0x0  }
0x48: {  	[sflag:s4] =	ssyncadd.s32 $0xFFFFFF80  }
0x49: {  	[tilespmem:s5], [sflag:$0x4] =	stream.indirect.gather [hbm4b:s3+s24], $0x80, s26, s24, $0xb8;
	[tilespmem:$0x1FB80] =	vst v63  }
0x4a: {  	_ =	swait.ge [sflag:s7], $0x4000  }
0x4b: {  	[sflag:s7] =	ssyncset.done $0x0  }
0x4c: {  	[sflag:s7] =	ssyncadd.s32 $0xFFFFC000  }
0x4d: {  	[spmem:s1] =	stream.indirect.scatter.add.f32 [tilespmem:s30], [sflag:$0x5], $0x80, s23, s24, $0xb8;
	[tilespmem:$0x1FB80] =	vst v63  }
0x4e: {  	_ =	swait.ge [sflag:s7], $0x4000  }
0x4f: {  	[sflag:s7] =	ssyncset.done $0x0  }
0x50: {  	[sflag:s7] =	ssyncadd.s32 $0xFFFFC000  }
0x51: {  	[spmem:s1] =	stream.indirect.scatter.add.f32 [tilespmem:s0], [sflag:$0x5], $0x80, s25, s24, $0xb8;
	[tilespmem:$0x1FB80] =	vst v63  }
0x52: {  	_ =	swait.ge [sflag:s7], $0x4000  }
0x53: {  	[sflag:s7] =	ssyncset.done $0x0  }
0x54: {  	[sflag:s7] =	ssyncadd.s32 $0xFFFFC000  }
0x55: {  	[spmem:s1] =	stream.indirect.scatter.add.f32 [tilespmem:s5], [sflag:$0x5], $0x80, s28, s24, $0xb8;
	[tilespmem:$0x1FB80] =	vst v63  }
0x56: {  	_ =	swait.ge [sflag:s8], $0x4000  }
0x57: {  	s12 =	sadd.s32 $0x0, s21;
	[sflag:s8] =	ssyncset.done $0x0  }
0x58: {  	s13 =	sadd.s32 $0x600, s12;
	s14 =	sadd.s32 $0x0, s20;
	[sflag:s8] =	ssyncadd.s32 $0xFFFFC000  }
0x59: {  	[tilespmem:s2], [sflag:$0x1] =	stream.linear.gather [hbm4b:s13+s2], $0x80, $0x38;
	[tilespmem:$0x1FB80] =	vst v63  }
0x5a: {  	s15 =	sadd.s32 $0x600, s14  }
0x5b: {  	[tilespmem:s23], [sflag:$0x1] =	stream.linear.gather [hbm4b:s15+s2], $0x80, $0x38;
	[tilespmem:$0x1FB80] =	vst v63  }
0x5c: {  	_ =	swait.ge [sflag:s8], $0x4000  }
0x5d: {  	[sflag:s8] =	ssyncset.done $0x0  }
0x5e: {  	s16 =	sadd.s32 $0x800, s12;
	[sflag:s8] =	ssyncadd.s32 $0xFFFFC000  }
0x5f: {  	[tilespmem:s24], [sflag:$0x2] =	stream.linear.gather [hbm4b:s16+s2], $0x80, $0x38;
	[tilespmem:$0x1FB80] =	vst v63  }
0x60: {  	s15 =	sadd.s32 $0x800, s14  }
0x61: {  	[tilespmem:s25], [sflag:$0x2] =	stream.linear.gather [hbm4b:s15+s2], $0x80, $0x38;
	[tilespmem:$0x1FB80] =	vst v63  }
0x62: {  	_ =	swait.ge [sflag:s8], $0x4000  }
0x63: {  	[sflag:s8] =	ssyncset.done $0x0  }
0x64: {  	s12 =	sadd.s32 $0xA00, s12;
	[sflag:s8] =	ssyncadd.s32 $0xFFFFC000  }
0x65: {  	[tilespmem:s26], [sflag:$0x3] =	stream.linear.gather [hbm4b:s12+s2], $0x80, $0x38;
	[tilespmem:$0x1FB80] =	vst v63  }
0x66: {  	s16 =	sadd.s32 $0xA00, s14  }
0x67: {  	[tilespmem:s28], [sflag:$0x3] =	stream.linear.gather [hbm4b:s16+s2], $0x80, $0x38;
	[tilespmem:$0x1FB80] =	vst v63  }
0x68: {  	_ =	swait.ge [sflag:s29], $0x80  }
0x69: {  	[sflag:s29] =	ssyncset.done $0x0  }
0x6a: {  	[sflag:s29] =	ssyncadd.s32 $0xFFFFFF80  }
0x6b: {  	_ =	swait.ge [sflag:s29], $0x80  }
0x6c: {  	[sflag:s29] =	ssyncset.done $0x0  }
0x6d: {  	[sflag:s29] =	ssyncadd.s32 $0xFFFFFF80  }
0x6e: {  	[tilespmem:s30], [sflag:$0x4] =	stream.indirect.gather [hbm4b:s3+s24], $0x80, s2, s24, $0xb8;
	[tilespmem:$0x1FB80] =	vst v63  }
0x6f: {  	_ =	swait.ge [sflag:s31], $0x80  }
0x70: {  	[sflag:s31] =	ssyncset.done $0x0  }
0x71: {  	[sflag:s31] =	ssyncadd.s32 $0xFFFFFF80  }
0x72: {  	_ =	swait.ge [sflag:s31], $0x80  }
0x73: {  	[sflag:s31] =	ssyncset.done $0x0  }
0x74: {  	[sflag:s31] =	ssyncadd.s32 $0xFFFFFF80  }
0x75: {  	[tilespmem:s0], [sflag:$0x4] =	stream.indirect.gather [hbm4b:s3+s24], $0x80, s24, s24, $0xb8;
	[tilespmem:$0x1FB80] =	vst v63  }
0x76: {  	_ =	swait.ge [sflag:s4], $0x80  }
0x77: {  	[sflag:s4] =	ssyncset.done $0x0  }
0x78: {  	[sflag:s4] =	ssyncadd.s32 $0xFFFFFF80  }
0x79: {  	_ =	swait.ge [sflag:s4], $0x80  }
0x7a: {  	[sflag:s4] =	ssyncset.done $0x0  }
0x7b: {  	[sflag:s4] =	ssyncadd.s32 $0xFFFFFF80  }
0x7c: {  	[tilespmem:s5], [sflag:$0x4] =	stream.indirect.gather [hbm4b:s3+s24], $0x80, s26, s24, $0xb8;
	[tilespmem:$0x1FB80] =	vst v63  }
0x7d: {  	_ =	swait.ge [sflag:s7], $0x4000  }
0x7e: {  	[sflag:s7] =	ssyncset.done $0x0  }
0x7f: {  	[sflag:s7] =	ssyncadd.s32 $0xFFFFC000  }
0x80: {  	[spmem:s1] =	stream.indirect.scatter.add.f32 [tilespmem:s30], [sflag:$0x5], $0x80, s23, s24, $0xb8;
	[tilespmem:$0x1FB80] =	vst v63  }
0x81: {  	_ =	swait.ge [sflag:s7], $0x4000  }
0x82: {  	[sflag:s7] =	ssyncset.done $0x0  }
0x83: {  	[sflag:s7] =	ssyncadd.s32 $0xFFFFC000  }
0x84: {  	[spmem:s1] =	stream.indirect.scatter.add.f32 [tilespmem:s0], [sflag:$0x5], $0x80, s25, s24, $0xb8;
	[tilespmem:$0x1FB80] =	vst v63  }
0x85: {  	_ =	swait.ge [sflag:s7], $0x4000  }
0x86: {  	[sflag:s7] =	ssyncset.done $0x0  }
0x87: {  	s12 =	simm.s32 $0x600;
	[sflag:s7] =	ssyncadd.s32 $0xFFFFC000  }
.LBB2_2:
0x88: {  	[spmem:s1] =	stream.indirect.scatter.add.f32 [tilespmem:s5], [sflag:$0x5], $0x80, s28, s24, $0xb8;
	[tilespmem:$0x1FB80] =	vst v63  }
0x89: {  	s13 =	smov.u32 s12  }
0x8a: {  	p2 =	sne.s32 s12, $0x9000;
	s12 =	sadd.s32 $0x600, s12;
	_ =	swait.ge [sflag:s8], $0x4000  }
0x8b: {  	s14 =	sadd.s32 s13, s21;
	[sflag:s8] =	ssyncset.done $0x0  }
0x8c: {  	s13 =	sadd.s32 s13, s20;
	s15 =	sadd.s32 $0x600, s14;
	[sflag:s8] =	ssyncadd.s32 $0xFFFFC000  }
0x8d: {  	[tilespmem:s2], [sflag:$0x1] =	stream.linear.gather [hbm4b:s15+s2], $0x80, $0x38;
	[tilespmem:$0x1FB80] =	vst v63  }
0x8e: {  	s15 =	sadd.s32 $0x600, s13  }
0x8f: {  	[tilespmem:s23], [sflag:$0x1] =	stream.linear.gather [hbm4b:s15+s2], $0x80, $0x38;
	[tilespmem:$0x1FB80] =	vst v63  }
0x90: {  	_ =	swait.ge [sflag:s8], $0x4000  }
0x91: {  	[sflag:s8] =	ssyncset.done $0x0  }
0x92: {  	s15 =	sadd.s32 $0x800, s14;
	[sflag:s8] =	ssyncadd.s32 $0xFFFFC000  }
0x93: {  	[tilespmem:s24], [sflag:$0x2] =	stream.linear.gather [hbm4b:s15+s2], $0x80, $0x38;
	[tilespmem:$0x1FB80] =	vst v63  }
0x94: {  	s15 =	sadd.s32 $0x800, s13  }
0x95: {  	[tilespmem:s25], [sflag:$0x2] =	stream.linear.gather [hbm4b:s15+s2], $0x80, $0x38;
	[tilespmem:$0x1FB80] =	vst v63  }
0x96: {  	_ =	swait.ge [sflag:s8], $0x4000  }
0x97: {  	[sflag:s8] =	ssyncset.done $0x0  }
0x98: {  	s14 =	sadd.s32 $0xA00, s14;
	[sflag:s8] =	ssyncadd.s32 $0xFFFFC000  }
0x99: {  	[tilespmem:s26], [sflag:$0x3] =	stream.linear.gather [hbm4b:s14+s2], $0x80, $0x38;
	[tilespmem:$0x1FB80] =	vst v63  }
0x9a: {  	s13 =	sadd.s32 $0xA00, s13  }
0x9b: {  	[tilespmem:s28], [sflag:$0x3] =	stream.linear.gather [hbm4b:s13+s2], $0x80, $0x38;
	[tilespmem:$0x1FB80] =	vst v63  }
0x9c: {  	_ =	swait.ge [sflag:s29], $0x80  }
0x9d: {  	[sflag:s29] =	ssyncset.done $0x0  }
0x9e: {  	[sflag:s29] =	ssyncadd.s32 $0xFFFFFF80  }
0x9f: {  	_ =	swait.ge [sflag:s29], $0x80  }
0xa0: {  	[sflag:s29] =	ssyncset.done $0x0  }
0xa1: {  	[sflag:s29] =	ssyncadd.s32 $0xFFFFFF80  }
0xa2: {  	[tilespmem:s30], [sflag:$0x4] =	stream.indirect.gather [hbm4b:s3+s24], $0x80, s2, s24, $0xb8;
	[tilespmem:$0x1FB80] =	vst v63  }
0xa3: {  	_ =	swait.ge [sflag:s31], $0x80  }
0xa4: {  	[sflag:s31] =	ssyncset.done $0x0  }
0xa5: {  	[sflag:s31] =	ssyncadd.s32 $0xFFFFFF80  }
0xa6: {  	_ =	swait.ge [sflag:s31], $0x80  }
0xa7: {  	[sflag:s31] =	ssyncset.done $0x0  }
0xa8: {  	[sflag:s31] =	ssyncadd.s32 $0xFFFFFF80  }
0xa9: {  	[tilespmem:s0], [sflag:$0x4] =	stream.indirect.gather [hbm4b:s3+s24], $0x80, s24, s24, $0xb8;
	[tilespmem:$0x1FB80] =	vst v63  }
0xaa: {  	_ =	swait.ge [sflag:s4], $0x80  }
0xab: {  	[sflag:s4] =	ssyncset.done $0x0  }
0xac: {  	[sflag:s4] =	ssyncadd.s32 $0xFFFFFF80  }
0xad: {  	_ =	swait.ge [sflag:s4], $0x80  }
0xae: {  	[sflag:s4] =	ssyncset.done $0x0  }
0xaf: {  	[sflag:s4] =	ssyncadd.s32 $0xFFFFFF80  }
0xb0: {  	[tilespmem:s5], [sflag:$0x4] =	stream.indirect.gather [hbm4b:s3+s24], $0x80, s26, s24, $0xb8;
	[tilespmem:$0x1FB80] =	vst v63  }
0xb1: {  	_ =	swait.ge [sflag:s7], $0x4000  }
0xb2: {  	[sflag:s7] =	ssyncset.done $0x0  }
0xb3: {  	[sflag:s7] =	ssyncadd.s32 $0xFFFFC000  }
0xb4: {  	[spmem:s1] =	stream.indirect.scatter.add.f32 [tilespmem:s30], [sflag:$0x5], $0x80, s23, s24, $0xb8;
	[tilespmem:$0x1FB80] =	vst v63  }
0xb5: {  	_ =	swait.ge [sflag:s7], $0x4000  }
0xb6: {  	[sflag:s7] =	ssyncset.done $0x0  }
.Ltmp0:
0xb7: {  	[sflag:s7] =	ssyncadd.s32 $0xFFFFC000;
	(pc) =	sbr.rel @p2 .LBB2_2-.Ltmp0, $4  }
0xb8: {  	[spmem:s1] =	stream.indirect.scatter.add.f32 [tilespmem:s0], [sflag:$0x5], $0x80, s25, s24, $0xb8;
	[tilespmem:$0x1FB80] =	vst v63  }
0xb9: {  	_ =	swait.ge [sflag:s7], $0x4000  }
0xba: {  	[sflag:s7] =	ssyncset.done $0x0  }
0xbb: {  	[sflag:s7] =	ssyncadd.s32 $0xFFFFC000  }
0xbc: {  	[spmem:s1] =	stream.indirect.scatter.add.f32 [tilespmem:s5], [sflag:$0x5], $0x80, s28, s24, $0xb8;
	[tilespmem:$0x1FB80] =	vst v63  }
0xbd: {  	_ =	swait.ge [sflag:s8], $0x4000  }
0xbe: {  	[sflag:s8] =	ssyncset.done $0x0  }
0xbf: {  	[sflag:s8] =	ssyncadd.s32 $0xFFFFC000  }
0xc0: {  	_ =	swait.ge [sflag:s8], $0x4000  }
0xc1: {  	[sflag:s8] =	ssyncset.done $0x0  }
0xc2: {  	[sflag:s8] =	ssyncadd.s32 $0xFFFFC000  }
0xc3: {  	_ =	swait.ge [sflag:s8], $0x4000  }
0xc4: {  	[sflag:s8] =	ssyncset.done $0x0  }
0xc5: {  	s12 =	simm.s32 @!p1 $0x0;
	s13 =	rddreg [dreg:$0xd];
	[sflag:s8] =	ssyncadd.s32 $0xFFFFC000  }
0xc6: {  	[tilespmem:s12], [sflag:$0x6] =	stream.linear.gather @!p1 [hbm4b:s13+s12], $0x80, $0x38;
	[tilespmem:$0x1FB80] =	vst v63  }
0xc7: {  	s13 =	simm.s32 @!p1 $0x6  }
0xc8: {  	_ =	swait.ge @!p1 [sflag:s13], $0x80  }
0xc9: {  	[sflag:s13] =	ssyncset.done @!p1 $0x0  }
0xca: {  	s14 =	simm.s32 @!p1 $0x180;
	s15 =	rddreg [dreg:$0xe];
	[sflag:s13] =	ssyncadd.s32 @!p1 $0xFFFFFF80  }
0xcb: {  	[tilespmem:s14], [sflag:$0x6] =	stream.linear.gather @!p1 [hbm4b:s15+s12], $0x80, $0x38;
	[tilespmem:$0x1FB80] =	vst v63  }
0xcc: {  	_ =	swait.ge @!p1 [sflag:s13], $0x80  }
0xcd: {  	[sflag:s13] =	ssyncset.done @!p1 $0x0  }
0xce: {  	s16 =	simm.s32 @!p1 $0x300;
	s15 =	simm.s32 @!p1 $0x80;
	[sflag:s13] =	ssyncadd.s32 @!p1 $0xFFFFFF80  }
0xcf: {  	[tilespmem:s16], [sflag:$0x4] =	stream.indirect.gather @!p1 [hbm4b:s3+s15], $0x80, s12, s15, $0xb8;
	[tilespmem:$0x1FB80] =	vst v63  }
0xd0: {  	s12 =	simm.s32 @!p1 $0x4  }
0xd1: {  	_ =	swait.ge @!p1 [sflag:s12], $0x4000  }
0xd2: {  	[sflag:s12] =	ssyncset.done @!p1 $0x0  }
0xd3: {  	[sflag:s12] =	ssyncadd.s32 @!p1 $0xFFFFC000  }
0xd4: {  	[spmem:s1] =	stream.indirect.scatter.add.f32 @!p1 [tilespmem:s16], [sflag:$0x6], $0x80, s14, s15, $0xb8;
	[tilespmem:$0x1FB80] =	vst v63  }
0xd5: {  	_ =	swait.ge @!p1 [sflag:s13], $0x4000  }
0xd6: {  	[sflag:s13] =	ssyncset.done @!p1 $0x0  }
0xd7: {  	[sflag:s13] =	ssyncadd.s32 @!p1 $0xFFFFC000  }
0xd8: {  	[bflag:$0x0] =	sbarrier.arrive $0xFFFF  }
0xd9: {  	[hbm:s17], [sflag:s6] =	dma.local [spmem:s10], $0x2700  }
0xda: {  	s9 =	sadd.s32 $0x1, s9;
	_ =	swait.ge [sflag:s22], $0x2700  }
0xdb: {  	p2 =	sne.s32 s9, s19;
	[sflag:s22] =	ssyncset.done $0x0  }
.Ltmp1:
0xdc: {  	s10 =	simm.s32 @!p0 $0x6;
	[sflag:s22] =	ssyncadd.s32 $0xFFFFD900;
	(pc) =	sbr.rel @p2 .LBB2_1-.Ltmp1, $4  }
0xdd: {  	[hbm:s18], [sflag:s6] =	dma.local @!p0 [spmem:s11], $0x100  }
0xde: {  	_ =	swait.ge @!p0 [sflag:s10], $0x100  }
0xdf: {  	[sflag:s10] =	ssyncset.done @!p0 $0x0  }
0xe0: {  	[sflag:s10] =	ssyncadd.s32 @!p0 $0xFFFFFF00  }
0xe1: {  	_ =	sfence.sel $0x180000  }
0xe2: {  	[bflag:$0x0] =	sbarrier.arrive $0xFFFF  }
0xe3: {  	_ =	strace $0x9000004A  }
0xe4: {  	[bflag:$0x2] =	sbarrier.arrive $0xFFFF  }
0xe5: {  	s0 =	rddreg [dreg:$0x2]  }
0xe6: {  	s0 =	sadd.s32 @!p0 $0x100000, s0  }
0xe7: {  	[sflag:s0] =	ssyncadd.tile.s32 @!p0 $0x1;
	_ =	shalt  }
.Lfunc_end2:
_tile_overlayer_lowered:
.L_overlay_start_2:
0xe8: {  	(tag) =	ssettag $0x2  }
0xe9: {  	s0 =	rddreg [dreg:$0x0];
	s2 =	stileid.u32  }
0xea: {  	s1 =	rddreg [dreg:$0x1];
	p0 =	sne.s32 s2, $0x0  }
0xeb: {  	s3 =	rddreg [dreg:$0x2];
	[bflag:$0x3] =	sbarrier.arrive $0xFFFF;
	s2 =	simm.s32 @!p0 $0x1C06  }
0xec: {  	[timem:s3], [sflag:s2] =	dma.local @!p0 [hbm:s0], s1  }
0xed: {  	s0 =	simm.s32 @!p0 $0x6  }
0xee: {  	_ =	swait.ge @!p0 [sflag:s0], s1  }
0xef: {  	s1 =	ssub.s32 @!p0 $0x0, s1;
	[sflag:s0] =	ssyncset.done @!p0 $0x0  }
0xf0: {  	[sflag:s0] =	ssyncadd.s32 @!p0 s1  }
0xf1: {  	[bflag:$0x3] =	sbarrier.arrive $0xFFFF  }
0xf2: {  	_ =	shalt  }

// kernel: kernel.14.cloned.1.call-start
scs
__scs_entry_jumppad:
0x0: {  	(pc) =	sbr.rel $0x88, $3  }
0x1: {  	(tag) =	ssettag $0x0;
	lr =	simm.s32 $0x1  }
0x2: {  	[smem:$0x3F85] =	sst lr;
	_ =	strace $0xD0000000  }
0x3: {  	_ = 	snop  }
0x4: {  	_ = 	snop  }
0x5: {  	_ = 	snop  }
0x6: {  	_ = 	snop  }
0x7: {  	_ = 	snop  }
__scs_overlays_trampoline_lowered:
0x8: {  	[smem:$0x3F94] =	sst s0  }
0x9: {  	[smem:$0x3F95] =	sst s1  }
0xa: {  	[smem:$0x3F96] =	sst s2  }
0xb: {  	[smem:$0x3F97] =	sst s3  }
0xc: {  	[smem:$0x3F98] =	sst s4  }
0xd: {  	[smem:$0x3F99] =	sst s5  }
0xe: {  	[smem:$0x3F9A] =	sst s6  }
0xf: {  	[smem:$0x3F9B] =	sst s7  }
0x10: {  	[smem:$0x3F9C] =	sst s8  }
0x11: {  	[smem:$0x3F9D] =	sst s9;
	s0 =	simm.s32 @!p0 $0x0  }
0x12: {  	s1 =	sld [smem:$0x3F83];
	s0 =	simm.s32 @p0 $0x1  }
0x13: {  	[smem:$0x3F9E] =	sst s0;
	s0 =	simm.s32 @!p1 $0x0  }
0x14: {  	s2 =	sld [smem:$0x3F82];
	s0 =	simm.s32 @p1 $0x1  }
0x15: {  	[smem:$0x3F9F] =	sst s0;
	s0 =	simm.s32 @!p2 $0x0  }
0x16: {  	s3 =	sld [smem:$0x3FDB];
	s0 =	simm.s32 @p2 $0x1  }
0x17: {  	s4 =	simm.s32 $0x1BF5;
	[smem:$0x3FA1] =	sst s0  }
0x18: {  	s0 =	sld [smem:$0x3F84];
	_ =	swait.ge [sflag:s4], $0x0  }
0x19: {  	s7 =	sld [smem:$0x3F85]  }
0x1a: {  	s8 =	sadd.s32 $0xFFFFE003, lr  }
0x1b: {  	s9 =	sadd.s32 $0xFFFFFEF7, lr;
	s5 =	simm.s32 $0xFFFFFFFF;
	p2 =	slt.u32 s8, $0xFFFFF086  }
0x1c: {  	p1 =	slt.u32 s9, $0xF7A;
	s5 =	simm.s32 @!p2 $0x0  }
0x1d: {  	s5 =	simm.s32 @p1 $0x1;
	p0 =	seq.s32 s7, s2  }
0x1e: {  	s7 =	smul.u32 @!p0 $0xF7A, s2;
	p2 =	seq.s32 @!p0 s5, $0x0  }
0x1f: {  	s9 =	smul.u32 $0xF7A, s1;
	s8 =	simm.s32 @!p0 $0x1BF5;
	p2 =	por !p2, p0  }
0x20: {  	[sflag:s8] =	ssyncset.s32 @!p0 $0xFFFFF086;
	s6 =	sadd.s32 @!p0 s3, s7;
	s7 =	simm.s32 @!p0 $0x108  }
0x21: {  	s3 =	sadd.s32 s3, s9;
	s6 =	sadd.s32 @!p0 $0x88, s6;
	s7 =	simm.s32 @p2 $0x1082  }
0x22: {  	[simem:s7], [sflag:s8] =	dma.local @!p0 [hbm:s6], $0xF7A  }
0x23: {  	s9 =	sor.u32 $0xD0000000, s2;
	s6 =	simm.s32 $0x108;
	_ =	swait.ge @!p0 [sflag:s8], $0x0  }
0x24: {  	s3 =	sadd.s32 $0x88, s3;
	s6 =	simm.s32 @!p1 $0x1082;
	[sflag:s4] =	ssyncset.s32 $0xFFFFF086  }
0x25: {  	[simem:s6], [sflag:s4] =	dma.local [hbm:s3], $0xF7A  }
0x26: {  	[smem:$0x3F85] =	sst s1;
	(tag) =	ssettag s2;
	_ =	strace s9  }
0x27: {  	s1 =	sld [smem:$0x3F95]  }
0x28: {  	s2 =	sld [smem:$0x3F96]  }
0x29: {  	s4 =	sld [smem:$0x3F98]  }
0x2a: {  	p0 =	seq.s32 s5, $0x0;
	s5 =	sld [smem:$0x3F99]  }
0x2b: {  	s6 =	sld [smem:$0x3F9A]  }
0x2c: {  	s7 =	sld [smem:$0x3F9B]  }
0x2d: {  	s3 =	simm.s32 $0x108;
	s8 =	sld [smem:$0x3F9C]  }
0x2e: {  	s3 =	simm.s32 @!p0 $0x1082;
	s9 =	sld [smem:$0x3F9D]  }
0x2f: {  	lr =	sadd.s32 s0, s3;
	s0 =	sld [smem:$0x3F94]  }
0x30: {  	s3 =	sld [smem:$0x3F97]  }
0x31: {  	[smem:$0x3FA0] =	sst s10  }
0x32: {  	s10 =	sld [smem:$0x3F9E];
	_ =	sdelay $0x3  }
0x33: {  	p0 =	seq.s32 s10, $0x1;
	s10 =	sld [smem:$0x3FA0];
	_ =	sdelay $0x3  }
0x34: {  	[smem:$0x3FA0] =	sst s10  }
0x35: {  	s10 =	sld [smem:$0x3F9F];
	_ =	sdelay $0x3  }
0x36: {  	p1 =	seq.s32 s10, $0x1;
	s10 =	sld [smem:$0x3FA0];
	_ =	sdelay $0x3  }
0x37: {  	[smem:$0x3FA0] =	sst s10  }
0x38: {  	s10 =	sld [smem:$0x3FA1]  }
0x39: {  	_ = 	snop;
	(pc) =	sbr.ind lr, $3  }
0x3a: {  	_ = 	snop  }
0x3b: {  	_ = 	snop  }
0x3c: {  	p2 =	seq.s32 s10, $0x1;
	s10 =	sld [smem:$0x3FA0]  }
0x3d: {  	_ =	shalt  }
0x3e: {  	_ =	shalt  }
0x3f: {  	_ =	shalt  }
0x40: {  	_ =	shalt  }
0x41: {  	_ =	shalt  }
0x42: {  	_ =	shalt  }
0x43: {  	_ =	shalt  }
0x44: {  	_ =	shalt  }
0x45: {  	_ =	shalt  }
0x46: {  	_ =	shalt  }
0x47: {  	_ =	shalt  }
0x48: {  	_ =	shalt  }
0x49: {  	_ =	shalt  }
0x4a: {  	_ =	shalt  }
0x4b: {  	_ =	shalt  }
0x4c: {  	_ =	shalt  }
0x4d: {  	_ =	shalt  }
0x4e: {  	_ =	shalt  }
0x4f: {  	_ =	shalt  }
0x50: {  	_ =	shalt  }
0x51: {  	_ =	shalt  }
0x52: {  	_ =	shalt  }
0x53: {  	_ =	shalt  }
0x54: {  	_ =	shalt  }
0x55: {  	_ =	shalt  }
0x56: {  	_ =	shalt  }
0x57: {  	_ =	shalt  }
0x58: {  	_ =	shalt  }
0x59: {  	_ =	shalt  }
0x5a: {  	_ =	shalt  }
0x5b: {  	_ =	shalt  }
0x5c: {  	_ =	shalt  }
0x5d: {  	_ =	shalt  }
0x5e: {  	_ =	shalt  }
0x5f: {  	_ =	shalt  }
0x60: {  	_ =	shalt  }
0x61: {  	_ =	shalt  }
0x62: {  	_ =	shalt  }
0x63: {  	_ =	shalt  }
0x64: {  	_ =	shalt  }
0x65: {  	_ =	shalt  }
0x66: {  	_ =	shalt  }
0x67: {  	_ =	shalt  }
0x68: {  	_ =	shalt  }
0x69: {  	_ =	shalt  }
0x6a: {  	_ =	shalt  }
0x6b: {  	_ =	shalt  }
0x6c: {  	_ =	shalt  }
0x6d: {  	_ =	shalt  }
0x6e: {  	_ =	shalt  }
0x6f: {  	_ =	shalt  }
0x70: {  	_ =	shalt  }
0x71: {  	_ =	shalt  }
0x72: {  	_ =	shalt  }
0x73: {  	_ =	shalt  }
0x74: {  	_ =	shalt  }
0x75: {  	_ =	shalt  }
0x76: {  	_ =	shalt  }
0x77: {  	_ =	shalt  }
0x78: {  	_ =	shalt  }
0x79: {  	_ =	shalt  }
0x7a: {  	_ =	shalt  }
0x7b: {  	_ =	shalt  }
0x7c: {  	_ =	shalt  }
0x7d: {  	_ =	shalt  }
0x7e: {  	_ =	shalt  }
0x7f: {  	_ =	shalt  }
0x80: {  	_ =	shalt  }
0x81: {  	_ =	shalt  }
0x82: {  	_ =	shalt  }
0x83: {  	_ =	shalt  }
0x84: {  	_ =	shalt  }
0x85: {  	_ =	shalt  }
0x86: {  	_ =	shalt  }
0x87: {  	_ =	shalt  }
.Lfunc_end0:
.L_simem_size_0:
called_computation.2_lowered:
.L_overlay_start_0:
0x88: {  	s2 =	sld [smem:$0x3FD9]  }
0x89: {  	s3 =	sld [smem:$0x3FFE];
	_ =	sdelay $0x1  }
0x8a: {  	s1 =	srdreg.scid  }
0x8b: {  	s0 =	sand.u32 $0x1, s1  }
0x8c: {  	s16 =	sshll.u32 s0, $0xA;
	s2 =	sadd.s32 s3, s2  }
0x8d: {  	s2 =	sadd.s32 s2, s16  }
0x8e: {  	[smem:$0x3FAC] =	sst s2  }
0x8f: {  	_ = 	snop  }
0x90: {  	(tm) =	ssettm $0x1  }
0x91: {  	s17 =	sld [smem:$0x3FFB];
	_ =	sdelay $0x3  }
0x92: {  	_ =	strace s17  }
0x93: {  	s2 =	sld [smem:$0x3FFC];
	_ =	sdelay $0x3  }
0x94: {  	_ =	strace s2  }
0x95: {  	s2 =	sld [smem:$0x3FFD];
	_ =	sdelay $0x3  }
0x96: {  	_ =	strace s2  }
0x97: {  	_ =	strace $0x8FFFFFFF  }
0x98: {  	s18 =	sld [smem:$0x3FDB];
	_ =	sdelay $0x1  }
0x99: {  	s19 =	simm.s32 $_scs_section_size  }
0x9a: {  	s4 =	simm.s32 $_size__tile_overlayer_lowered;
	s5 =	simm.s32 $_tile_overlayer_lowered  }
0x9b: {  	s22 =	simm.s32 $0x1BFF;
	s21 =	sshll.u32 s5, $0x1;
	s2 =	sadd.s32 s19, s18  }
0x9c: {  	s6 =	simm.s32 $0x0;
	s20 =	sshll.u32 s4, $0x1;
	s4 =	sadd.s32 s21, s2  }
0x9d: {  	[timem:s6], [sflag:s22] =	dma.local [hbm:s4], s20  }
0x9e: {  	_ =	swait.ge [sflag:s22], s20  }
0x9f: {  	s3 =	ssub.s32 $0x0, s20;
	[sflag:s22] =	ssyncset.done $0x0  }
0xa0: {  	[sflag:s22] =	ssyncadd.s32 s3;
	_ =	sdelay $0x1  }
0xa1: {  	s23 =	simm.s32 $0x1B8B  }
0xa2: {  	_ =	swait.ge [sflag:s23], $0x1  }
0xa3: {  	[sflag:s23] =	ssyncset.done $0x0  }
0xa4: {  	s25 =	simm.s32 $0x1B8E;
	s24 =	sld [smem:$0x3FFE];
	[sflag:s23] =	ssyncadd.s32 $0xFFFFFFFF  }
0xa5: {  	s26 =	simm.s32 $execute0_lowered;
	[smem:$0x3FD2] =	sst s25  }
0xa6: {  	s4 =	sshll.u32 s26, $0x1;
	_ =	strace $0x8000004C;
	[dreg:$0x1] =	wrdreg $0xFFFFFFFF  }
0xa7: {  	s28 =	simm.s32 $_size_execute0_lowered;
	s2 =	sadd.s32 s2, s4;
	[dreg:$0x0] =	wrdreg $0x0  }
0xa8: {  	s4 =	sshll.u32 s28, $0x1;
	[dreg:$0x2] =	wrdreg s2  }
0xa9: {  	[dreg:$0x3] =	wrdreg s4  }
0xaa: {  	[dreg:$0x4] =	wrdreg $0xC0  }
0xab: {  	_ =	task [dreg:s6], $0x5FFFF  }
0xac: {  	[dreg:$0x1] =	wrdreg $0xFFFFFFFF  }
0xad: {  	[dreg:$0x0] =	wrdreg $0x60  }
0xae: {  	[dreg:$0x2] =	wrdreg s24  }
0xaf: {  	[dreg:$0x3] =	wrdreg $0xC3000  }
0xb0: {  	[dreg:$0x4] =	wrdreg $0x9  }
0xb1: {  	_ =	task.clear_ibuf [dreg:s6], $0x5FFFF;
	_ =	strace $0x9000004C  }
0xb2: {  	s29 =	simm.s32 $0x9;
	_ =	strace $0x8000004E  }
0xb3: {  	_ =	swait.ge [sflag:s29], $0x1  }
0xb4: {  	[sflag:s29] =	ssyncadd.s32 $0xFFFFFFFF  }
0xb5: {  	_ =	strace $0x9000004E  }
0xb6: {  	_ =	sfence  }
0xb7: {  	s30 =	sld [smem:$0x0];
	_ =	sdelay $0x2  }
0xb8: {  	s31 =	sshll.u32 s1, $0xD;
	s1 =	sshrl.u32 s1, $0x2  }
0xb9: {  	s3 =	sand.u32 $0x4000, s31;
	s1 =	sadd.s32 s1, s30  }
0xba: {  	s0 =	sor.u32 s3, s0;
	s1 =	sshll.u32 s1, $0x11  }
0xbb: {  	s0 =	sor.u32 s1, s0  }
0xbc: {  	s0 =	sadd.s32 $0x8F2B, s0  }
0xbd: {  	[sflag:s0] =	ssyncadd.remote.s32 $0x1  }
0xbe: {  	_ =	sfence.sel $0xFFFF  }
0xbf: {  	[dreg:$0x0] =	wrdreg $0xFFFFFFFF;
	(pc) =	sbr.abs _section_cstart, $3  }
0xc0: {  	[dreg:$0x1] =	wrdreg $0xFFFFFFFF  }
0xc1: {  	_ =	task.clear_ibuf [dreg:s6], $0x2FFFF;
	_ =	strace $0x9FFFFFFF  }
0xc2: {  	(tm) =	ssettm $0x7FFFFFFF  }
0xc3: {  	_ =	shalt  }
tec
execute0_lowered:
.L_overlay_start_1:
0x0: {  	(tag) =	ssettag $0x1  }
0x1: {  	s0 =	rddreg [dreg:$0x0]  }
0x2: {  	s1 =	rddreg [dreg:$0x1];
	s2 =	simm.s32 $0x0  }
0x3: {  	s4 =	stileid.u32;
	s6 =	srdreg.scid;
	s28 =	simm.s32 $0x280  }
0x4: {  	s29 =	simm.s32 $0x1;
	s30 =	simm.s32 $0x300;
	s31 =	simm.s32 $0x2  }
0x5: {  	[smem:$0x7FF] =	sst s2;
	s3 =	sadd.s32 $0x3F600, s0;
	s5 =	smul.u32 $0x13800, s4  }
0x6: {  	s7 =	sadd.s32 $0xE600, s0;
	s8 =	sand.u32 $0x1, s6;
	s24 =	smul.u32 $0x4E000, s4  }
0x7: {  	s9 =	sadd.s32 $0x4800, s0;
	s17 =	sadd.s32 $0x66800, s0;
	s25 =	sshll.u32 s4, $0x6  }
0x8: {  	s13 =	sadd.s32 $0x138000, s1;
	p0 =	sne.s32 s4, $0x0;
	p1 =	sgt.u32 s4, $0x1  }
0x9: {  	_ =	strace $0x8000004D;
	s11 =	ssub.s32 $0x2, s8;
	s21 =	sshll.u32 s8, $0x4  }
0xa: {  	[dreg:$0x5] =	wrdreg s13;
	s8 =	smul.u32 $0x138800, s8;
	s10 =	sshrl.u32 s5, $0x3  }
0xb: {  	s12 =	sshrl.u32 s11, $0x1;
	s6 =	sshrl.u32 s24, $0x2;
	s10 =	sadd.s32 s10, s0  }
0xc: {  	s11 =	ssub.s32 s11, s12;
	s6 =	sadd.s32 s6, s1;
	s12 =	sshll.u32 s4, $0x5  }
0xd: {  	s0 =	sadd.s32 $0x3F400, s0;
	s5 =	sadd.s32 s5, s8;
	s8 =	sshrl.u32 s8, $0x3  }
0xe: {  	s4 =	simm.s32 $0x3;
	[dreg:$0x3] =	wrdreg s6;
	s10 =	sadd.s32 $0x18400, s10  }
0xf: {  	s6 =	sor.u32 $0x1C06, s25;
	s26 =	sor.u32 s21, s12;
	[dreg:$0x6] =	wrdreg s0  }
0x10: {  	s23 =	sshrl.u32 s5, $0x3;
	s24 =	sadd.s32 s17, s8;
	s25 =	sadd.s32 s12, s9  }
0x11: {  	s5 =	simm.s32 $0x8300;
	s8 =	simm.s32 $0x5;
	[dreg:$0x4] =	wrdreg s10  }
0x12: {  	s14 =	sor.u32 $0x200, s26;
	s15 =	sadd.s32 s7, s26;
	s16 =	sadd.s32 s9, s26  }
0x13: {  	s19 =	sor.u32 $0x400, s26;
	s22 =	sor.u32 $0x9C00, s26;
	[dreg:$0x7] =	wrdreg s15  }
0x14: {  	s17 =	sadd.s32 s17, s23;
	[dreg:$0x8] =	wrdreg s16;
	s18 =	sadd.s32 s7, s14  }
0x15: {  	s26 =	sadd.s32 s12, s7;
	s0 =	sadd.s32 s9, s14;
	[dreg:$0x9] =	wrdreg s18  }
0x16: {  	s23 =	simm.s32 $0x180;
	s20 =	sadd.s32 s7, s19;
	[dreg:$0xa] =	wrdreg s0  }
0x17: {  	s10 =	sadd.s32 s7, s22;
	s7 =	simm.s32 $0x4;
	[dreg:$0xb] =	wrdreg s20  }
0x18: {  	s0 =	sadd.s32 s9, s19;
	[dreg:$0xd] =	wrdreg s10;
	s18 =	sadd.s32 $0x27000, s24  }
0x19: {  	s19 =	smax.u32 s11, $0x1;
	s20 =	sadd.s32 s21, s25;
	s21 =	sadd.s32 s21, s26  }
0x1a: {  	s24 =	simm.s32 $0x80;
	s25 =	simm.s32 $0x200;
	s26 =	simm.s32 $0x100  }
0x1b: {  	[dreg:$0xc] =	wrdreg s0;
	s0 =	sadd.s32 s9, s22;
	s22 =	simm.s32 $0x6  }
0x1c: {  	s9 =	simm.s32 $0x0;
	[dreg:$0xe] =	wrdreg s0;
	s0 =	simm.s32 $0x4300  }
.LBB2_1:
0x1d: {  	s10 =	rddreg [dreg:$0x3]  }
0x1e: {  	s11 =	rddreg [dreg:$0x4];
	s10 =	sshrl.u32 s10, $0x3  }
0x1f: {  	[spmem:s10], [sflag:s6] =	dma.local [hbm:s11], $0x2700  }
0x20: {  	_ =	swait.ge [sflag:s22], $0x2700  }
0x21: {  	[sflag:s22] =	ssyncset.done $0x0;
	s11 =	rddreg [dreg:$0x5]  }
0x22: {  	s12 =	rddreg [dreg:$0x6];
	[sflag:s22] =	ssyncadd.s32 $0xFFFFD900;
	s11 =	sshrl.u32 @!p0 s11, $0x3  }
0x23: {  	[spmem:s11], [sflag:s6] =	dma.local @!p0 [hbm:s12], $0x100  }
0x24: {  	s12 =	simm.s32 @!p0 $0x6  }
0x25: {  	_ =	swait.ge @!p0 [sflag:s12], $0x100  }
0x26: {  	[sflag:s12] =	ssyncset.done @!p0 $0x0  }
0x27: {  	[sflag:s12] =	ssyncadd.s32 @!p0 $0xFFFFFF00  }
0x28: {  	[bflag:$0x0] =	sbarrier.arrive $0xFFFF  }
0x29: {  	s13 =	rddreg [dreg:$0x7]  }
0x2a: {  	[tilespmem:s2], [sflag:$0x1] =	stream.linear.gather [hbm4b:s13+s2], $0x80, $0x38;
	[tilespmem:$0x1FB80] =	vst v63  }
0x2b: {  	s14 =	rddreg [dreg:$0x8]  }
0x2c: {  	[tilespmem:s23], [sflag:$0x1] =	stream.linear.gather [hbm4b:s14+s2], $0x80, $0x38;
	[tilespmem:$0x1FB80] =	vst v63  }
0x2d: {  	s15 =	rddreg [dreg:$0x9]  }
0x2e: {  	[tilespmem:s24], [sflag:$0x2] =	stream.linear.gather [hbm4b:s15+s2], $0x80, $0x38;
	[tilespmem:$0x1FB80] =	vst v63  }
0x2f: {  	s16 =	rddreg [dreg:$0xa]  }
0x30: {  	[tilespmem:s25], [sflag:$0x2] =	stream.linear.gather [hbm4b:s16+s2], $0x80, $0x38;
	[tilespmem:$0x1FB80] =	vst v63  }
0x31: {  	s13 =	rddreg [dreg:$0xb]  }
0x32: {  	[tilespmem:s26], [sflag:$0x3] =	stream.linear.gather [hbm4b:s13+s2], $0x80, $0x38;
	[tilespmem:$0x1FB80] =	vst v63  }
0x33: {  	s14 =	rddreg [dreg:$0xc]  }
0x34: {  	[tilespmem:s28], [sflag:$0x3] =	stream.linear.gather [hbm4b:s14+s2], $0x80, $0x38;
	[tilespmem:$0x1FB80] =	vst v63  }
0x35: {  	_ =	swait.ge [sflag:s29], $0x80  }
0x36: {  	[sflag:s29] =	ssyncset.done $0x0  }
0x37: {  	[sflag:s29] =	ssyncadd.s32 $0xFFFFFF80  }
0x38: {  	_ =	swait.ge [sflag:s29], $0x80  }
0x39: {  	[sflag:s29] =	ssyncset.done $0x0  }
0x3a: {  	[sflag:s29] =	ssyncadd.s32 $0xFFFFFF80  }
0x3b: {  	[tilespmem:s30], [sflag:$0x4] =	stream.indirect.gather [hbm4b:s3+s24], $0x80, s2, s24, $0xb8;
	[tilespmem:$0x1FB80] =	vst v63  }
0x3c: {  	_ =	swait.ge [sflag:s31], $0x80  }
0x3d: {  	[sflag:s31] =	ssyncset.done $0x0  }
0x3e: {  	[sflag:s31] =	ssyncadd.s32 $0xFFFFFF80  }
0x3f: {  	_ =	swait.ge [sflag:s31], $0x80  }
0x40: {  	[sflag:s31] =	ssyncset.done $0x0  }
0x41: {  	[sflag:s31] =	ssyncadd.s32 $0xFFFFFF80  }
0x42: {  	[tilespmem:s0], [sflag:$0x4] =	stream.indirect.gather [hbm4b:s3+s24], $0x80, s24, s24, $0xb8;
	[tilespmem:$0x1FB80] =	vst v63  }
0x43: {  	_ =	swait.ge [sflag:s4], $0x80  }
0x44: {  	[sflag:s4] =	ssyncset.done $0x0  }
0x45: {  	[sflag:s4] =	ssyncadd.s32 $0xFFFFFF80  }
0x46: {  	_ =	swait.ge [sflag:s4], $0x80  }
0x47: {  	[sflag:s4] =	ssyncset.done $0x0  }
0x48: {  	[sflag:s4] =	ssyncadd.s32 $0xFFFFFF80  }
0x49: {  	[tilespmem:s5], [sflag:$0x4] =	stream.indirect.gather [hbm4b:s3+s24], $0x80, s26, s24, $0xb8;
	[tilespmem:$0x1FB80] =	vst v63  }
0x4a: {  	_ =	swait.ge [sflag:s7], $0x4000  }
0x4b: {  	[sflag:s7] =	ssyncset.done $0x0  }
0x4c: {  	[sflag:s7] =	ssyncadd.s32 $0xFFFFC000  }
0x4d: {  	[spmem:s1] =	stream.indirect.scatter.add.f32 [tilespmem:s30], [sflag:$0x5], $0x80, s23, s24, $0xb8;
	[tilespmem:$0x1FB80] =	vst v63  }
0x4e: {  	_ =	swait.ge [sflag:s7], $0x4000  }
0x4f: {  	[sflag:s7] =	ssyncset.done $0x0  }
0x50: {  	[sflag:s7] =	ssyncadd.s32 $0xFFFFC000  }
0x51: {  	[spmem:s1] =	stream.indirect.scatter.add.f32 [tilespmem:s0], [sflag:$0x5], $0x80, s25, s24, $0xb8;
	[tilespmem:$0x1FB80] =	vst v63  }
0x52: {  	_ =	swait.ge [sflag:s7], $0x4000  }
0x53: {  	[sflag:s7] =	ssyncset.done $0x0  }
0x54: {  	[sflag:s7] =	ssyncadd.s32 $0xFFFFC000  }
0x55: {  	[spmem:s1] =	stream.indirect.scatter.add.f32 [tilespmem:s5], [sflag:$0x5], $0x80, s28, s24, $0xb8;
	[tilespmem:$0x1FB80] =	vst v63  }
0x56: {  	_ =	swait.ge [sflag:s8], $0x4000  }
0x57: {  	s12 =	sadd.s32 $0x0, s21;
	[sflag:s8] =	ssyncset.done $0x0  }
0x58: {  	s13 =	sadd.s32 $0x600, s12;
	s14 =	sadd.s32 $0x0, s20;
	[sflag:s8] =	ssyncadd.s32 $0xFFFFC000  }
0x59: {  	[tilespmem:s2], [sflag:$0x1] =	stream.linear.gather [hbm4b:s13+s2], $0x80, $0x38;
	[tilespmem:$0x1FB80] =	vst v63  }
0x5a: {  	s15 =	sadd.s32 $0x600, s14  }
0x5b: {  	[tilespmem:s23], [sflag:$0x1] =	stream.linear.gather [hbm4b:s15+s2], $0x80, $0x38;
	[tilespmem:$0x1FB80] =	vst v63  }
0x5c: {  	_ =	swait.ge [sflag:s8], $0x4000  }
0x5d: {  	[sflag:s8] =	ssyncset.done $0x0  }
0x5e: {  	s16 =	sadd.s32 $0x800, s12;
	[sflag:s8] =	ssyncadd.s32 $0xFFFFC000  }
0x5f: {  	[tilespmem:s24], [sflag:$0x2] =	stream.linear.gather [hbm4b:s16+s2], $0x80, $0x38;
	[tilespmem:$0x1FB80] =	vst v63  }
0x60: {  	s15 =	sadd.s32 $0x800, s14  }
0x61: {  	[tilespmem:s25], [sflag:$0x2] =	stream.linear.gather [hbm4b:s15+s2], $0x80, $0x38;
	[tilespmem:$0x1FB80] =	vst v63  }
0x62: {  	_ =	swait.ge [sflag:s8], $0x4000  }
0x63: {  	[sflag:s8] =	ssyncset.done $0x0  }
0x64: {  	s12 =	sadd.s32 $0xA00, s12;
	[sflag:s8] =	ssyncadd.s32 $0xFFFFC000  }
0x65: {  	[tilespmem:s26], [sflag:$0x3] =	stream.linear.gather [hbm4b:s12+s2], $0x80, $0x38;
	[tilespmem:$0x1FB80] =	vst v63  }
0x66: {  	s16 =	sadd.s32 $0xA00, s14  }
0x67: {  	[tilespmem:s28], [sflag:$0x3] =	stream.linear.gather [hbm4b:s16+s2], $0x80, $0x38;
	[tilespmem:$0x1FB80] =	vst v63  }
0x68: {  	_ =	swait.ge [sflag:s29], $0x80  }
0x69: {  	[sflag:s29] =	ssyncset.done $0x0  }
0x6a: {  	[sflag:s29] =	ssyncadd.s32 $0xFFFFFF80  }
0x6b: {  	_ =	swait.ge [sflag:s29], $0x80  }
0x6c: {  	[sflag:s29] =	ssyncset.done $0x0  }
0x6d: {  	[sflag:s29] =	ssyncadd.s32 $0xFFFFFF80  }
0x6e: {  	[tilespmem:s30], [sflag:$0x4] =	stream.indirect.gather [hbm4b:s3+s24], $0x80, s2, s24, $0xb8;
	[tilespmem:$0x1FB80] =	vst v63  }
0x6f: {  	_ =	swait.ge [sflag:s31], $0x80  }
0x70: {  	[sflag:s31] =	ssyncset.done $0x0  }
0x71: {  	[sflag:s31] =	ssyncadd.s32 $0xFFFFFF80  }
0x72: {  	_ =	swait.ge [sflag:s31], $0x80  }
0x73: {  	[sflag:s31] =	ssyncset.done $0x0  }
0x74: {  	[sflag:s31] =	ssyncadd.s32 $0xFFFFFF80  }
0x75: {  	[tilespmem:s0], [sflag:$0x4] =	stream.indirect.gather [hbm4b:s3+s24], $0x80, s24, s24, $0xb8;
	[tilespmem:$0x1FB80] =	vst v63  }
0x76: {  	_ =	swait.ge [sflag:s4], $0x80  }
0x77: {  	[sflag:s4] =	ssyncset.done $0x0  }
0x78: {  	[sflag:s4] =	ssyncadd.s32 $0xFFFFFF80  }
0x79: {  	_ =	swait.ge [sflag:s4], $0x80  }
0x7a: {  	[sflag:s4] =	ssyncset.done $0x0  }
0x7b: {  	[sflag:s4] =	ssyncadd.s32 $0xFFFFFF80  }
0x7c: {  	[tilespmem:s5], [sflag:$0x4] =	stream.indirect.gather [hbm4b:s3+s24], $0x80, s26, s24, $0xb8;
	[tilespmem:$0x1FB80] =	vst v63  }
0x7d: {  	_ =	swait.ge [sflag:s7], $0x4000  }
0x7e: {  	[sflag:s7] =	ssyncset.done $0x0  }
0x7f: {  	[sflag:s7] =	ssyncadd.s32 $0xFFFFC000  }
0x80: {  	[spmem:s1] =	stream.indirect.scatter.add.f32 [tilespmem:s30], [sflag:$0x5], $0x80, s23, s24, $0xb8;
	[tilespmem:$0x1FB80] =	vst v63  }
0x81: {  	_ =	swait.ge [sflag:s7], $0x4000  }
0x82: {  	[sflag:s7] =	ssyncset.done $0x0  }
0x83: {  	[sflag:s7] =	ssyncadd.s32 $0xFFFFC000  }
0x84: {  	[spmem:s1] =	stream.indirect.scatter.add.f32 [tilespmem:s0], [sflag:$0x5], $0x80, s25, s24, $0xb8;
	[tilespmem:$0x1FB80] =	vst v63  }
0x85: {  	_ =	swait.ge [sflag:s7], $0x4000  }
0x86: {  	[sflag:s7] =	ssyncset.done $0x0  }
0x87: {  	s12 =	simm.s32 $0x600;
	[sflag:s7] =	ssyncadd.s32 $0xFFFFC000  }
.LBB2_2:
0x88: {  	[spmem:s1] =	stream.indirect.scatter.add.f32 [tilespmem:s5], [sflag:$0x5], $0x80, s28, s24, $0xb8;
	[tilespmem:$0x1FB80] =	vst v63  }
0x89: {  	s13 =	smov.u32 s12  }
0x8a: {  	p2 =	sne.s32 s12, $0x9000;
	s12 =	sadd.s32 $0x600, s12;
	_ =	swait.ge [sflag:s8], $0x4000  }
0x8b: {  	s14 =	sadd.s32 s13, s21;
	[sflag:s8] =	ssyncset.done $0x0  }
0x8c: {  	s13 =	sadd.s32 s13, s20;
	s15 =	sadd.s32 $0x600, s14;
	[sflag:s8] =	ssyncadd.s32 $0xFFFFC000  }
0x8d: {  	[tilespmem:s2], [sflag:$0x1] =	stream.linear.gather [hbm4b:s15+s2], $0x80, $0x38;
	[tilespmem:$0x1FB80] =	vst v63  }
0x8e: {  	s15 =	sadd.s32 $0x600, s13  }
0x8f: {  	[tilespmem:s23], [sflag:$0x1] =	stream.linear.gather [hbm4b:s15+s2], $0x80, $0x38;
	[tilespmem:$0x1FB80] =	vst v63  }
0x90: {  	_ =	swait.ge [sflag:s8], $0x4000  }
0x91: {  	[sflag:s8] =	ssyncset.done $0x0  }
0x92: {  	s15 =	sadd.s32 $0x800, s14;
	[sflag:s8] =	ssyncadd.s32 $0xFFFFC000  }
0x93: {  	[tilespmem:s24], [sflag:$0x2] =	stream.linear.gather [hbm4b:s15+s2], $0x80, $0x38;
	[tilespmem:$0x1FB80] =	vst v63  }
0x94: {  	s15 =	sadd.s32 $0x800, s13  }
0x95: {  	[tilespmem:s25], [sflag:$0x2] =	stream.linear.gather [hbm4b:s15+s2], $0x80, $0x38;
	[tilespmem:$0x1FB80] =	vst v63  }
0x96: {  	_ =	swait.ge [sflag:s8], $0x4000  }
0x97: {  	[sflag:s8] =	ssyncset.done $0x0  }
0x98: {  	s14 =	sadd.s32 $0xA00, s14;
	[sflag:s8] =	ssyncadd.s32 $0xFFFFC000  }
0x99: {  	[tilespmem:s26], [sflag:$0x3] =	stream.linear.gather [hbm4b:s14+s2], $0x80, $0x38;
	[tilespmem:$0x1FB80] =	vst v63  }
0x9a: {  	s13 =	sadd.s32 $0xA00, s13  }
0x9b: {  	[tilespmem:s28], [sflag:$0x3] =	stream.linear.gather [hbm4b:s13+s2], $0x80, $0x38;
	[tilespmem:$0x1FB80] =	vst v63  }
0x9c: {  	_ =	swait.ge [sflag:s29], $0x80  }
0x9d: {  	[sflag:s29] =	ssyncset.done $0x0  }
0x9e: {  	[sflag:s29] =	ssyncadd.s32 $0xFFFFFF80  }
0x9f: {  	_ =	swait.ge [sflag:s29], $0x80  }
0xa0: {  	[sflag:s29] =	ssyncset.done $0x0  }
0xa1: {  	[sflag:s29] =	ssyncadd.s32 $0xFFFFFF80  }
0xa2: {  	[tilespmem:s30], [sflag:$0x4] =	stream.indirect.gather [hbm4b:s3+s24], $0x80, s2, s24, $0xb8;
	[tilespmem:$0x1FB80] =	vst v63  }
0xa3: {  	_ =	swait.ge [sflag:s31], $0x80  }
0xa4: {  	[sflag:s31] =	ssyncset.done $0x0  }
0xa5: {  	[sflag:s31] =	ssyncadd.s32 $0xFFFFFF80  }
0xa6: {  	_ =	swait.ge [sflag:s31], $0x80  }
0xa7: {  	[sflag:s31] =	ssyncset.done $0x0  }
0xa8: {  	[sflag:s31] =	ssyncadd.s32 $0xFFFFFF80  }
0xa9: {  	[tilespmem:s0], [sflag:$0x4] =	stream.indirect.gather [hbm4b:s3+s24], $0x80, s24, s24, $0xb8;
	[tilespmem:$0x1FB80] =	vst v63  }
0xaa: {  	_ =	swait.ge [sflag:s4], $0x80  }
0xab: {  	[sflag:s4] =	ssyncset.done $0x0  }
0xac: {  	[sflag:s4] =	ssyncadd.s32 $0xFFFFFF80  }
0xad: {  	_ =	swait.ge [sflag:s4], $0x80  }
0xae: {  	[sflag:s4] =	ssyncset.done $0x0  }
0xaf: {  	[sflag:s4] =	ssyncadd.s32 $0xFFFFFF80  }
0xb0: {  	[tilespmem:s5], [sflag:$0x4] =	stream.indirect.gather [hbm4b:s3+s24], $0x80, s26, s24, $0xb8;
	[tilespmem:$0x1FB80] =	vst v63  }
0xb1: {  	_ =	swait.ge [sflag:s7], $0x4000  }
0xb2: {  	[sflag:s7] =	ssyncset.done $0x0  }
0xb3: {  	[sflag:s7] =	ssyncadd.s32 $0xFFFFC000  }
0xb4: {  	[spmem:s1] =	stream.indirect.scatter.add.f32 [tilespmem:s30], [sflag:$0x5], $0x80, s23, s24, $0xb8;
	[tilespmem:$0x1FB80] =	vst v63  }
0xb5: {  	_ =	swait.ge [sflag:s7], $0x4000  }
0xb6: {  	[sflag:s7] =	ssyncset.done $0x0  }
.Ltmp0:
0xb7: {  	[sflag:s7] =	ssyncadd.s32 $0xFFFFC000;
	(pc) =	sbr.rel @p2 .LBB2_2-.Ltmp0, $4  }
0xb8: {  	[spmem:s1] =	stream.indirect.scatter.add.f32 [tilespmem:s0], [sflag:$0x5], $0x80, s25, s24, $0xb8;
	[tilespmem:$0x1FB80] =	vst v63  }
0xb9: {  	_ =	swait.ge [sflag:s7], $0x4000  }
0xba: {  	[sflag:s7] =	ssyncset.done $0x0  }
0xbb: {  	[sflag:s7] =	ssyncadd.s32 $0xFFFFC000  }
0xbc: {  	[spmem:s1] =	stream.indirect.scatter.add.f32 [tilespmem:s5], [sflag:$0x5], $0x80, s28, s24, $0xb8;
	[tilespmem:$0x1FB80] =	vst v63  }
0xbd: {  	_ =	swait.ge [sflag:s8], $0x4000  }
0xbe: {  	[sflag:s8] =	ssyncset.done $0x0  }
0xbf: {  	[sflag:s8] =	ssyncadd.s32 $0xFFFFC000  }
0xc0: {  	_ =	swait.ge [sflag:s8], $0x4000  }
0xc1: {  	[sflag:s8] =	ssyncset.done $0x0  }
0xc2: {  	[sflag:s8] =	ssyncadd.s32 $0xFFFFC000  }
0xc3: {  	_ =	swait.ge [sflag:s8], $0x4000  }
0xc4: {  	[sflag:s8] =	ssyncset.done $0x0  }
0xc5: {  	s12 =	simm.s32 @!p1 $0x0;
	s13 =	rddreg [dreg:$0xd];
	[sflag:s8] =	ssyncadd.s32 $0xFFFFC000  }
0xc6: {  	[tilespmem:s12], [sflag:$0x6] =	stream.linear.gather @!p1 [hbm4b:s13+s12], $0x80, $0x38;
	[tilespmem:$0x1FB80] =	vst v63  }
0xc7: {  	s13 =	simm.s32 @!p1 $0x6  }
0xc8: {  	_ =	swait.ge @!p1 [sflag:s13], $0x80  }
0xc9: {  	[sflag:s13] =	ssyncset.done @!p1 $0x0  }
0xca: {  	s14 =	simm.s32 @!p1 $0x180;
	s15 =	rddreg [dreg:$0xe];
	[sflag:s13] =	ssyncadd.s32 @!p1 $0xFFFFFF80  }
0xcb: {  	[tilespmem:s14], [sflag:$0x6] =	stream.linear.gather @!p1 [hbm4b:s15+s12], $0x80, $0x38;
	[tilespmem:$0x1FB80] =	vst v63  }
0xcc: {  	_ =	swait.ge @!p1 [sflag:s13], $0x80  }
0xcd: {  	[sflag:s13] =	ssyncset.done @!p1 $0x0  }
0xce: {  	s16 =	simm.s32 @!p1 $0x300;
	s15 =	simm.s32 @!p1 $0x80;
	[sflag:s13] =	ssyncadd.s32 @!p1 $0xFFFFFF80  }
0xcf: {  	[tilespmem:s16], [sflag:$0x4] =	stream.indirect.gather @!p1 [hbm4b:s3+s15], $0x80, s12, s15, $0xb8;
	[tilespmem:$0x1FB80] =	vst v63  }
0xd0: {  	s12 =	simm.s32 @!p1 $0x4  }
0xd1: {  	_ =	swait.ge @!p1 [sflag:s12], $0x4000  }
0xd2: {  	[sflag:s12] =	ssyncset.done @!p1 $0x0  }
0xd3: {  	[sflag:s12] =	ssyncadd.s32 @!p1 $0xFFFFC000  }
0xd4: {  	[spmem:s1] =	stream.indirect.scatter.add.f32 @!p1 [tilespmem:s16], [sflag:$0x6], $0x80, s14, s15, $0xb8;
	[tilespmem:$0x1FB80] =	vst v63  }
0xd5: {  	_ =	swait.ge @!p1 [sflag:s13], $0x4000  }
0xd6: {  	[sflag:s13] =	ssyncset.done @!p1 $0x0  }
0xd7: {  	[sflag:s13] =	ssyncadd.s32 @!p1 $0xFFFFC000  }
0xd8: {  	[bflag:$0x0] =	sbarrier.arrive $0xFFFF  }
0xd9: {  	[hbm:s17], [sflag:s6] =	dma.local [spmem:s10], $0x2700  }
0xda: {  	s9 =	sadd.s32 $0x1, s9;
	_ =	swait.ge [sflag:s22], $0x2700  }
0xdb: {  	p2 =	sne.s32 s9, s19;
	[sflag:s22] =	ssyncset.done $0x0  }
.Ltmp1:
0xdc: {  	s10 =	simm.s32 @!p0 $0x6;
	[sflag:s22] =	ssyncadd.s32 $0xFFFFD900;
	(pc) =	sbr.rel @p2 .LBB2_1-.Ltmp1, $4  }
0xdd: {  	[hbm:s18], [sflag:s6] =	dma.local @!p0 [spmem:s11], $0x100  }
0xde: {  	_ =	swait.ge @!p0 [sflag:s10], $0x100  }
0xdf: {  	[sflag:s10] =	ssyncset.done @!p0 $0x0  }
0xe0: {  	[sflag:s10] =	ssyncadd.s32 @!p0 $0xFFFFFF00  }
0xe1: {  	_ =	sfence.sel $0x180000  }
0xe2: {  	[bflag:$0x0] =	sbarrier.arrive $0xFFFF  }
0xe3: {  	_ =	strace $0x9000004D  }
0xe4: {  	[bflag:$0x2] =	sbarrier.arrive $0xFFFF  }
0xe5: {  	s0 =	rddreg [dreg:$0x2]  }
0xe6: {  	s0 =	sadd.s32 @!p0 $0x100000, s0  }
0xe7: {  	[sflag:s0] =	ssyncadd.tile.s32 @!p0 $0x1;
	_ =	shalt  }
.Lfunc_end2:
_tile_overlayer_lowered:
.L_overlay_start_2:
0xe8: {  	(tag) =	ssettag $0x2  }
0xe9: {  	s0 =	rddreg [dreg:$0x0];
	s2 =	stileid.u32  }
0xea: {  	s1 =	rddreg [dreg:$0x1];
	p0 =	sne.s32 s2, $0x0  }
0xeb: {  	s3 =	rddreg [dreg:$0x2];
	[bflag:$0x3] =	sbarrier.arrive $0xFFFF;
	s2 =	simm.s32 @!p0 $0x1C06  }
0xec: {  	[timem:s3], [sflag:s2] =	dma.local @!p0 [hbm:s0], s1  }
0xed: {  	s0 =	simm.s32 @!p0 $0x6  }
0xee: {  	_ =	swait.ge @!p0 [sflag:s0], s1  }
0xef: {  	s1 =	ssub.s32 @!p0 $0x0, s1;
	[sflag:s0] =	ssyncset.done @!p0 $0x0  }
0xf0: {  	[sflag:s0] =	ssyncadd.s32 @!p0 s1  }
0xf1: {  	[bflag:$0x3] =	sbarrier.arrive $0xFFFF  }
0xf2: {  	_ =	shalt  }

// kernel: kernel.8.cloned.1.call-start
scs
__scs_entry_jumppad:
0x0: {  	(pc) =	sbr.rel $0x88, $3  }
0x1: {  	(tag) =	ssettag $0x0;
	lr =	simm.s32 $0x1  }
0x2: {  	[smem:$0x3F85] =	sst lr;
	_ =	strace $0xD0000000  }
0x3: {  	_ = 	snop  }
0x4: {  	_ = 	snop  }
0x5: {  	_ = 	snop  }
0x6: {  	_ = 	snop  }
0x7: {  	_ = 	snop  }
__scs_overlays_trampoline_lowered:
0x8: {  	[smem:$0x3F94] =	sst s0  }
0x9: {  	[smem:$0x3F95] =	sst s1  }
0xa: {  	[smem:$0x3F96] =	sst s2  }
0xb: {  	[smem:$0x3F97] =	sst s3  }
0xc: {  	[smem:$0x3F98] =	sst s4  }
0xd: {  	[smem:$0x3F99] =	sst s5  }
0xe: {  	[smem:$0x3F9A] =	sst s6  }
0xf: {  	[smem:$0x3F9B] =	sst s7  }
0x10: {  	[smem:$0x3F9C] =	sst s8  }
0x11: {  	[smem:$0x3F9D] =	sst s9;
	s0 =	simm.s32 @!p0 $0x0  }
0x12: {  	s1 =	sld [smem:$0x3F83];
	s0 =	simm.s32 @p0 $0x1  }
0x13: {  	[smem:$0x3F9E] =	sst s0;
	s0 =	simm.s32 @!p1 $0x0  }
0x14: {  	s2 =	sld [smem:$0x3F82];
	s0 =	simm.s32 @p1 $0x1  }
0x15: {  	[smem:$0x3F9F] =	sst s0;
	s0 =	simm.s32 @!p2 $0x0  }
0x16: {  	s3 =	sld [smem:$0x3FDB];
	s0 =	simm.s32 @p2 $0x1  }
0x17: {  	s4 =	simm.s32 $0x1BF5;
	[smem:$0x3FA1] =	sst s0  }
0x18: {  	s0 =	sld [smem:$0x3F84];
	_ =	swait.ge [sflag:s4], $0x0  }
0x19: {  	s7 =	sld [smem:$0x3F85]  }
0x1a: {  	s8 =	sadd.s32 $0xFFFFE003, lr  }
0x1b: {  	s9 =	sadd.s32 $0xFFFFFEF7, lr;
	s5 =	simm.s32 $0xFFFFFFFF;
	p2 =	slt.u32 s8, $0xFFFFF086  }
0x1c: {  	p1 =	slt.u32 s9, $0xF7A;
	s5 =	simm.s32 @!p2 $0x0  }
0x1d: {  	s5 =	simm.s32 @p1 $0x1;
	p0 =	seq.s32 s7, s2  }
0x1e: {  	s7 =	smul.u32 @!p0 $0xF7A, s2;
	p2 =	seq.s32 @!p0 s5, $0x0  }
0x1f: {  	s9 =	smul.u32 $0xF7A, s1;
	s8 =	simm.s32 @!p0 $0x1BF5;
	p2 =	por !p2, p0  }
0x20: {  	[sflag:s8] =	ssyncset.s32 @!p0 $0xFFFFF086;
	s6 =	sadd.s32 @!p0 s3, s7;
	s7 =	simm.s32 @!p0 $0x108  }
0x21: {  	s3 =	sadd.s32 s3, s9;
	s6 =	sadd.s32 @!p0 $0x88, s6;
	s7 =	simm.s32 @p2 $0x1082  }
0x22: {  	[simem:s7], [sflag:s8] =	dma.local @!p0 [hbm:s6], $0xF7A  }
0x23: {  	s9 =	sor.u32 $0xD0000000, s2;
	s6 =	simm.s32 $0x108;
	_ =	swait.ge @!p0 [sflag:s8], $0x0  }
0x24: {  	s3 =	sadd.s32 $0x88, s3;
	s6 =	simm.s32 @!p1 $0x1082;
	[sflag:s4] =	ssyncset.s32 $0xFFFFF086  }
0x25: {  	[simem:s6], [sflag:s4] =	dma.local [hbm:s3], $0xF7A  }
0x26: {  	[smem:$0x3F85] =	sst s1;
	(tag) =	ssettag s2;
	_ =	strace s9  }
0x27: {  	s1 =	sld [smem:$0x3F95]  }
0x28: {  	s2 =	sld [smem:$0x3F96]  }
0x29: {  	s4 =	sld [smem:$0x3F98]  }
0x2a: {  	p0 =	seq.s32 s5, $0x0;
	s5 =	sld [smem:$0x3F99]  }
0x2b: {  	s6 =	sld [smem:$0x3F9A]  }
0x2c: {  	s7 =	sld [smem:$0x3F9B]  }
0x2d: {  	s3 =	simm.s32 $0x108;
	s8 =	sld [smem:$0x3F9C]  }
0x2e: {  	s3 =	simm.s32 @!p0 $0x1082;
	s9 =	sld [smem:$0x3F9D]  }
0x2f: {  	lr =	sadd.s32 s0, s3;
	s0 =	sld [smem:$0x3F94]  }
0x30: {  	s3 =	sld [smem:$0x3F97]  }
0x31: {  	[smem:$0x3FA0] =	sst s10  }
0x32: {  	s10 =	sld [smem:$0x3F9E];
	_ =	sdelay $0x3  }
0x33: {  	p0 =	seq.s32 s10, $0x1;
	s10 =	sld [smem:$0x3FA0];
	_ =	sdelay $0x3  }
0x34: {  	[smem:$0x3FA0] =	sst s10  }
0x35: {  	s10 =	sld [smem:$0x3F9F];
	_ =	sdelay $0x3  }
0x36: {  	p1 =	seq.s32 s10, $0x1;
	s10 =	sld [smem:$0x3FA0];
	_ =	sdelay $0x3  }
0x37: {  	[smem:$0x3FA0] =	sst s10  }
0x38: {  	s10 =	sld [smem:$0x3FA1]  }
0x39: {  	_ = 	snop;
	(pc) =	sbr.ind lr, $3  }
0x3a: {  	_ = 	snop  }
0x3b: {  	_ = 	snop  }
0x3c: {  	p2 =	seq.s32 s10, $0x1;
	s10 =	sld [smem:$0x3FA0]  }
0x3d: {  	_ =	shalt  }
0x3e: {  	_ =	shalt  }
0x3f: {  	_ =	shalt  }
0x40: {  	_ =	shalt  }
0x41: {  	_ =	shalt  }
0x42: {  	_ =	shalt  }
0x43: {  	_ =	shalt  }
0x44: {  	_ =	shalt  }
0x45: {  	_ =	shalt  }
0x46: {  	_ =	shalt  }
0x47: {  	_ =	shalt  }
0x48: {  	_ =	shalt  }
0x49: {  	_ =	shalt  }
0x4a: {  	_ =	shalt  }
0x4b: {  	_ =	shalt  }
0x4c: {  	_ =	shalt  }
0x4d: {  	_ =	shalt  }
0x4e: {  	_ =	shalt  }
0x4f: {  	_ =	shalt  }
0x50: {  	_ =	shalt  }
0x51: {  	_ =	shalt  }
0x52: {  	_ =	shalt  }
0x53: {  	_ =	shalt  }
0x54: {  	_ =	shalt  }
0x55: {  	_ =	shalt  }
0x56: {  	_ =	shalt  }
0x57: {  	_ =	shalt  }
0x58: {  	_ =	shalt  }
0x59: {  	_ =	shalt  }
0x5a: {  	_ =	shalt  }
0x5b: {  	_ =	shalt  }
0x5c: {  	_ =	shalt  }
0x5d: {  	_ =	shalt  }
0x5e: {  	_ =	shalt  }
0x5f: {  	_ =	shalt  }
0x60: {  	_ =	shalt  }
0x61: {  	_ =	shalt  }
0x62: {  	_ =	shalt  }
0x63: {  	_ =	shalt  }
0x64: {  	_ =	shalt  }
0x65: {  	_ =	shalt  }
0x66: {  	_ =	shalt  }
0x67: {  	_ =	shalt  }
0x68: {  	_ =	shalt  }
0x69: {  	_ =	shalt  }
0x6a: {  	_ =	shalt  }
0x6b: {  	_ =	shalt  }
0x6c: {  	_ =	shalt  }
0x6d: {  	_ =	shalt  }
0x6e: {  	_ =	shalt  }
0x6f: {  	_ =	shalt  }
0x70: {  	_ =	shalt  }
0x71: {  	_ =	shalt  }
0x72: {  	_ =	shalt  }
0x73: {  	_ =	shalt  }
0x74: {  	_ =	shalt  }
0x75: {  	_ =	shalt  }
0x76: {  	_ =	shalt  }
0x77: {  	_ =	shalt  }
0x78: {  	_ =	shalt  }
0x79: {  	_ =	shalt  }
0x7a: {  	_ =	shalt  }
0x7b: {  	_ =	shalt  }
0x7c: {  	_ =	shalt  }
0x7d: {  	_ =	shalt  }
0x7e: {  	_ =	shalt  }
0x7f: {  	_ =	shalt  }
0x80: {  	_ =	shalt  }
0x81: {  	_ =	shalt  }
0x82: {  	_ =	shalt  }
0x83: {  	_ =	shalt  }
0x84: {  	_ =	shalt  }
0x85: {  	_ =	shalt  }
0x86: {  	_ =	shalt  }
0x87: {  	_ =	shalt  }
.Lfunc_end0:
.L_simem_size_0:
called_computation_lowered:
.L_overlay_start_0:
0x88: {  	s2 =	sld [smem:$0x3FD9]  }
0x89: {  	s3 =	sld [smem:$0x3FFE];
	_ =	sdelay $0x1  }
0x8a: {  	s1 =	srdreg.scid  }
0x8b: {  	s0 =	sand.u32 $0x1, s1  }
0x8c: {  	s17 =	sshll.u32 s0, $0xA;
	s2 =	sadd.s32 s3, s2  }
0x8d: {  	s2 =	sadd.s32 s2, s17  }
0x8e: {  	[smem:$0x3FAC] =	sst s2  }
0x8f: {  	_ = 	snop  }
0x90: {  	s2 =	sld [smem:$0x3FC9];
	(tm) =	ssettm $0x1  }
0x91: {  	s18 =	sld [smem:$0x3FFB];
	_ =	sdelay $0x3  }
0x92: {  	_ =	strace s18  }
0x93: {  	s3 =	sld [smem:$0x3FFC];
	_ =	sdelay $0x3  }
0x94: {  	_ =	strace s3  }
0x95: {  	s3 =	sld [smem:$0x3FFD];
	_ =	sdelay $0x3  }
0x96: {  	_ =	strace s3  }
0x97: {  	_ =	strace $0x8FFFFFFF  }
0x98: {  	s19 =	sld [smem:$0x3FDB];
	_ =	sdelay $0x1  }
0x99: {  	s4 =	simm.s32 $_scs_section_size  }
0x9a: {  	s5 =	simm.s32 $_size__tile_overlayer_lowered;
	s6 =	simm.s32 $_tile_overlayer_lowered  }
0x9b: {  	s22 =	simm.s32 $0x1BFF;
	s21 =	sshll.u32 s6, $0x1;
	s3 =	sadd.s32 s4, s19  }
0x9c: {  	s7 =	simm.s32 $0x0;
	s20 =	sshll.u32 s5, $0x1;
	s5 =	sadd.s32 s21, s3  }
0x9d: {  	[timem:s7], [sflag:s22] =	dma.local [hbm:s5], s20  }
0x9e: {  	_ =	swait.ge [sflag:s22], s20  }
0x9f: {  	s4 =	ssub.s32 $0x0, s20;
	[sflag:s22] =	ssyncset.done $0x0  }
0xa0: {  	[sflag:s22] =	ssyncadd.s32 s4;
	_ =	sdelay $0x1  }
0xa1: {  	s23 =	simm.s32 $0x1B8B  }
0xa2: {  	_ =	swait.ge [sflag:s23], $0x1  }
0xa3: {  	[sflag:s23] =	ssyncset.done $0x0  }
0xa4: {  	s25 =	simm.s32 $0x1B8E;
	s24 =	sld [smem:$0x3FFE];
	[sflag:s23] =	ssyncadd.s32 $0xFFFFFFFF  }
0xa5: {  	s26 =	simm.s32 $execute0_lowered;
	[smem:$0x3FD2] =	sst s25  }
0xa6: {  	s5 =	sshll.u32 s26, $0x1;
	_ =	strace $0x80000046;
	[dreg:$0x1] =	wrdreg $0xFFFFFFFF  }
0xa7: {  	s28 =	simm.s32 $_size_execute0_lowered;
	s3 =	sadd.s32 s3, s5;
	[dreg:$0x0] =	wrdreg $0x0  }
0xa8: {  	s5 =	sshll.u32 s28, $0x1;
	[dreg:$0x2] =	wrdreg s3  }
0xa9: {  	[dreg:$0x3] =	wrdreg s5  }
0xaa: {  	[dreg:$0x4] =	wrdreg $0xC0  }
0xab: {  	_ =	task [dreg:s7], $0x5FFFF  }
0xac: {  	[dreg:$0x1] =	wrdreg $0xFFFFFFFF  }
0xad: {  	[dreg:$0x0] =	wrdreg $0x60  }
0xae: {  	[dreg:$0x2] =	wrdreg s2  }
0xaf: {  	[dreg:$0x3] =	wrdreg s24  }
0xb0: {  	[dreg:$0x4] =	wrdreg $0xC3000  }
0xb1: {  	[dreg:$0x5] =	wrdreg $0x9  }
0xb2: {  	_ =	task.clear_ibuf [dreg:s7], $0x6FFFF;
	_ =	strace $0x90000046  }
0xb3: {  	s29 =	simm.s32 $0x9;
	_ =	strace $0x80000048  }
0xb4: {  	_ =	swait.ge [sflag:s29], $0x1  }
0xb5: {  	[sflag:s29] =	ssyncadd.s32 $0xFFFFFFFF  }
0xb6: {  	_ =	strace $0x90000048  }
0xb7: {  	_ =	sfence  }
0xb8: {  	s30 =	sld [smem:$0x0];
	_ =	sdelay $0x2  }
0xb9: {  	s31 =	sshll.u32 s1, $0xD;
	s1 =	sshrl.u32 s1, $0x2  }
0xba: {  	s3 =	sand.u32 $0x4000, s31;
	s1 =	sadd.s32 s1, s30  }
0xbb: {  	s0 =	sor.u32 s3, s0;
	s1 =	sshll.u32 s1, $0x11  }
0xbc: {  	s0 =	sor.u32 s1, s0  }
0xbd: {  	s0 =	sadd.s32 $0x8F2B, s0  }
0xbe: {  	[sflag:s0] =	ssyncadd.remote.s32 $0x1  }
0xbf: {  	_ =	sfence.sel $0xFFFF  }
0xc0: {  	[dreg:$0x0] =	wrdreg $0xFFFFFFFF;
	(pc) =	sbr.abs _section_cstart, $3  }
0xc1: {  	[dreg:$0x1] =	wrdreg $0xFFFFFFFF  }
0xc2: {  	_ =	task.clear_ibuf [dreg:s7], $0x2FFFF;
	_ =	strace $0x9FFFFFFF  }
0xc3: {  	(tm) =	ssettm $0x7FFFFFFF  }
tec
execute0_lowered:
.L_overlay_start_1:
0x0: {  	(tag) =	ssettag $0x1  }
0x1: {  	s1 =	rddreg [dreg:$0x0]  }
0x2: {  	s0 =	rddreg [dreg:$0x1]  }
0x3: {  	s2 =	rddreg [dreg:$0x2]  }
0x4: {  	s3 =	simm.s32 $0x0;
	s4 =	stileid.u32;
	s6 =	srdreg.scid  }
0x5: {  	s28 =	simm.s32 $0x280;
	s29 =	simm.s32 $0x1;
	s30 =	simm.s32 $0x300  }
0x6: {  	s31 =	simm.s32 $0x2;
	[smem:$0x7FF] =	sst s3;
	s5 =	smul.u32 $0x13800, s4  }
0x7: {  	s7 =	sadd.s32 $0xE600, s0;
	s8 =	sand.u32 $0x1, s6;
	s24 =	smul.u32 $0x4E000, s4  }
0x8: {  	s9 =	sadd.s32 $0x4800, s0;
	s17 =	sadd.s32 $0x3F600, s0;
	s25 =	sshll.u32 s4, $0x6  }
0x9: {  	s13 =	sadd.s32 $0x138000, s2;
	p0 =	sne.s32 s4, $0x0;
	p1 =	sgt.u32 s4, $0x1  }
0xa: {  	_ =	strace $0x80000047;
	s11 =	ssub.s32 $0x2, s8;
	s21 =	sshll.u32 s8, $0x4  }
0xb: {  	[dreg:$0x6] =	wrdreg s13;
	s8 =	smul.u32 $0x138800, s8;
	s10 =	sshrl.u32 s5, $0x3  }
0xc: {  	s12 =	sshrl.u32 s11, $0x1;
	s6 =	sshrl.u32 s24, $0x2;
	s10 =	sadd.s32 s10, s0  }
0xd: {  	s11 =	ssub.s32 s11, s12;
	s6 =	sadd.s32 s6, s2;
	s12 =	sshll.u32 s4, $0x5  }
0xe: {  	s0 =	sadd.s32 $0x3F400, s0;
	s5 =	sadd.s32 s5, s8;
	s8 =	sshrl.u32 s8, $0x3  }
0xf: {  	s4 =	simm.s32 $0x3;
	[dreg:$0x4] =	wrdreg s6;
	s10 =	sadd.s32 $0x18400, s10  }
0x10: {  	s6 =	sor.u32 $0x1C06, s25;
	s26 =	sor.u32 s21, s12;
	[dreg:$0x7] =	wrdreg s0  }
0x11: {  	s23 =	sshrl.u32 s5, $0x3;
	s24 =	sadd.s32 s17, s8;
	s25 =	sadd.s32 s12, s9  }
0x12: {  	s5 =	simm.s32 $0x8300;
	s8 =	simm.s32 $0x5;
	[dreg:$0x5] =	wrdreg s10  }
0x13: {  	s14 =	sor.u32 $0x200, s26;
	s15 =	sadd.s32 s7, s26;
	s16 =	sadd.s32 s9, s26  }
0x14: {  	s19 =	sor.u32 $0x400, s26;
	s22 =	sor.u32 $0x9C00, s26;
	[dreg:$0x8] =	wrdreg s15  }
0x15: {  	s17 =	sadd.s32 s17, s23;
	[dreg:$0x9] =	wrdreg s16;
	s18 =	sadd.s32 s7, s14  }
0x16: {  	s26 =	sadd.s32 s12, s7;
	s0 =	sadd.s32 s9, s14;
	[dreg:$0xa] =	wrdreg s18  }
0x17: {  	s23 =	simm.s32 $0x180;
	s20 =	sadd.s32 s7, s19;
	[dreg:$0xb] =	wrdreg s0  }
0x18: {  	s10 =	sadd.s32 s7, s22;
	s7 =	simm.s32 $0x4;
	[dreg:$0xc] =	wrdreg s20  }
0x19: {  	s0 =	sadd.s32 s9, s19;
	[dreg:$0xe] =	wrdreg s10;
	s18 =	sadd.s32 $0x27000, s24  }
0x1a: {  	s19 =	smax.u32 s11, $0x1;
	s20 =	sadd.s32 s21, s25;
	s21 =	sadd.s32 s21, s26  }
0x1b: {  	s24 =	simm.s32 $0x80;
	s25 =	simm.s32 $0x200;
	s26 =	simm.s32 $0x100  }
0x1c: {  	[dreg:$0xd] =	wrdreg s0;
	s0 =	sadd.s32 s9, s22;
	s22 =	simm.s32 $0x6  }
0x1d: {  	s9 =	simm.s32 $0x0;
	[dreg:$0xf] =	wrdreg s0;
	s0 =	simm.s32 $0x4300  }
.LBB2_1:
0x1e: {  	s10 =	rddreg [dreg:$0x4]  }
0x1f: {  	s11 =	rddreg [dreg:$0x5];
	s10 =	sshrl.u32 s10, $0x3  }
0x20: {  	[spmem:s10], [sflag:s6] =	dma.local [hbm:s11], $0x2700  }
0x21: {  	_ =	swait.ge [sflag:s22], $0x2700  }
0x22: {  	[sflag:s22] =	ssyncset.done $0x0;
	s11 =	rddreg [dreg:$0x6]  }
0x23: {  	s12 =	rddreg [dreg:$0x7];
	[sflag:s22] =	ssyncadd.s32 $0xFFFFD900;
	s11 =	sshrl.u32 @!p0 s11, $0x3  }
0x24: {  	[spmem:s11], [sflag:s6] =	dma.local @!p0 [hbm:s12], $0x100  }
0x25: {  	s12 =	simm.s32 @!p0 $0x6  }
0x26: {  	_ =	swait.ge @!p0 [sflag:s12], $0x100  }
0x27: {  	[sflag:s12] =	ssyncset.done @!p0 $0x0  }
0x28: {  	[sflag:s12] =	ssyncadd.s32 @!p0 $0xFFFFFF00  }
0x29: {  	[bflag:$0x0] =	sbarrier.arrive $0xFFFF  }
0x2a: {  	s13 =	rddreg [dreg:$0x8]  }
0x2b: {  	[tilespmem:s3], [sflag:$0x1] =	stream.linear.gather [hbm4b:s13+s3], $0x80, $0x38;
	[tilespmem:$0x1FB80] =	vst v63  }
0x2c: {  	s14 =	rddreg [dreg:$0x9]  }
0x2d: {  	[tilespmem:s23], [sflag:$0x1] =	stream.linear.gather [hbm4b:s14+s3], $0x80, $0x38;
	[tilespmem:$0x1FB80] =	vst v63  }
0x2e: {  	s15 =	rddreg [dreg:$0xa]  }
0x2f: {  	[tilespmem:s24], [sflag:$0x2] =	stream.linear.gather [hbm4b:s15+s3], $0x80, $0x38;
	[tilespmem:$0x1FB80] =	vst v63  }
0x30: {  	s16 =	rddreg [dreg:$0xb]  }
0x31: {  	[tilespmem:s25], [sflag:$0x2] =	stream.linear.gather [hbm4b:s16+s3], $0x80, $0x38;
	[tilespmem:$0x1FB80] =	vst v63  }
0x32: {  	s13 =	rddreg [dreg:$0xc]  }
0x33: {  	[tilespmem:s26], [sflag:$0x3] =	stream.linear.gather [hbm4b:s13+s3], $0x80, $0x38;
	[tilespmem:$0x1FB80] =	vst v63  }
0x34: {  	s14 =	rddreg [dreg:$0xd]  }
0x35: {  	[tilespmem:s28], [sflag:$0x3] =	stream.linear.gather [hbm4b:s14+s3], $0x80, $0x38;
	[tilespmem:$0x1FB80] =	vst v63  }
0x36: {  	_ =	swait.ge [sflag:s29], $0x80  }
0x37: {  	[sflag:s29] =	ssyncset.done $0x0  }
0x38: {  	[sflag:s29] =	ssyncadd.s32 $0xFFFFFF80  }
0x39: {  	_ =	swait.ge [sflag:s29], $0x80  }
0x3a: {  	[sflag:s29] =	ssyncset.done $0x0  }
0x3b: {  	[sflag:s29] =	ssyncadd.s32 $0xFFFFFF80  }
0x3c: {  	[tilespmem:s30], [sflag:$0x4] =	stream.indirect.gather [hbm4b:s1+s24], $0x80, s3, s24, $0xb8;
	[tilespmem:$0x1FB80] =	vst v63  }
0x3d: {  	_ =	swait.ge [sflag:s31], $0x80  }
0x3e: {  	[sflag:s31] =	ssyncset.done $0x0  }
0x3f: {  	[sflag:s31] =	ssyncadd.s32 $0xFFFFFF80  }
0x40: {  	_ =	swait.ge [sflag:s31], $0x80  }
0x41: {  	[sflag:s31] =	ssyncset.done $0x0  }
0x42: {  	[sflag:s31] =	ssyncadd.s32 $0xFFFFFF80  }
0x43: {  	[tilespmem:s0], [sflag:$0x4] =	stream.indirect.gather [hbm4b:s1+s24], $0x80, s24, s24, $0xb8;
	[tilespmem:$0x1FB80] =	vst v63  }
0x44: {  	_ =	swait.ge [sflag:s4], $0x80  }
0x45: {  	[sflag:s4] =	ssyncset.done $0x0  }
0x46: {  	[sflag:s4] =	ssyncadd.s32 $0xFFFFFF80  }
0x47: {  	_ =	swait.ge [sflag:s4], $0x80  }
0x48: {  	[sflag:s4] =	ssyncset.done $0x0  }
0x49: {  	[sflag:s4] =	ssyncadd.s32 $0xFFFFFF80  }
0x4a: {  	[tilespmem:s5], [sflag:$0x4] =	stream.indirect.gather [hbm4b:s1+s24], $0x80, s26, s24, $0xb8;
	[tilespmem:$0x1FB80] =	vst v63  }
0x4b: {  	_ =	swait.ge [sflag:s7], $0x4000  }
0x4c: {  	[sflag:s7] =	ssyncset.done $0x0  }
0x4d: {  	[sflag:s7] =	ssyncadd.s32 $0xFFFFC000  }
0x4e: {  	[spmem:s2] =	stream.indirect.scatter.add.f32 [tilespmem:s30], [sflag:$0x5], $0x80, s23, s24, $0xb8;
	[tilespmem:$0x1FB80] =	vst v63  }
0x4f: {  	_ =	swait.ge [sflag:s7], $0x4000  }
0x50: {  	[sflag:s7] =	ssyncset.done $0x0  }
0x51: {  	[sflag:s7] =	ssyncadd.s32 $0xFFFFC000  }
0x52: {  	[spmem:s2] =	stream.indirect.scatter.add.f32 [tilespmem:s0], [sflag:$0x5], $0x80, s25, s24, $0xb8;
	[tilespmem:$0x1FB80] =	vst v63  }
0x53: {  	_ =	swait.ge [sflag:s7], $0x4000  }
0x54: {  	[sflag:s7] =	ssyncset.done $0x0  }
0x55: {  	[sflag:s7] =	ssyncadd.s32 $0xFFFFC000  }
0x56: {  	[spmem:s2] =	stream.indirect.scatter.add.f32 [tilespmem:s5], [sflag:$0x5], $0x80, s28, s24, $0xb8;
	[tilespmem:$0x1FB80] =	vst v63  }
0x57: {  	_ =	swait.ge [sflag:s8], $0x4000  }
0x58: {  	s12 =	sadd.s32 $0x0, s21;
	[sflag:s8] =	ssyncset.done $0x0  }
0x59: {  	s13 =	sadd.s32 $0x600, s12;
	s14 =	sadd.s32 $0x0, s20;
	[sflag:s8] =	ssyncadd.s32 $0xFFFFC000  }
0x5a: {  	[tilespmem:s3], [sflag:$0x1] =	stream.linear.gather [hbm4b:s13+s3], $0x80, $0x38;
	[tilespmem:$0x1FB80] =	vst v63  }
0x5b: {  	s15 =	sadd.s32 $0x600, s14  }
0x5c: {  	[tilespmem:s23], [sflag:$0x1] =	stream.linear.gather [hbm4b:s15+s3], $0x80, $0x38;
	[tilespmem:$0x1FB80] =	vst v63  }
0x5d: {  	_ =	swait.ge [sflag:s8], $0x4000  }
0x5e: {  	[sflag:s8] =	ssyncset.done $0x0  }
0x5f: {  	s16 =	sadd.s32 $0x800, s12;
	[sflag:s8] =	ssyncadd.s32 $0xFFFFC000  }
0x60: {  	[tilespmem:s24], [sflag:$0x2] =	stream.linear.gather [hbm4b:s16+s3], $0x80, $0x38;
	[tilespmem:$0x1FB80] =	vst v63  }
0x61: {  	s15 =	sadd.s32 $0x800, s14  }
0x62: {  	[tilespmem:s25], [sflag:$0x2] =	stream.linear.gather [hbm4b:s15+s3], $0x80, $0x38;
	[tilespmem:$0x1FB80] =	vst v63  }
0x63: {  	_ =	swait.ge [sflag:s8], $0x4000  }
0x64: {  	[sflag:s8] =	ssyncset.done $0x0  }
0x65: {  	s12 =	sadd.s32 $0xA00, s12;
	[sflag:s8] =	ssyncadd.s32 $0xFFFFC000  }
0x66: {  	[tilespmem:s26], [sflag:$0x3] =	stream.linear.gather [hbm4b:s12+s3], $0x80, $0x38;
	[tilespmem:$0x1FB80] =	vst v63  }
0x67: {  	s16 =	sadd.s32 $0xA00, s14  }
0x68: {  	[tilespmem:s28], [sflag:$0x3] =	stream.linear.gather [hbm4b:s16+s3], $0x80, $0x38;
	[tilespmem:$0x1FB80] =	vst v63  }
0x69: {  	_ =	swait.ge [sflag:s29], $0x80  }
0x6a: {  	[sflag:s29] =	ssyncset.done $0x0  }
0x6b: {  	[sflag:s29] =	ssyncadd.s32 $0xFFFFFF80  }
0x6c: {  	_ =	swait.ge [sflag:s29], $0x80  }
0x6d: {  	[sflag:s29] =	ssyncset.done $0x0  }
0x6e: {  	[sflag:s29] =	ssyncadd.s32 $0xFFFFFF80  }
0x6f: {  	[tilespmem:s30], [sflag:$0x4] =	stream.indirect.gather [hbm4b:s1+s24], $0x80, s3, s24, $0xb8;
	[tilespmem:$0x1FB80] =	vst v63  }
0x70: {  	_ =	swait.ge [sflag:s31], $0x80  }
0x71: {  	[sflag:s31] =	ssyncset.done $0x0  }
0x72: {  	[sflag:s31] =	ssyncadd.s32 $0xFFFFFF80  }
0x73: {  	_ =	swait.ge [sflag:s31], $0x80  }
0x74: {  	[sflag:s31] =	ssyncset.done $0x0  }
0x75: {  	[sflag:s31] =	ssyncadd.s32 $0xFFFFFF80  }
0x76: {  	[tilespmem:s0], [sflag:$0x4] =	stream.indirect.gather [hbm4b:s1+s24], $0x80, s24, s24, $0xb8;
	[tilespmem:$0x1FB80] =	vst v63  }
0x77: {  	_ =	swait.ge [sflag:s4], $0x80  }
0x78: {  	[sflag:s4] =	ssyncset.done $0x0  }
0x79: {  	[sflag:s4] =	ssyncadd.s32 $0xFFFFFF80  }
0x7a: {  	_ =	swait.ge [sflag:s4], $0x80  }
0x7b: {  	[sflag:s4] =	ssyncset.done $0x0  }
0x7c: {  	[sflag:s4] =	ssyncadd.s32 $0xFFFFFF80  }
0x7d: {  	[tilespmem:s5], [sflag:$0x4] =	stream.indirect.gather [hbm4b:s1+s24], $0x80, s26, s24, $0xb8;
	[tilespmem:$0x1FB80] =	vst v63  }
0x7e: {  	_ =	swait.ge [sflag:s7], $0x4000  }
0x7f: {  	[sflag:s7] =	ssyncset.done $0x0  }
0x80: {  	[sflag:s7] =	ssyncadd.s32 $0xFFFFC000  }
0x81: {  	[spmem:s2] =	stream.indirect.scatter.add.f32 [tilespmem:s30], [sflag:$0x5], $0x80, s23, s24, $0xb8;
	[tilespmem:$0x1FB80] =	vst v63  }
0x82: {  	_ =	swait.ge [sflag:s7], $0x4000  }
0x83: {  	[sflag:s7] =	ssyncset.done $0x0  }
0x84: {  	[sflag:s7] =	ssyncadd.s32 $0xFFFFC000  }
0x85: {  	[spmem:s2] =	stream.indirect.scatter.add.f32 [tilespmem:s0], [sflag:$0x5], $0x80, s25, s24, $0xb8;
	[tilespmem:$0x1FB80] =	vst v63  }
0x86: {  	_ =	swait.ge [sflag:s7], $0x4000  }
0x87: {  	[sflag:s7] =	ssyncset.done $0x0  }
0x88: {  	s12 =	simm.s32 $0x600;
	[sflag:s7] =	ssyncadd.s32 $0xFFFFC000  }
.LBB2_2:
0x89: {  	[spmem:s2] =	stream.indirect.scatter.add.f32 [tilespmem:s5], [sflag:$0x5], $0x80, s28, s24, $0xb8;
	[tilespmem:$0x1FB80] =	vst v63  }
0x8a: {  	s13 =	smov.u32 s12  }
0x8b: {  	p2 =	sne.s32 s12, $0x9000;
	s12 =	sadd.s32 $0x600, s12;
	_ =	swait.ge [sflag:s8], $0x4000  }
0x8c: {  	s14 =	sadd.s32 s13, s21;
	[sflag:s8] =	ssyncset.done $0x0  }
0x8d: {  	s13 =	sadd.s32 s13, s20;
	s15 =	sadd.s32 $0x600, s14;
	[sflag:s8] =	ssyncadd.s32 $0xFFFFC000  }
0x8e: {  	[tilespmem:s3], [sflag:$0x1] =	stream.linear.gather [hbm4b:s15+s3], $0x80, $0x38;
	[tilespmem:$0x1FB80] =	vst v63  }
0x8f: {  	s15 =	sadd.s32 $0x600, s13  }
0x90: {  	[tilespmem:s23], [sflag:$0x1] =	stream.linear.gather [hbm4b:s15+s3], $0x80, $0x38;
	[tilespmem:$0x1FB80] =	vst v63  }
0x91: {  	_ =	swait.ge [sflag:s8], $0x4000  }
0x92: {  	[sflag:s8] =	ssyncset.done $0x0  }
0x93: {  	s15 =	sadd.s32 $0x800, s14;
	[sflag:s8] =	ssyncadd.s32 $0xFFFFC000  }
0x94: {  	[tilespmem:s24], [sflag:$0x2] =	stream.linear.gather [hbm4b:s15+s3], $0x80, $0x38;
	[tilespmem:$0x1FB80] =	vst v63  }
0x95: {  	s15 =	sadd.s32 $0x800, s13  }
0x96: {  	[tilespmem:s25], [sflag:$0x2] =	stream.linear.gather [hbm4b:s15+s3], $0x80, $0x38;
	[tilespmem:$0x1FB80] =	vst v63  }
0x97: {  	_ =	swait.ge [sflag:s8], $0x4000  }
0x98: {  	[sflag:s8] =	ssyncset.done $0x0  }
0x99: {  	s14 =	sadd.s32 $0xA00, s14;
	[sflag:s8] =	ssyncadd.s32 $0xFFFFC000  }
0x9a: {  	[tilespmem:s26], [sflag:$0x3] =	stream.linear.gather [hbm4b:s14+s3], $0x80, $0x38;
	[tilespmem:$0x1FB80] =	vst v63  }
0x9b: {  	s13 =	sadd.s32 $0xA00, s13  }
0x9c: {  	[tilespmem:s28], [sflag:$0x3] =	stream.linear.gather [hbm4b:s13+s3], $0x80, $0x38;
	[tilespmem:$0x1FB80] =	vst v63  }
0x9d: {  	_ =	swait.ge [sflag:s29], $0x80  }
0x9e: {  	[sflag:s29] =	ssyncset.done $0x0  }
0x9f: {  	[sflag:s29] =	ssyncadd.s32 $0xFFFFFF80  }
0xa0: {  	_ =	swait.ge [sflag:s29], $0x80  }
0xa1: {  	[sflag:s29] =	ssyncset.done $0x0  }
0xa2: {  	[sflag:s29] =	ssyncadd.s32 $0xFFFFFF80  }
0xa3: {  	[tilespmem:s30], [sflag:$0x4] =	stream.indirect.gather [hbm4b:s1+s24], $0x80, s3, s24, $0xb8;
	[tilespmem:$0x1FB80] =	vst v63  }
0xa4: {  	_ =	swait.ge [sflag:s31], $0x80  }
0xa5: {  	[sflag:s31] =	ssyncset.done $0x0  }
0xa6: {  	[sflag:s31] =	ssyncadd.s32 $0xFFFFFF80  }
0xa7: {  	_ =	swait.ge [sflag:s31], $0x80  }
0xa8: {  	[sflag:s31] =	ssyncset.done $0x0  }
0xa9: {  	[sflag:s31] =	ssyncadd.s32 $0xFFFFFF80  }
0xaa: {  	[tilespmem:s0], [sflag:$0x4] =	stream.indirect.gather [hbm4b:s1+s24], $0x80, s24, s24, $0xb8;
	[tilespmem:$0x1FB80] =	vst v63  }
0xab: {  	_ =	swait.ge [sflag:s4], $0x80  }
0xac: {  	[sflag:s4] =	ssyncset.done $0x0  }
0xad: {  	[sflag:s4] =	ssyncadd.s32 $0xFFFFFF80  }
0xae: {  	_ =	swait.ge [sflag:s4], $0x80  }
0xaf: {  	[sflag:s4] =	ssyncset.done $0x0  }
0xb0: {  	[sflag:s4] =	ssyncadd.s32 $0xFFFFFF80  }
0xb1: {  	[tilespmem:s5], [sflag:$0x4] =	stream.indirect.gather [hbm4b:s1+s24], $0x80, s26, s24, $0xb8;
	[tilespmem:$0x1FB80] =	vst v63  }
0xb2: {  	_ =	swait.ge [sflag:s7], $0x4000  }
0xb3: {  	[sflag:s7] =	ssyncset.done $0x0  }
0xb4: {  	[sflag:s7] =	ssyncadd.s32 $0xFFFFC000  }
0xb5: {  	[spmem:s2] =	stream.indirect.scatter.add.f32 [tilespmem:s30], [sflag:$0x5], $0x80, s23, s24, $0xb8;
	[tilespmem:$0x1FB80] =	vst v63  }
0xb6: {  	_ =	swait.ge [sflag:s7], $0x4000  }
0xb7: {  	[sflag:s7] =	ssyncset.done $0x0  }
.Ltmp0:
0xb8: {  	[sflag:s7] =	ssyncadd.s32 $0xFFFFC000;
	(pc) =	sbr.rel @p2 .LBB2_2-.Ltmp0, $4  }
0xb9: {  	[spmem:s2] =	stream.indirect.scatter.add.f32 [tilespmem:s0], [sflag:$0x5], $0x80, s25, s24, $0xb8;
	[tilespmem:$0x1FB80] =	vst v63  }
0xba: {  	_ =	swait.ge [sflag:s7], $0x4000  }
0xbb: {  	[sflag:s7] =	ssyncset.done $0x0  }
0xbc: {  	[sflag:s7] =	ssyncadd.s32 $0xFFFFC000  }
0xbd: {  	[spmem:s2] =	stream.indirect.scatter.add.f32 [tilespmem:s5], [sflag:$0x5], $0x80, s28, s24, $0xb8;
	[tilespmem:$0x1FB80] =	vst v63  }
0xbe: {  	_ =	swait.ge [sflag:s8], $0x4000  }
0xbf: {  	[sflag:s8] =	ssyncset.done $0x0  }
0xc0: {  	[sflag:s8] =	ssyncadd.s32 $0xFFFFC000  }
0xc1: {  	_ =	swait.ge [sflag:s8], $0x4000  }
0xc2: {  	[sflag:s8] =	ssyncset.done $0x0  }
0xc3: {  	[sflag:s8] =	ssyncadd.s32 $0xFFFFC000  }
0xc4: {  	_ =	swait.ge [sflag:s8], $0x4000  }
0xc5: {  	[sflag:s8] =	ssyncset.done $0x0  }
0xc6: {  	s12 =	simm.s32 @!p1 $0x0;
	s13 =	rddreg [dreg:$0xe];
	[sflag:s8] =	ssyncadd.s32 $0xFFFFC000  }
0xc7: {  	[tilespmem:s12], [sflag:$0x6] =	stream.linear.gather @!p1 [hbm4b:s13+s12], $0x80, $0x38;
	[tilespmem:$0x1FB80] =	vst v63  }
0xc8: {  	s13 =	simm.s32 @!p1 $0x6  }
0xc9: {  	_ =	swait.ge @!p1 [sflag:s13], $0x80  }
0xca: {  	[sflag:s13] =	ssyncset.done @!p1 $0x0  }
0xcb: {  	s14 =	simm.s32 @!p1 $0x180;
	s15 =	rddreg [dreg:$0xf];
	[sflag:s13] =	ssyncadd.s32 @!p1 $0xFFFFFF80  }
0xcc: {  	[tilespmem:s14], [sflag:$0x6] =	stream.linear.gather @!p1 [hbm4b:s15+s12], $0x80, $0x38;
	[tilespmem:$0x1FB80] =	vst v63  }
0xcd: {  	_ =	swait.ge @!p1 [sflag:s13], $0x80  }
0xce: {  	[sflag:s13] =	ssyncset.done @!p1 $0x0  }
0xcf: {  	s16 =	simm.s32 @!p1 $0x300;
	s15 =	simm.s32 @!p1 $0x80;
	[sflag:s13] =	ssyncadd.s32 @!p1 $0xFFFFFF80  }
0xd0: {  	[tilespmem:s16], [sflag:$0x4] =	stream.indirect.gather @!p1 [hbm4b:s1+s15], $0x80, s12, s15, $0xb8;
	[tilespmem:$0x1FB80] =	vst v63  }
0xd1: {  	s12 =	simm.s32 @!p1 $0x4  }
0xd2: {  	_ =	swait.ge @!p1 [sflag:s12], $0x4000  }
0xd3: {  	[sflag:s12] =	ssyncset.done @!p1 $0x0  }
0xd4: {  	[sflag:s12] =	ssyncadd.s32 @!p1 $0xFFFFC000  }
0xd5: {  	[spmem:s2] =	stream.indirect.scatter.add.f32 @!p1 [tilespmem:s16], [sflag:$0x6], $0x80, s14, s15, $0xb8;
	[tilespmem:$0x1FB80] =	vst v63  }
0xd6: {  	_ =	swait.ge @!p1 [sflag:s13], $0x4000  }
0xd7: {  	[sflag:s13] =	ssyncset.done @!p1 $0x0  }
0xd8: {  	[sflag:s13] =	ssyncadd.s32 @!p1 $0xFFFFC000  }
0xd9: {  	[bflag:$0x0] =	sbarrier.arrive $0xFFFF  }
0xda: {  	[hbm:s17], [sflag:s6] =	dma.local [spmem:s10], $0x2700  }
0xdb: {  	s9 =	sadd.s32 $0x1, s9;
	_ =	swait.ge [sflag:s22], $0x2700  }
0xdc: {  	p2 =	sne.s32 s9, s19;
	[sflag:s22] =	ssyncset.done $0x0  }
.Ltmp1:
0xdd: {  	s10 =	simm.s32 @!p0 $0x6;
	[sflag:s22] =	ssyncadd.s32 $0xFFFFD900;
	(pc) =	sbr.rel @p2 .LBB2_1-.Ltmp1, $4  }
0xde: {  	[hbm:s18], [sflag:s6] =	dma.local @!p0 [spmem:s11], $0x100  }
0xdf: {  	_ =	swait.ge @!p0 [sflag:s10], $0x100  }
0xe0: {  	[sflag:s10] =	ssyncset.done @!p0 $0x0  }
0xe1: {  	[sflag:s10] =	ssyncadd.s32 @!p0 $0xFFFFFF00  }
0xe2: {  	_ =	sfence.sel $0x180000  }
0xe3: {  	[bflag:$0x0] =	sbarrier.arrive $0xFFFF  }
0xe4: {  	_ =	strace $0x90000047  }
0xe5: {  	[bflag:$0x2] =	sbarrier.arrive $0xFFFF  }
0xe6: {  	s0 =	rddreg [dreg:$0x3]  }
0xe7: {  	s0 =	sadd.s32 @!p0 $0x100000, s0  }
0xe8: {  	[sflag:s0] =	ssyncadd.tile.s32 @!p0 $0x1;
	_ =	shalt  }
.Lfunc_end2:
_tile_overlayer_lowered:
.L_overlay_start_2:
0xe9: {  	(tag) =	ssettag $0x2  }
0xea: {  	s0 =	rddreg [dreg:$0x0];
	s2 =	stileid.u32  }
0xeb: {  	s1 =	rddreg [dreg:$0x1];
	p0 =	sne.s32 s2, $0x0  }
0xec: {  	s3 =	rddreg [dreg:$0x2];
	[bflag:$0x3] =	sbarrier.arrive $0xFFFF;
	s2 =	simm.s32 @!p0 $0x1C06  }
0xed: {  	[timem:s3], [sflag:s2] =	dma.local @!p0 [hbm:s0], s1  }
0xee: {  	s0 =	simm.s32 @!p0 $0x6  }
0xef: {  	_ =	swait.ge @!p0 [sflag:s0], s1  }
0xf0: {  	s1 =	ssub.s32 @!p0 $0x0, s1;
	[sflag:s0] =	ssyncset.done @!p0 $0x0  }
0xf1: {  	[sflag:s0] =	ssyncadd.s32 @!p0 s1  }
0xf2: {  	[bflag:$0x3] =	sbarrier.arrive $0xFFFF  }
0xf3: {  	_ =	shalt  }

</sc_bundles>
